<compile_context>
chip_gen: v7x
topology: tpu7x:2x2x1
jax: 0.10.2.dev20260603
libtpu: 0.0.44.dev20260713+nightly
codegen_flags: <defaults>
</compile_context>

<pallas_src>
import functools

import jax
import jax.numpy as jnp
from jax import lax
from jax.experimental import pallas as pl
from jax.experimental.pallas import tpu as pltpu
from jax.experimental.pallas import tpu_sc as plsc

N = 10000
E = 160000
IN_DIM = 1433
HID = 64
OUTP = 7
D2 = 16
MIN_NORM = 1e-15
EPS = 1e-7
MAX_NORM = 1e6

NC = 2
NS = 16
NW = NC * NS
BATCH = 125
NB = E // BATCH
BPW = NB // NW
UNROLL = 2
NPAD = 10240
ROWS_PER_TILE = NPAD // NS



def _m0(a):
    return lax.broadcasted_iota(jnp.int32, a.shape, a.ndim - 1) == 0


def _col0(a):
    return a[:, 0:1]


def _rsum_rest(a, b):
    return jnp.sum(a * b, axis=-1, keepdims=True) - _col0(a) * _col0(b)


def _sinh_cosh(t):
    et = jnp.exp(t)
    inv = 1.0 / et
    sinh = 0.5 * (et - inv)
    cosh = 0.5 * (et + inv)
    return sinh, cosh


def _arcosh(z):
    return jnp.log(z + jnp.sqrt(jnp.maximum(z * z - 1.0, 1e-15)))


def _proj(xf):
    ysq = _rsum_rest(xf, xf)
    first = jnp.sqrt(jnp.maximum(1.0 + ysq, EPS))
    return jnp.where(_m0(xf), first, xf)


def _proj_tan(u, xf):
    ux = _rsum_rest(xf, u)
    first = ux / jnp.maximum(_col0(xf), EPS)
    return jnp.where(_m0(u), first, u)


def _expmap0(u):
    n2 = _rsum_rest(u, u)
    xn = jnp.maximum(jnp.sqrt(n2), MIN_NORM)
    sinh, cosh = _sinh_cosh(xn)
    rest = sinh * u / xn
    return jnp.where(_m0(u), cosh, rest)


def _logmap0(xf):
    yn2 = _rsum_rest(xf, xf)
    yn = jnp.maximum(jnp.sqrt(yn2), MIN_NORM)
    th = jnp.maximum(_col0(xf), 1.0 + EPS)
    rest = _arcosh(th) * xf / yn
    return jnp.where(_m0(xf), 0.0, rest)


def _expmap(u, xf):
    mink = _rsum_rest(u, u) - _col0(u) * _col0(u)
    normu = jnp.sqrt(jnp.maximum(mink, EPS))
    normu = jnp.minimum(normu, MAX_NORM)
    th = jnp.maximum(normu, MIN_NORM)
    sinh, cosh = _sinh_cosh(th)
    res = cosh * xf + sinh * u / th
    return _proj(res)


def _ptransp0(xf, u):
    x0 = _col0(xf)
    yn2 = _rsum_rest(xf, xf)
    yn = jnp.maximum(jnp.sqrt(yn2), MIN_NORM)
    ynorm = xf / yn
    alpha = _rsum_rest(ynorm, u)
    v = jnp.where(_m0(u + ynorm * 0.0), -yn, (1.0 - x0) * ynorm)
    res = u - alpha * v
    return _proj_tan(res, xf)


def _mobius_add(xf, yf):
    u = _logmap0(yf)
    v = _ptransp0(xf, u)
    return _expmap(v, xf)


def _hyp_linear_tail(mv, b_row):
    res = _proj(_expmap0(mv))
    bias_tan = jnp.where(_m0(b_row), 0.0, b_row)
    hyp_bias = _proj(_expmap0(bias_tan))
    res = _mobius_add(res, hyp_bias)
    return _proj(res)


def _stage(u):
    n2 = jnp.sum(u * u, axis=-1, keepdims=True)
    n = jnp.maximum(jnp.sqrt(n2), MIN_NORM)
    sinh, _ = _sinh_cosh(n)
    y = sinh * u / n
    y2 = jnp.sum(y * y, axis=-1, keepdims=True)
    yn = jnp.maximum(jnp.sqrt(y2), MIN_NORM)
    th = jnp.maximum(jnp.sqrt(jnp.maximum(1.0 + y2, EPS)), 1.0 + EPS)
    return _arcosh(th) * y / yn


def _act_head(support):
    r = jax.nn.relu(_stage(support))
    return _stage(r)




def _tc1_body(x_ref, w1t_ref, b1_ref, o_ref):
    mv = lax.dot_general(x_ref[...], w1t_ref[...], (((1,), (0,)), ((), ())),
                         preferred_element_type=jnp.float32)
    o_ref[...] = _logmap0(_hyp_linear_tail(mv, b1_ref[...]))


def _tc2_body(p0_ref, p1_ref, w2t_ref, b2_ref, o_ref):
    support = p0_ref[0] + p1_ref[0]
    u2 = _act_head(support)
    mv2 = lax.dot_general(u2, w2t_ref[...], (((1,), (0,)), ((), ())),
                          preferred_element_type=jnp.float32)
    h2 = _hyp_linear_tail(mv2, b2_ref[...])
    o_ref[...] = _logmap0(h2)


def _tc3_body(p0_ref, p1_ref, o_ref):
    support = p0_ref[0] + p1_ref[0]
    res = _act_head(support)
    o_ref[...] = jnp.where(_m0(res), 0.0, res)


_TC_R = 1000


def _tc1(x, w1t, b1r):
    return pl.pallas_call(
        _tc1_body,
        grid=(N // _TC_R,),
        in_specs=[
            pl.BlockSpec((_TC_R, IN_DIM), lambda i: (i, 0)),
            pl.BlockSpec((IN_DIM, HID), lambda i: (0, 0)),
            pl.BlockSpec((1, HID), lambda i: (0, 0)),
        ],
        out_specs=pl.BlockSpec((_TC_R, HID), lambda i: (i, 0)),
        out_shape=jax.ShapeDtypeStruct((N, HID), jnp.float32),
    )(x, w1t, b1r)


def _tc2(parts, w2t, b2r):
    return pl.pallas_call(
        _tc2_body,
        grid=(N // _TC_R,),
        in_specs=[
            pl.BlockSpec((1, _TC_R, HID), lambda i: (0, i, 0)),
            pl.BlockSpec((1, _TC_R, HID), lambda i: (1, i, 0)),
            pl.BlockSpec((HID, D2), lambda i: (0, 0)),
            pl.BlockSpec((1, D2), lambda i: (0, 0)),
        ],
        out_specs=pl.BlockSpec((_TC_R, D2), lambda i: (i, 0)),
        out_shape=jax.ShapeDtypeStruct((N, D2), jnp.float32),
    )(parts, parts, w2t, b2r)


def _tc3(parts):
    return pl.pallas_call(
        _tc3_body,
        grid=(N // _TC_R,),
        in_specs=[
            pl.BlockSpec((1, _TC_R, D2), lambda i: (0, i, 0)),
            pl.BlockSpec((1, _TC_R, D2), lambda i: (1, i, 0)),
        ],
        out_specs=pl.BlockSpec((_TC_R, D2), lambda i: (i, 0)),
        out_shape=jax.ShapeDtypeStruct((N, D2), jnp.float32),
    )(parts, parts)




@functools.lru_cache(maxsize=None)
def _make_sc_agg(d):
    mesh = plsc.VectorSubcoreMesh(core_axis_name="c", subcore_axis_name="s",
                                  num_cores=NC, num_subcores=NS)

    @functools.partial(
        pl.kernel,
        out_type=jax.ShapeDtypeStruct((NC, NPAD, d), jnp.float32),
        mesh=mesh,
        compiler_params=pltpu.CompilerParams(use_tc_tiling_on_sc=False),
        scratch_types=[
            pltpu.VMEM((BPW, BATCH), jnp.int32),
            pltpu.VMEM((BPW, BATCH), jnp.int32),
            pltpu.VMEM((UNROLL, BATCH, 16), jnp.float32),
            pltpu.VMEM((UNROLL, BATCH, d), jnp.float32),
            pltpu.VMEM_SHARED((NPAD, d), jnp.float32),
            pltpu.VMEM_SHARED((NPAD, d), jnp.float32),
        ] + [pltpu.SemaphoreType.DMA] * (3 * UNROLL),
    )
    def agg(xt_hbm, src_hbm, dst_hbm, wb_hbm, zeros_hbm, out_hbm,
            src_v, dst_v, wv, rows_v, acc, xs, *sems):
        semw = sems[:UNROLL]
        semg = sems[UNROLL:2 * UNROLL]
        sems = sems[2 * UNROLL:]
        c = lax.axis_index("c")
        s = lax.axis_index("s")
        wid = c * NS + s
        r0 = s * ROWS_PER_TILE
        pltpu.sync_copy(zeros_hbm.at[pl.ds(r0, ROWS_PER_TILE)],
                        acc.at[pl.ds(r0, ROWS_PER_TILE)])
        pltpu.sync_copy(xt_hbm.at[pl.ds(r0, ROWS_PER_TILE)],
                        xs.at[pl.ds(r0, ROWS_PER_TILE)])
        pltpu.sync_copy(src_hbm.at[pl.ds(wid * BPW, BPW)], src_v)
        pltpu.sync_copy(dst_hbm.at[pl.ds(wid * BPW, BPW)], dst_v)
        plsc.subcore_barrier()

        def scale(k):
            def scale_body(i, carry2):
                for u in range(5):
                    e = i * 5 + u
                    w = wv[k, e]
                    for g in range(d // 16):
                        rows_v[k, e, pl.ds(g * 16, 16)] = (
                            rows_v[k, e, pl.ds(g * 16, 16)] * w)
                return carry2

            lax.fori_loop(0, BATCH // 5, scale_body, 0)

        def group_body(jj, carry):
            j0 = jj * UNROLL
            hw = [pltpu.async_copy(wb_hbm.at[wid * BPW + j0 + k],
                                   wv.at[k], semw[k])
                  for k in range(UNROLL)]
            hg = [pltpu.async_copy(xs.at[src_v.at[j0 + k]],
                                   rows_v.at[k], semg[k])
                  for k in range(UNROLL)]
            hs = []
            for k in range(UNROLL):
                hw[k].wait()
                hg[k].wait()
                scale(k)
                hs.append(pltpu.async_copy(rows_v.at[k],
                                           acc.at[dst_v.at[j0 + k]],
                                           sems[k], add=True))
            for h in hs:
                h.wait()
            return carry

        lax.fori_loop(0, BPW // UNROLL, group_body, 0)
        plsc.subcore_barrier()
        pltpu.sync_copy(acc.at[pl.ds(r0, ROWS_PER_TILE)],
                        out_hbm.at[c].at[pl.ds(r0, ROWS_PER_TILE)])

    return agg




def kernel(x, edge_index, edge_weight, w1, b1, w2, b2):
    src = edge_index[0].astype(jnp.int32)
    dst = edge_index[1].astype(jnp.int32)
    w1t = w1.at[:, 0].set(0.0).T
    b1r = b1.reshape(1, HID)
    w2p = jnp.zeros((D2, HID), jnp.float32).at[:OUTP].set(w2)
    w2t = w2p.T
    b2r = jnp.zeros((1, D2), jnp.float32).at[0, :OUTP].set(b2)

    src2 = src.reshape(NB, BATCH)
    dst2 = dst.reshape(NB, BATCH)
    wb = jnp.broadcast_to(edge_weight[:, None], (E, 16)).reshape(NB, BATCH, 16)
    z64 = jnp.zeros((NPAD, HID), jnp.float32)
    z16 = jnp.zeros((NPAD, D2), jnp.float32)

    xt1 = _tc1(x, w1t, b1r)
    xt1p = jnp.zeros((NPAD, HID), jnp.float32).at[:N].set(xt1)
    parts1 = _make_sc_agg(HID)(xt1p, src2, dst2, wb, z64)
    xt2 = _tc2(parts1, w2t, b2r)
    xt2p = jnp.zeros((NPAD, D2), jnp.float32).at[:N].set(xt2)
    parts2 = _make_sc_agg(D2)(xt2p, src2, dst2, wb, z16)
    out16 = _tc3(parts2)
    return out16[:, :OUTP]

# --- scband reference (transcript-rebuilt; emitter-appended) ---
"""Pipeline reference for scband-hgcn-31353261261174 (READ-ONLY COPY).

The authoritative reference and input builder live on the scoring server;
editing this copy changes nothing except your own understanding.
"""

import jax, jax.numpy as jnp
import numpy as np

N = 10000
E = 160000
IN_DIM = 1433
HID = 64
OUT = 7
C = 1.0
MIN_NORM = 1e-15
EPS = 1e-7
MAX_NORM = 1e6


def _arcosh(x):
    return jnp.log(x + jnp.sqrt(jnp.maximum(x * x - 1.0, 1e-15)))


def proj(x, c):
    K = 1.0 / c
    y = x[:, 1:]
    y_sqnorm = jnp.sum(y * y, axis=-1, keepdims=True)
    first = jnp.sqrt(jnp.maximum(K + y_sqnorm, EPS))
    return jnp.concatenate([first, y], axis=-1)


def proj_tan(u, x, c):
    ux = jnp.sum(x[:, 1:] * u[:, 1:], axis=-1, keepdims=True)
    first = ux / jnp.maximum(x[:, 0:1], EPS)
    return jnp.concatenate([first, u[:, 1:]], axis=-1)


def proj_tan0(u, c):
    return jnp.concatenate([jnp.zeros_like(u[:, 0:1]), u[:, 1:]], axis=-1)


def expmap0(u, c):
    K = 1.0 / c
    sqrtK = K ** 0.5
    x = u[:, 1:]
    x_norm = jnp.maximum(jnp.sqrt(jnp.sum(x * x, axis=-1, keepdims=True)), MIN_NORM)
    theta = x_norm / sqrtK
    first = sqrtK * jnp.cosh(theta)
    rest = sqrtK * jnp.sinh(theta) * x / x_norm
    return proj(jnp.concatenate([first, rest], axis=-1), c)


def logmap0(x, c):
    K = 1.0 / c
    sqrtK = K ** 0.5
    y = x[:, 1:]
    y_norm = jnp.maximum(jnp.sqrt(jnp.sum(y * y, axis=-1, keepdims=True)), MIN_NORM)
    theta = jnp.maximum(x[:, 0:1] / sqrtK, 1.0 + EPS)
    rest = sqrtK * _arcosh(theta) * y / y_norm
    return jnp.concatenate([jnp.zeros_like(theta), rest], axis=-1)


def minkowski_dot(x, y):
    return jnp.sum(x * y, axis=-1, keepdims=True) - 2.0 * x[..., 0:1] * y[..., 0:1]


def expmap(u, x, c):
    K = 1.0 / c
    sqrtK = K ** 0.5
    normu = jnp.sqrt(jnp.maximum(minkowski_dot(u, u), EPS))
    normu = jnp.minimum(normu, MAX_NORM)
    theta = jnp.maximum(normu / sqrtK, MIN_NORM)
    result = jnp.cosh(theta) * x + jnp.sinh(theta) * u / theta
    return proj(result, c)


def ptransp0(x, u, c):
    K = 1.0 / c
    sqrtK = K ** 0.5
    x0 = x[:, 0:1]
    y = x[:, 1:]
    y_norm = jnp.maximum(jnp.sqrt(jnp.sum(y * y, axis=-1, keepdims=True)), MIN_NORM)
    y_normalized = y / y_norm
    v = jnp.concatenate([-y_norm, (sqrtK - x0) * y_normalized], axis=-1)
    alpha = jnp.sum(y_normalized * u[:, 1:], axis=-1, keepdims=True) / sqrtK
    res = u - alpha * v
    return proj_tan(res, x, c)


def mobius_add(x, y, c):
    u = logmap0(y, c)
    v = ptransp0(x, u, c)
    return expmap(v, x, c)


def hyp_linear(x, W, b, c):
    u = logmap0(x, c)
    mv = expmap0(u @ W.T, c)
    res = proj(mv, c)
    bias_tan = proj_tan0(b.reshape(1, -1), c)
    hyp_bias = proj(expmap0(bias_tan, c), c)
    res = mobius_add(res, hyp_bias, c)
    return proj(res, c)


def hyp_agg(x, src, dst, w, n, c):
    xt = logmap0(x, c)
    msgs = jnp.take(xt, src, axis=0) * w[:, None]
    support = jax.ops.segment_sum(msgs, dst, num_segments=n)
    return proj(expmap0(support, c), c)


def hyp_act(x, c_in, c_out):
    xt = jax.nn.relu(logmap0(x, c_in))
    xt = proj_tan0(xt, c_out)
    return proj(expmap0(xt, c_out), c_out)


def hgcn_forward(x, edge_index, edge_weight, w1, b1, w2, b2, c):
    n = x.shape[0]
    src = edge_index[0]
    dst = edge_index[1]
    x_tan = proj_tan0(x, c)
    x_hyp = proj(expmap0(x_tan, c), c)
    h = hyp_linear(x_hyp, w1, b1, c)
    h = hyp_agg(h, src, dst, edge_weight, n, c)
    h = hyp_act(h, c, c)
    h = hyp_linear(h, w2, b2, c)
    h = hyp_agg(h, src, dst, edge_weight, n, c)
    h = hyp_act(h, c, c)
    return proj_tan0(logmap0(h, c), c)


def setup_inputs(seed: int = 0):
    key = jax.random.key(seed)
    ks = jax.random.split(key, 7)
    x = 0.01 * jax.random.normal(ks[0], (N, IN_DIM), dtype=jnp.float32)
    edge_index = jax.random.randint(ks[1], (2, E), 0, N)
    edge_weight = jax.random.uniform(ks[2], (E,), dtype=jnp.float32) * (1.0 / 16.0)
    w1 = jax.random.normal(ks[3], (HID, IN_DIM), dtype=jnp.float32) * (2.0 / (IN_DIM + HID)) ** 0.5
    b1 = jax.random.normal(ks[4], (HID,), dtype=jnp.float32) * 0.01
    w2 = jax.random.normal(ks[5], (OUT, HID), dtype=jnp.float32) * (2.0 / (HID + OUT)) ** 0.5
    b2 = jax.random.normal(ks[6], (OUT,), dtype=jnp.float32) * 0.01
    return {"x": x, "edge_index": edge_index, "edge_weight": edge_weight, "w1": w1, "b1": b1, "w2": w2, "b2": b2}


def reference(x, edge_index, edge_weight, w1, b1, w2, b2):
    return hgcn_forward(x, edge_index, edge_weight, w1, b1, w2, b2, C)

if __name__ == "__main__":
    import jax
    _d = setup_inputs()
    print(jax.jit(kernel)(*tuple(_d.values())))

</pallas_src>

<mosaic_0001>
#map = affine_map<(d0, d1) -> (0, 0)>
#map1 = affine_map<(d0, d1) -> (0, 0, 0)>
module attributes {stable_mosaic.version = 14 : i64} {
  func.func @agg(%arg0: i32, %arg1: i32, %arg2: memref<10240x64xf32, #tpu.memory_space<hbm>>, %arg3: memref<1280x125xi32, #tpu.memory_space<hbm>>, %arg4: memref<1280x125xi32, #tpu.memory_space<hbm>>, %arg5: memref<1280x125x16xf32, #tpu.memory_space<hbm>>, %arg6: memref<10240x64xf32, #tpu.memory_space<hbm>>, %arg7: memref<2x10240x64xf32, #tpu.memory_space<hbm>>, %arg8: memref<40x125xi32, #tpu.memory_space<vmem>>, %arg9: memref<40x125xi32, #tpu.memory_space<vmem>>, %arg10: memref<2x125x16xf32, #tpu.memory_space<vmem>>, %arg11: memref<2x125x64xf32, #tpu.memory_space<vmem>>, %arg12: memref<10240x64xf32, #tpu.memory_space<vmem_shared>>, %arg13: memref<10240x64xf32, #tpu.memory_space<vmem_shared>>, %arg14: memref<!tpu.dma_semaphore, #tpu.memory_space<semaphore_mem>>, %arg15: memref<!tpu.dma_semaphore, #tpu.memory_space<semaphore_mem>>, %arg16: memref<!tpu.dma_semaphore, #tpu.memory_space<semaphore_mem>>, %arg17: memref<!tpu.dma_semaphore, #tpu.memory_space<semaphore_mem>>, %arg18: memref<!tpu.dma_semaphore, #tpu.memory_space<semaphore_mem>>, %arg19: memref<!tpu.dma_semaphore, #tpu.memory_space<semaphore_mem>>) attributes {dimension_semantics = [#tpu.dimension_semantics<core_parallel>, #tpu.dimension_semantics<subcore_parallel>], iteration_bounds = array<i64: 2, 16>, scalar_prefetch = 0 : i64, scratch_operands = 12 : i64, tpu.core_type = #tpu.core_type<sc_vector_subcore>, window_params = [{transform_indices = #map}, {transform_indices = #map}, {transform_indices = #map}, {transform_indices = #map1}, {transform_indices = #map}, {transform_indices = #map1}]} {
    %mul3A = arith.constant 16 : i32
    %mul3A_0 = arith.muli %arg0, %mul3A : i32
    %add3A = arith.addi %mul3A_0, %arg1 : i32
    %mul3A_1 = arith.constant 640 : i32
    %mul3A_2 = arith.muli %arg1, %mul3A_1 : i32
    "tpu.region"() ({
      %run_scoped3A = tpu.sem_alloc : memref<!tpu.dma_semaphore, #tpu.memory_space<semaphore_mem>>
      %dma_start3A = arith.constant 0 : i32
      %dma_start3A_13 = tpu.memref_slice %arg12[%mul3A_2, %dma_start3A] : memref<10240x64xf32, #tpu.memory_space<vmem_shared>> -> memref<640x64xf32, #tpu.memory_space<vmem_shared>>
      %dma_start3A_14 = arith.constant 0 : i32
      %dma_start3A_15 = tpu.memref_slice %arg6[%mul3A_2, %dma_start3A_14] : memref<10240x64xf32, #tpu.memory_space<hbm>> -> memref<640x64xf32, #tpu.memory_space<hbm>>
      tpu.enqueue_dma source(%dma_start3A_15 : memref<640x64xf32, #tpu.memory_space<hbm>>) target(%dma_start3A_13 : memref<640x64xf32, #tpu.memory_space<vmem_shared>>) target_semaphore(%run_scoped3A : memref<!tpu.dma_semaphore, #tpu.memory_space<semaphore_mem>>)
      %dma_wait3A = arith.constant 0 : i32
      %dma_wait3A_16 = tpu.memref_slice %arg12[%mul3A_2, %dma_wait3A] : memref<10240x64xf32, #tpu.memory_space<vmem_shared>> -> memref<640x64xf32, #tpu.memory_space<vmem_shared>>
      %dma_wait3A_17 = arith.constant 0 : i32
      %dma_wait3A_18 = tpu.memref_slice %arg6[%mul3A_2, %dma_wait3A_17] : memref<10240x64xf32, #tpu.memory_space<hbm>> -> memref<640x64xf32, #tpu.memory_space<hbm>>
      tpu.wait_dma2 semaphore(%run_scoped3A : memref<!tpu.dma_semaphore, #tpu.memory_space<semaphore_mem>>) src(%dma_wait3A_18 : memref<640x64xf32, #tpu.memory_space<hbm>>) dst(%dma_wait3A_16 : memref<640x64xf32, #tpu.memory_space<vmem_shared>>)
      tpu.yield
    }) : () -> ()
    "tpu.region"() ({
      %run_scoped3A = tpu.sem_alloc : memref<!tpu.dma_semaphore, #tpu.memory_space<semaphore_mem>>
      %dma_start3A = arith.constant 0 : i32
      %dma_start3A_13 = tpu.memref_slice %arg13[%mul3A_2, %dma_start3A] : memref<10240x64xf32, #tpu.memory_space<vmem_shared>> -> memref<640x64xf32, #tpu.memory_space<vmem_shared>>
      %dma_start3A_14 = arith.constant 0 : i32
      %dma_start3A_15 = tpu.memref_slice %arg2[%mul3A_2, %dma_start3A_14] : memref<10240x64xf32, #tpu.memory_space<hbm>> -> memref<640x64xf32, #tpu.memory_space<hbm>>
      tpu.enqueue_dma source(%dma_start3A_15 : memref<640x64xf32, #tpu.memory_space<hbm>>) target(%dma_start3A_13 : memref<640x64xf32, #tpu.memory_space<vmem_shared>>) target_semaphore(%run_scoped3A : memref<!tpu.dma_semaphore, #tpu.memory_space<semaphore_mem>>)
      %dma_wait3A = arith.constant 0 : i32
      %dma_wait3A_16 = tpu.memref_slice %arg13[%mul3A_2, %dma_wait3A] : memref<10240x64xf32, #tpu.memory_space<vmem_shared>> -> memref<640x64xf32, #tpu.memory_space<vmem_shared>>
      %dma_wait3A_17 = arith.constant 0 : i32
      %dma_wait3A_18 = tpu.memref_slice %arg2[%mul3A_2, %dma_wait3A_17] : memref<10240x64xf32, #tpu.memory_space<hbm>> -> memref<640x64xf32, #tpu.memory_space<hbm>>
      tpu.wait_dma2 semaphore(%run_scoped3A : memref<!tpu.dma_semaphore, #tpu.memory_space<semaphore_mem>>) src(%dma_wait3A_18 : memref<640x64xf32, #tpu.memory_space<hbm>>) dst(%dma_wait3A_16 : memref<640x64xf32, #tpu.memory_space<vmem_shared>>)
      tpu.yield
    }) : () -> ()
    %mul3A_3 = arith.constant 40 : i32
    %mul3A_4 = arith.muli %add3A, %mul3A_3 : i32
    "tpu.region"() ({
      %run_scoped3A = tpu.sem_alloc : memref<!tpu.dma_semaphore, #tpu.memory_space<semaphore_mem>>
      %dma_start3A = arith.constant 0 : i32
      %dma_start3A_13 = tpu.memref_slice %arg3[%mul3A_4, %dma_start3A] : memref<1280x125xi32, #tpu.memory_space<hbm>> -> memref<40x125xi32, #tpu.memory_space<hbm>>
      %dma_start3A_14 = arith.constant 0 : i32
      %dma_start3A_15 = tpu.memref_slice %arg3[%mul3A_4, %dma_start3A_14] : memref<1280x125xi32, #tpu.memory_space<hbm>> -> memref<40x125xi32, #tpu.memory_space<hbm>>
      tpu.enqueue_dma source(%dma_start3A_15 : memref<40x125xi32, #tpu.memory_space<hbm>>) target(%arg8 : memref<40x125xi32, #tpu.memory_space<vmem>>) target_semaphore(%run_scoped3A : memref<!tpu.dma_semaphore, #tpu.memory_space<semaphore_mem>>)
      %dma_wait3A = arith.constant 0 : i32
      %dma_wait3A_16 = tpu.memref_slice %arg3[%mul3A_4, %dma_wait3A] : memref<1280x125xi32, #tpu.memory_space<hbm>> -> memref<40x125xi32, #tpu.memory_space<hbm>>
      %dma_wait3A_17 = arith.constant 0 : i32
      %dma_wait3A_18 = tpu.memref_slice %arg3[%mul3A_4, %dma_wait3A_17] : memref<1280x125xi32, #tpu.memory_space<hbm>> -> memref<40x125xi32, #tpu.memory_space<hbm>>
      tpu.wait_dma2 semaphore(%run_scoped3A : memref<!tpu.dma_semaphore, #tpu.memory_space<semaphore_mem>>) src(%dma_wait3A_18 : memref<40x125xi32, #tpu.memory_space<hbm>>) dst(%arg8 : memref<40x125xi32, #tpu.memory_space<vmem>>)
      tpu.yield
    }) : () -> ()
    %mul3A_5 = arith.constant 40 : i32
    %mul3A_6 = arith.muli %add3A, %mul3A_5 : i32
    "tpu.region"() ({
      %run_scoped3A = tpu.sem_alloc : memref<!tpu.dma_semaphore, #tpu.memory_space<semaphore_mem>>
      %dma_start3A = arith.constant 0 : i32
      %dma_start3A_13 = tpu.memref_slice %arg4[%mul3A_6, %dma_start3A] : memref<1280x125xi32, #tpu.memory_space<hbm>> -> memref<40x125xi32, #tpu.memory_space<hbm>>
      %dma_start3A_14 = arith.constant 0 : i32
      %dma_start3A_15 = tpu.memref_slice %arg4[%mul3A_6, %dma_start3A_14] : memref<1280x125xi32, #tpu.memory_space<hbm>> -> memref<40x125xi32, #tpu.memory_space<hbm>>
      tpu.enqueue_dma source(%dma_start3A_15 : memref<40x125xi32, #tpu.memory_space<hbm>>) target(%arg9 : memref<40x125xi32, #tpu.memory_space<vmem>>) target_semaphore(%run_scoped3A : memref<!tpu.dma_semaphore, #tpu.memory_space<semaphore_mem>>)
      %dma_wait3A = arith.constant 0 : i32
      %dma_wait3A_16 = tpu.memref_slice %arg4[%mul3A_6, %dma_wait3A] : memref<1280x125xi32, #tpu.memory_space<hbm>> -> memref<40x125xi32, #tpu.memory_space<hbm>>
      %dma_wait3A_17 = arith.constant 0 : i32
      %dma_wait3A_18 = tpu.memref_slice %arg4[%mul3A_6, %dma_wait3A_17] : memref<1280x125xi32, #tpu.memory_space<hbm>> -> memref<40x125xi32, #tpu.memory_space<hbm>>
      tpu.wait_dma2 semaphore(%run_scoped3A : memref<!tpu.dma_semaphore, #tpu.memory_space<semaphore_mem>>) src(%dma_wait3A_18 : memref<40x125xi32, #tpu.memory_space<hbm>>) dst(%arg9 : memref<40x125xi32, #tpu.memory_space<vmem>>)
      tpu.yield
    }) : () -> ()
    %barrier3A = arith.constant 0 : index
    tpu.barrier barrier_id(%barrier3A)
    %scan3A = arith.constant 0 : i32
    %scan3A_7 = arith.constant 0 : i32
    %scan3A_8 = arith.constant 20 : i32
    %scan3A_9 = arith.addi %scan3A_7, %scan3A_8 : i32
    %scan3A_10 = arith.constant 1 : i32
    scf.for %scan3A_13 = %scan3A_7 to %scan3A_9 step %scan3A_10  : i32 {
      %mul3A_14 = arith.constant 2 : i32
      %mul3A_15 = arith.muli %scan3A_13, %mul3A_14 : i32
      %mul3A_16 = arith.constant 40 : i32
      %mul3A_17 = arith.muli %add3A, %mul3A_16 : i32
      %add3A_18 = arith.addi %mul3A_17, %mul3A_15 : i32
      %add3A_19 = arith.constant 0 : i32
      %add3A_20 = arith.addi %add3A_18, %add3A_19 : i32
      %dma_start3A = arith.constant 0 : i32
      %dma_start3A_21 = arith.constant 0 : i32
      %dma_start3A_22 = arith.constant 0 : i32
      %dma_start3A_23 = tpu.memref_slice %arg10[%dma_start3A, %dma_start3A_21, %dma_start3A_22] : memref<2x125x16xf32, #tpu.memory_space<vmem>> -> memref<1x125x16xf32, #tpu.memory_space<vmem>>
      %dma_start3A_24 = tpu.memref_squeeze %dma_start3A_23 : memref<1x125x16xf32, #tpu.memory_space<vmem>> -> memref<125x16xf32, #tpu.memory_space<vmem>>
      %dma_start3A_25 = arith.constant 0 : i32
      %dma_start3A_26 = arith.constant 0 : i32
      %dma_start3A_27 = tpu.memref_slice %arg5[%add3A_20, %dma_start3A_25, %dma_start3A_26] : memref<1280x125x16xf32, #tpu.memory_space<hbm>> -> memref<1x125x16xf32, #tpu.memory_space<hbm>>
      %dma_start3A_28 = tpu.memref_squeeze %dma_start3A_27 : memref<1x125x16xf32, #tpu.memory_space<hbm>> -> memref<125x16xf32, #tpu.memory_space<hbm>>
      %dma_start3A_29 = arith.constant 0 : i32
      %dma_start3A_30 = arith.constant 0 : i32
      %dma_start3A_31 = tpu.memref_slice %arg10[%dma_start3A, %dma_start3A_29, %dma_start3A_30] : memref<2x125x16xf32, #tpu.memory_space<vmem>> -> memref<1x125x16xf32, #tpu.memory_space<vmem>>
      %dma_start3A_32 = tpu.memref_squeeze %dma_start3A_31 : memref<1x125x16xf32, #tpu.memory_space<vmem>> -> memref<125x16xf32, #tpu.memory_space<vmem>>
      %dma_start3A_33 = arith.constant 0 : i32
      %dma_start3A_34 = arith.constant 0 : i32
      %dma_start3A_35 = tpu.memref_slice %arg5[%add3A_20, %dma_start3A_33, %dma_start3A_34] : memref<1280x125x16xf32, #tpu.memory_space<hbm>> -> memref<1x125x16xf32, #tpu.memory_space<hbm>>
      %dma_start3A_36 = tpu.memref_squeeze %dma_start3A_35 : memref<1x125x16xf32, #tpu.memory_space<hbm>> -> memref<125x16xf32, #tpu.memory_space<hbm>>
      tpu.enqueue_dma source(%dma_start3A_36 : memref<125x16xf32, #tpu.memory_space<hbm>>) target(%dma_start3A_32 : memref<125x16xf32, #tpu.memory_space<vmem>>) target_semaphore(%arg14 : memref<!tpu.dma_semaphore, #tpu.memory_space<semaphore_mem>>)
      %mul3A_37 = arith.constant 40 : i32
      %mul3A_38 = arith.muli %add3A, %mul3A_37 : i32
      %add3A_39 = arith.addi %mul3A_38, %mul3A_15 : i32
      %add3A_40 = arith.constant 1 : i32
      %add3A_41 = arith.addi %add3A_39, %add3A_40 : i32
      %dma_start3A_42 = arith.constant 1 : i32
      %dma_start3A_43 = arith.constant 0 : i32
      %dma_start3A_44 = arith.constant 0 : i32
      %dma_start3A_45 = tpu.memref_slice %arg10[%dma_start3A_42, %dma_start3A_43, %dma_start3A_44] : memref<2x125x16xf32, #tpu.memory_space<vmem>> -> memref<1x125x16xf32, #tpu.memory_space<vmem>>
      %dma_start3A_46 = tpu.memref_squeeze %dma_start3A_45 : memref<1x125x16xf32, #tpu.memory_space<vmem>> -> memref<125x16xf32, #tpu.memory_space<vmem>>
      %dma_start3A_47 = arith.constant 0 : i32
      %dma_start3A_48 = arith.constant 0 : i32
      %dma_start3A_49 = tpu.memref_slice %arg5[%add3A_41, %dma_start3A_47, %dma_start3A_48] : memref<1280x125x16xf32, #tpu.memory_space<hbm>> -> memref<1x125x16xf32, #tpu.memory_space<hbm>>
      %dma_start3A_50 = tpu.memref_squeeze %dma_start3A_49 : memref<1x125x16xf32, #tpu.memory_space<hbm>> -> memref<125x16xf32, #tpu.memory_space<hbm>>
      %dma_start3A_51 = arith.constant 0 : i32
      %dma_start3A_52 = arith.constant 0 : i32
      %dma_start3A_53 = tpu.memref_slice %arg10[%dma_start3A_42, %dma_start3A_51, %dma_start3A_52] : memref<2x125x16xf32, #tpu.memory_space<vmem>> -> memref<1x125x16xf32, #tpu.memory_space<vmem>>
      %dma_start3A_54 = tpu.memref_squeeze %dma_start3A_53 : memref<1x125x16xf32, #tpu.memory_space<vmem>> -> memref<125x16xf32, #tpu.memory_space<vmem>>
      %dma_start3A_55 = arith.constant 0 : i32
      %dma_start3A_56 = arith.constant 0 : i32
      %dma_start3A_57 = tpu.memref_slice %arg5[%add3A_41, %dma_start3A_55, %dma_start3A_56] : memref<1280x125x16xf32, #tpu.memory_space<hbm>> -> memref<1x125x16xf32, #tpu.memory_space<hbm>>
      %dma_start3A_58 = tpu.memref_squeeze %dma_start3A_57 : memref<1x125x16xf32, #tpu.memory_space<hbm>> -> memref<125x16xf32, #tpu.memory_space<hbm>>
      tpu.enqueue_dma source(%dma_start3A_58 : memref<125x16xf32, #tpu.memory_space<hbm>>) target(%dma_start3A_54 : memref<125x16xf32, #tpu.memory_space<vmem>>) target_semaphore(%arg15 : memref<!tpu.dma_semaphore, #tpu.memory_space<semaphore_mem>>)
      %add3A_59 = arith.constant 0 : i32
      %add3A_60 = arith.addi %mul3A_15, %add3A_59 : i32
      %dma_start3A_61 = arith.constant 0 : i32
      %dma_start3A_62 = arith.constant 0 : i32
      %dma_start3A_63 = arith.constant 0 : i32
      %dma_start3A_64 = tpu.memref_slice %arg11[%dma_start3A_61, %dma_start3A_62, %dma_start3A_63] : memref<2x125x64xf32, #tpu.memory_space<vmem>> -> memref<1x125x64xf32, #tpu.memory_space<vmem>>
      %dma_start3A_65 = tpu.memref_squeeze %dma_start3A_64 : memref<1x125x64xf32, #tpu.memory_space<vmem>> -> memref<125x64xf32, #tpu.memory_space<vmem>>
      %dma_start3A_66 = arith.constant 0 : i32
      %dma_start3A_67 = tpu.memref_slice %arg8[%add3A_60, %dma_start3A_66] : memref<40x125xi32, #tpu.memory_space<vmem>> -> memref<1x125xi32, #tpu.memory_space<vmem>>
      %dma_start3A_68 = tpu.memref_squeeze %dma_start3A_67 : memref<1x125xi32, #tpu.memory_space<vmem>> -> memref<125xi32, #tpu.memory_space<vmem>>
      %dma_start3A_69 = arith.constant 0 : i32
      %dma_start3A_70 = arith.constant 0 : i32
      %dma_start3A_71 = tpu.memref_slice %arg13[%dma_start3A_69, %dma_start3A_70] : memref<10240x64xf32, #tpu.memory_space<vmem_shared>> -> memref<10240x64xf32, #tpu.memory_space<vmem_shared>>
      tpu.enqueue_indirect_dma source(%dma_start3A_71 : memref<10240x64xf32, #tpu.memory_space<vmem_shared>>) target(%dma_start3A_65 : memref<125x64xf32, #tpu.memory_space<vmem>>) offsets(%dma_start3A_68 : memref<125xi32, #tpu.memory_space<vmem>>) semaphore(%arg16 : memref<!tpu.dma_semaphore, #tpu.memory_space<semaphore_mem>>)
      %add3A_72 = arith.constant 1 : i32
      %add3A_73 = arith.addi %mul3A_15, %add3A_72 : i32
      %dma_start3A_74 = arith.constant 1 : i32
      %dma_start3A_75 = arith.constant 0 : i32
      %dma_start3A_76 = arith.constant 0 : i32
      %dma_start3A_77 = tpu.memref_slice %arg11[%dma_start3A_74, %dma_start3A_75, %dma_start3A_76] : memref<2x125x64xf32, #tpu.memory_space<vmem>> -> memref<1x125x64xf32, #tpu.memory_space<vmem>>
      %dma_start3A_78 = tpu.memref_squeeze %dma_start3A_77 : memref<1x125x64xf32, #tpu.memory_space<vmem>> -> memref<125x64xf32, #tpu.memory_space<vmem>>
      %dma_start3A_79 = arith.constant 0 : i32
      %dma_start3A_80 = tpu.memref_slice %arg8[%add3A_73, %dma_start3A_79] : memref<40x125xi32, #tpu.memory_space<vmem>> -> memref<1x125xi32, #tpu.memory_space<vmem>>
      %dma_start3A_81 = tpu.memref_squeeze %dma_start3A_80 : memref<1x125xi32, #tpu.memory_space<vmem>> -> memref<125xi32, #tpu.memory_space<vmem>>
      %dma_start3A_82 = arith.constant 0 : i32
      %dma_start3A_83 = arith.constant 0 : i32
      %dma_start3A_84 = tpu.memref_slice %arg13[%dma_start3A_82, %dma_start3A_83] : memref<10240x64xf32, #tpu.memory_space<vmem_shared>> -> memref<10240x64xf32, #tpu.memory_space<vmem_shared>>
      tpu.enqueue_indirect_dma source(%dma_start3A_84 : memref<10240x64xf32, #tpu.memory_space<vmem_shared>>) target(%dma_start3A_78 : memref<125x64xf32, #tpu.memory_space<vmem>>) offsets(%dma_start3A_81 : memref<125xi32, #tpu.memory_space<vmem>>) semaphore(%arg17 : memref<!tpu.dma_semaphore, #tpu.memory_space<semaphore_mem>>)
      %dma_wait3A = arith.constant 0 : i32
      %dma_wait3A_85 = arith.constant 0 : i32
      %dma_wait3A_86 = arith.constant 0 : i32
      %dma_wait3A_87 = tpu.memref_slice %arg10[%dma_wait3A, %dma_wait3A_85, %dma_wait3A_86] : memref<2x125x16xf32, #tpu.memory_space<vmem>> -> memref<1x125x16xf32, #tpu.memory_space<vmem>>
      %dma_wait3A_88 = tpu.memref_squeeze %dma_wait3A_87 : memref<1x125x16xf32, #tpu.memory_space<vmem>> -> memref<125x16xf32, #tpu.memory_space<vmem>>
      %dma_wait3A_89 = arith.constant 0 : i32
      %dma_wait3A_90 = arith.constant 0 : i32
      %dma_wait3A_91 = tpu.memref_slice %arg5[%add3A_20, %dma_wait3A_89, %dma_wait3A_90] : memref<1280x125x16xf32, #tpu.memory_space<hbm>> -> memref<1x125x16xf32, #tpu.memory_space<hbm>>
      %dma_wait3A_92 = tpu.memref_squeeze %dma_wait3A_91 : memref<1x125x16xf32, #tpu.memory_space<hbm>> -> memref<125x16xf32, #tpu.memory_space<hbm>>
      %dma_wait3A_93 = arith.constant 0 : i32
      %dma_wait3A_94 = arith.constant 0 : i32
      %dma_wait3A_95 = tpu.memref_slice %arg10[%dma_wait3A, %dma_wait3A_93, %dma_wait3A_94] : memref<2x125x16xf32, #tpu.memory_space<vmem>> -> memref<1x125x16xf32, #tpu.memory_space<vmem>>
      %dma_wait3A_96 = tpu.memref_squeeze %dma_wait3A_95 : memref<1x125x16xf32, #tpu.memory_space<vmem>> -> memref<125x16xf32, #tpu.memory_space<vmem>>
      %dma_wait3A_97 = arith.constant 0 : i32
      %dma_wait3A_98 = arith.constant 0 : i32
      %dma_wait3A_99 = tpu.memref_slice %arg5[%add3A_20, %dma_wait3A_97, %dma_wait3A_98] : memref<1280x125x16xf32, #tpu.memory_space<hbm>> -> memref<1x125x16xf32, #tpu.memory_space<hbm>>
      %dma_wait3A_100 = tpu.memref_squeeze %dma_wait3A_99 : memref<1x125x16xf32, #tpu.memory_space<hbm>> -> memref<125x16xf32, #tpu.memory_space<hbm>>
      tpu.wait_dma2 semaphore(%arg14 : memref<!tpu.dma_semaphore, #tpu.memory_space<semaphore_mem>>) src(%dma_wait3A_100 : memref<125x16xf32, #tpu.memory_space<hbm>>) dst(%dma_wait3A_96 : memref<125x16xf32, #tpu.memory_space<vmem>>)
      %dma_wait3A_101 = arith.constant 0 : i32
      %dma_wait3A_102 = arith.constant 0 : i32
      %dma_wait3A_103 = arith.constant 0 : i32
      %dma_wait3A_104 = tpu.memref_slice %arg11[%dma_wait3A_101, %dma_wait3A_102, %dma_wait3A_103] : memref<2x125x64xf32, #tpu.memory_space<vmem>> -> memref<1x125x64xf32, #tpu.memory_space<vmem>>
      %dma_wait3A_105 = tpu.memref_squeeze %dma_wait3A_104 : memref<1x125x64xf32, #tpu.memory_space<vmem>> -> memref<125x64xf32, #tpu.memory_space<vmem>>
      %dma_wait3A_106 = arith.constant 0 : i32
      %dma_wait3A_107 = tpu.memref_slice %arg8[%add3A_60, %dma_wait3A_106] : memref<40x125xi32, #tpu.memory_space<vmem>> -> memref<1x125xi32, #tpu.memory_space<vmem>>
      %dma_wait3A_108 = tpu.memref_squeeze %dma_wait3A_107 : memref<1x125xi32, #tpu.memory_space<vmem>> -> memref<125xi32, #tpu.memory_space<vmem>>
      %dma_wait3A_109 = arith.constant 0 : i32
      %dma_wait3A_110 = arith.constant 0 : i32
      %dma_wait3A_111 = tpu.memref_slice %arg13[%dma_wait3A_109, %dma_wait3A_110] : memref<10240x64xf32, #tpu.memory_space<vmem_shared>> -> memref<10240x64xf32, #tpu.memory_space<vmem_shared>>
      tpu.wait_indirect_dma semaphore(%arg16 : memref<!tpu.dma_semaphore, #tpu.memory_space<semaphore_mem>>) src(%dma_wait3A_111 : memref<10240x64xf32, #tpu.memory_space<vmem_shared>>) dst(%dma_wait3A_105 : memref<125x64xf32, #tpu.memory_space<vmem>>)
      %scan3A_112 = arith.constant 0 : i32
      %scan3A_113 = arith.constant 0 : i32
      %scan3A_114 = arith.constant 25 : i32
      %scan3A_115 = arith.addi %scan3A_113, %scan3A_114 : i32
      %scan3A_116 = arith.constant 1 : i32
      scf.for %scan3A_200 = %scan3A_113 to %scan3A_115 step %scan3A_116  : i32 {
        %mul3A_201 = arith.constant 5 : i32
        %mul3A_202 = arith.muli %scan3A_200, %mul3A_201 : i32
        %add3A_203 = arith.constant 0 : i32
        %add3A_204 = arith.addi %mul3A_202, %add3A_203 : i32
        %get3A = arith.constant 0 : i32
        %get3A_205 = arith.index_cast %get3A : i32 to index
        %get3A_206 = arith.index_cast %add3A_204 : i32 to index
        %get3A_207 = arith.constant 0 : index
        %get3A_208 = tpu.vector_load %arg10[%get3A_205, %get3A_206, %get3A_207] {strides = array<i32>} : memref<2x125x16xf32, #tpu.memory_space<vmem>>, vector<1x1x16xf32>,
        %get3A_209 = vector.shape_cast %get3A_208 : vector<1x1x16xf32> to vector<16xf32>
        %get3A_210 = arith.constant 0 : i32
        %get3A_211 = arith.index_cast %get3A_210 : i32 to index
        %get3A_212 = arith.index_cast %add3A_204 : i32 to index
        %get3A_213 = arith.constant 0 : index
        %get3A_214 = tpu.vector_load %arg11[%get3A_211, %get3A_212, %get3A_213] {strides = array<i32>} : memref<2x125x64xf32, #tpu.memory_space<vmem>>, vector<1x1x16xf32>,
        %get3A_215 = vector.shape_cast %get3A_214 : vector<1x1x16xf32> to vector<16xf32>
        %mul3A_216 = arith.mulf %get3A_215, %get3A_209 : vector<16xf32>
        %swap3A = arith.constant 0 : i32
        %swap3A_217 = arith.index_cast %swap3A : i32 to index
        %swap3A_218 = arith.index_cast %add3A_204 : i32 to index
        %swap3A_219 = arith.constant 0 : index
        %swap3A_220 = tpu.vector_load %arg11[%swap3A_217, %swap3A_218, %swap3A_219] {strides = array<i32>} : memref<2x125x64xf32, #tpu.memory_space<vmem>>, vector<1x1x16xf32>,
        %swap3A_221 = vector.shape_cast %swap3A_220 : vector<1x1x16xf32> to vector<16xf32>
        %swap3A_222 = vector.shape_cast %mul3A_216 : vector<16xf32> to vector<1x1x16xf32>
        tpu.vector_store %arg11[%swap3A_217, %swap3A_218, %swap3A_219], %swap3A_222 {strides = array<i32>} : memref<2x125x64xf32, #tpu.memory_space<vmem>>, vector<1x1x16xf32>,
        %get3A_223 = arith.constant 0 : i32
        %get3A_224 = arith.index_cast %get3A_223 : i32 to index
        %get3A_225 = arith.index_cast %add3A_204 : i32 to index
        %get3A_226 = arith.constant 16 : index
        %get3A_227 = tpu.vector_load %arg11[%get3A_224, %get3A_225, %get3A_226] {strides = array<i32>} : memref<2x125x64xf32, #tpu.memory_space<vmem>>, vector<1x1x16xf32>,
        %get3A_228 = vector.shape_cast %get3A_227 : vector<1x1x16xf32> to vector<16xf32>
        %mul3A_229 = arith.mulf %get3A_228, %get3A_209 : vector<16xf32>
        %swap3A_230 = arith.constant 0 : i32
        %swap3A_231 = arith.index_cast %swap3A_230 : i32 to index
        %swap3A_232 = arith.index_cast %add3A_204 : i32 to index
        %swap3A_233 = arith.constant 16 : index
        %swap3A_234 = tpu.vector_load %arg11[%swap3A_231, %swap3A_232, %swap3A_233] {strides = array<i32>} : memref<2x125x64xf32, #tpu.memory_space<vmem>>, vector<1x1x16xf32>,
        %swap3A_235 = vector.shape_cast %swap3A_234 : vector<1x1x16xf32> to vector<16xf32>
        %swap3A_236 = vector.shape_cast %mul3A_229 : vector<16xf32> to vector<1x1x16xf32>
        tpu.vector_store %arg11[%swap3A_231, %swap3A_232, %swap3A_233], %swap3A_236 {strides = array<i32>} : memref<2x125x64xf32, #tpu.memory_space<vmem>>, vector<1x1x16xf32>,
        %get3A_237 = arith.constant 0 : i32
        %get3A_238 = arith.index_cast %get3A_237 : i32 to index
        %get3A_239 = arith.index_cast %add3A_204 : i32 to index
        %get3A_240 = arith.constant 32 : index
        %get3A_241 = tpu.vector_load %arg11[%get3A_238, %get3A_239, %get3A_240] {strides = array<i32>} : memref<2x125x64xf32, #tpu.memory_space<vmem>>, vector<1x1x16xf32>,
        %get3A_242 = vector.shape_cast %get3A_241 : vector<1x1x16xf32> to vector<16xf32>
        %mul3A_243 = arith.mulf %get3A_242, %get3A_209 : vector<16xf32>
        %swap3A_244 = arith.constant 0 : i32
        %swap3A_245 = arith.index_cast %swap3A_244 : i32 to index
        %swap3A_246 = arith.index_cast %add3A_204 : i32 to index
        %swap3A_247 = arith.constant 32 : index
        %swap3A_248 = tpu.vector_load %arg11[%swap3A_245, %swap3A_246, %swap3A_247] {strides = array<i32>} : memref<2x125x64xf32, #tpu.memory_space<vmem>>, vector<1x1x16xf32>,
        %swap3A_249 = vector.shape_cast %swap3A_248 : vector<1x1x16xf32> to vector<16xf32>
        %swap3A_250 = vector.shape_cast %mul3A_243 : vector<16xf32> to vector<1x1x16xf32>
        tpu.vector_store %arg11[%swap3A_245, %swap3A_246, %swap3A_247], %swap3A_250 {strides = array<i32>} : memref<2x125x64xf32, #tpu.memory_space<vmem>>, vector<1x1x16xf32>,
        %get3A_251 = arith.constant 0 : i32
        %get3A_252 = arith.index_cast %get3A_251 : i32 to index
        %get3A_253 = arith.index_cast %add3A_204 : i32 to index
        %get3A_254 = arith.constant 48 : index
        %get3A_255 = tpu.vector_load %arg11[%get3A_252, %get3A_253, %get3A_254] {strides = array<i32>} : memref<2x125x64xf32, #tpu.memory_space<vmem>>, vector<1x1x16xf32>,
        %get3A_256 = vector.shape_cast %get3A_255 : vector<1x1x16xf32> to vector<16xf32>
        %mul3A_257 = arith.mulf %get3A_256, %get3A_209 : vector<16xf32>
        %swap3A_258 = arith.constant 0 : i32
        %swap3A_259 = arith.index_cast %swap3A_258 : i32 to index
        %swap3A_260 = arith.index_cast %add3A_204 : i32 to index
        %swap3A_261 = arith.constant 48 : index
        %swap3A_262 = tpu.vector_load %arg11[%swap3A_259, %swap3A_260, %swap3A_261] {strides = array<i32>} : memref<2x125x64xf32, #tpu.memory_space<vmem>>, vector<1x1x16xf32>,
        %swap3A_263 = vector.shape_cast %swap3A_262 : vector<1x1x16xf32> to vector<16xf32>
        %swap3A_264 = vector.shape_cast %mul3A_257 : vector<16xf32> to vector<1x1x16xf32>
        tpu.vector_store %arg11[%swap3A_259, %swap3A_260, %swap3A_261], %swap3A_264 {strides = array<i32>} : memref<2x125x64xf32, #tpu.memory_space<vmem>>, vector<1x1x16xf32>,
        %mul3A_265 = arith.constant 5 : i32
        %mul3A_266 = arith.muli %scan3A_200, %mul3A_265 : i32
        %add3A_267 = arith.constant 1 : i32
        %add3A_268 = arith.addi %mul3A_266, %add3A_267 : i32
        %get3A_269 = arith.constant 0 : i32
        %get3A_270 = arith.index_cast %get3A_269 : i32 to index
        %get3A_271 = arith.index_cast %add3A_268 : i32 to index
        %get3A_272 = arith.constant 0 : index
        %get3A_273 = tpu.vector_load %arg10[%get3A_270, %get3A_271, %get3A_272] {strides = array<i32>} : memref<2x125x16xf32, #tpu.memory_space<vmem>>, vector<1x1x16xf32>,
        %get3A_274 = vector.shape_cast %get3A_273 : vector<1x1x16xf32> to vector<16xf32>
        %get3A_275 = arith.constant 0 : i32
        %get3A_276 = arith.index_cast %get3A_275 : i32 to index
        %get3A_277 = arith.index_cast %add3A_268 : i32 to index
        %get3A_278 = arith.constant 0 : index
        %get3A_279 = tpu.vector_load %arg11[%get3A_276, %get3A_277, %get3A_278] {strides = array<i32>} : memref<2x125x64xf32, #tpu.memory_space<vmem>>, vector<1x1x16xf32>,
        %get3A_280 = vector.shape_cast %get3A_279 : vector<1x1x16xf32> to vector<16xf32>
        %mul3A_281 = arith.mulf %get3A_280, %get3A_274 : vector<16xf32>
        %swap3A_282 = arith.constant 0 : i32
        %swap3A_283 = arith.index_cast %swap3A_282 : i32 to index
        %swap3A_284 = arith.index_cast %add3A_268 : i32 to index
        %swap3A_285 = arith.constant 0 : index
        %swap3A_286 = tpu.vector_load %arg11[%swap3A_283, %swap3A_284, %swap3A_285] {strides = array<i32>} : memref<2x125x64xf32, #tpu.memory_space<vmem>>, vector<1x1x16xf32>,
        %swap3A_287 = vector.shape_cast %swap3A_286 : vector<1x1x16xf32> to vector<16xf32>
        %swap3A_288 = vector.shape_cast %mul3A_281 : vector<16xf32> to vector<1x1x16xf32>
        tpu.vector_store %arg11[%swap3A_283, %swap3A_284, %swap3A_285], %swap3A_288 {strides = array<i32>} : memref<2x125x64xf32, #tpu.memory_space<vmem>>, vector<1x1x16xf32>,
        %get3A_289 = arith.constant 0 : i32
        %get3A_290 = arith.index_cast %get3A_289 : i32 to index
        %get3A_291 = arith.index_cast %add3A_268 : i32 to index
        %get3A_292 = arith.constant 16 : index
        %get3A_293 = tpu.vector_load %arg11[%get3A_290, %get3A_291, %get3A_292] {strides = array<i32>} : memref<2x125x64xf32, #tpu.memory_space<vmem>>, vector<1x1x16xf32>,
        %get3A_294 = vector.shape_cast %get3A_293 : vector<1x1x16xf32> to vector<16xf32>
        %mul3A_295 = arith.mulf %get3A_294, %get3A_274 : vector<16xf32>
        %swap3A_296 = arith.constant 0 : i32
        %swap3A_297 = arith.index_cast %swap3A_296 : i32 to index
        %swap3A_298 = arith.index_cast %add3A_268 : i32 to index
        %swap3A_299 = arith.constant 16 : index
        %swap3A_300 = tpu.vector_load %arg11[%swap3A_297, %swap3A_298, %swap3A_299] {strides = array<i32>} : memref<2x125x64xf32, #tpu.memory_space<vmem>>, vector<1x1x16xf32>,
        %swap3A_301 = vector.shape_cast %swap3A_300 : vector<1x1x16xf32> to vector<16xf32>
        %swap3A_302 = vector.shape_cast %mul3A_295 : vector<16xf32> to vector<1x1x16xf32>
        tpu.vector_store %arg11[%swap3A_297, %swap3A_298, %swap3A_299], %swap3A_302 {strides = array<i32>} : memref<2x125x64xf32, #tpu.memory_space<vmem>>, vector<1x1x16xf32>,
        %get3A_303 = arith.constant 0 : i32
        %get3A_304 = arith.index_cast %get3A_303 : i32 to index
        %get3A_305 = arith.index_cast %add3A_268 : i32 to index
        %get3A_306 = arith.constant 32 : index
        %get3A_307 = tpu.vector_load %arg11[%get3A_304, %get3A_305, %get3A_306] {strides = array<i32>} : memref<2x125x64xf32, #tpu.memory_space<vmem>>, vector<1x1x16xf32>,
        %get3A_308 = vector.shape_cast %get3A_307 : vector<1x1x16xf32> to vector<16xf32>
        %mul3A_309 = arith.mulf %get3A_308, %get3A_274 : vector<16xf32>
        %swap3A_310 = arith.constant 0 : i32
        %swap3A_311 = arith.index_cast %swap3A_310 : i32 to index
        %swap3A_312 = arith.index_cast %add3A_268 : i32 to index
        %swap3A_313 = arith.constant 32 : index
        %swap3A_314 = tpu.vector_load %arg11[%swap3A_311, %swap3A_312, %swap3A_313] {strides = array<i32>} : memref<2x125x64xf32, #tpu.memory_space<vmem>>, vector<1x1x16xf32>,
        %swap3A_315 = vector.shape_cast %swap3A_314 : vector<1x1x16xf32> to vector<16xf32>
        %swap3A_316 = vector.shape_cast %mul3A_309 : vector<16xf32> to vector<1x1x16xf32>
        tpu.vector_store %arg11[%swap3A_311, %swap3A_312, %swap3A_313], %swap3A_316 {strides = array<i32>} : memref<2x125x64xf32, #tpu.memory_space<vmem>>, vector<1x1x16xf32>,
        %get3A_317 = arith.constant 0 : i32
        %get3A_318 = arith.index_cast %get3A_317 : i32 to index
        %get3A_319 = arith.index_cast %add3A_268 : i32 to index
        %get3A_320 = arith.constant 48 : index
        %get3A_321 = tpu.vector_load %arg11[%get3A_318, %get3A_319, %get3A_320] {strides = array<i32>} : memref<2x125x64xf32, #tpu.memory_space<vmem>>, vector<1x1x16xf32>,
        %get3A_322 = vector.shape_cast %get3A_321 : vector<1x1x16xf32> to vector<16xf32>
        %mul3A_323 = arith.mulf %get3A_322, %get3A_274 : vector<16xf32>
        %swap3A_324 = arith.constant 0 : i32
        %swap3A_325 = arith.index_cast %swap3A_324 : i32 to index
        %swap3A_326 = arith.index_cast %add3A_268 : i32 to index
        %swap3A_327 = arith.constant 48 : index
        %swap3A_328 = tpu.vector_load %arg11[%swap3A_325, %swap3A_326, %swap3A_327] {strides = array<i32>} : memref<2x125x64xf32, #tpu.memory_space<vmem>>, vector<1x1x16xf32>,
        %swap3A_329 = vector.shape_cast %swap3A_328 : vector<1x1x16xf32> to vector<16xf32>
        %swap3A_330 = vector.shape_cast %mul3A_323 : vector<16xf32> to vector<1x1x16xf32>
        tpu.vector_store %arg11[%swap3A_325, %swap3A_326, %swap3A_327], %swap3A_330 {strides = array<i32>} : memref<2x125x64xf32, #tpu.memory_space<vmem>>, vector<1x1x16xf32>,
        %mul3A_331 = arith.constant 5 : i32
        %mul3A_332 = arith.muli %scan3A_200, %mul3A_331 : i32
        %add3A_333 = arith.constant 2 : i32
        %add3A_334 = arith.addi %mul3A_332, %add3A_333 : i32
        %get3A_335 = arith.constant 0 : i32
        %get3A_336 = arith.index_cast %get3A_335 : i32 to index
        %get3A_337 = arith.index_cast %add3A_334 : i32 to index
        %get3A_338 = arith.constant 0 : index
        %get3A_339 = tpu.vector_load %arg10[%get3A_336, %get3A_337, %get3A_338] {strides = array<i32>} : memref<2x125x16xf32, #tpu.memory_space<vmem>>, vector<1x1x16xf32>,
        %get3A_340 = vector.shape_cast %get3A_339 : vector<1x1x16xf32> to vector<16xf32>
        %get3A_341 = arith.constant 0 : i32
        %get3A_342 = arith.index_cast %get3A_341 : i32 to index
        %get3A_343 = arith.index_cast %add3A_334 : i32 to index
        %get3A_344 = arith.constant 0 : index
        %get3A_345 = tpu.vector_load %arg11[%get3A_342, %get3A_343, %get3A_344] {strides = array<i32>} : memref<2x125x64xf32, #tpu.memory_space<vmem>>, vector<1x1x16xf32>,
        %get3A_346 = vector.shape_cast %get3A_345 : vector<1x1x16xf32> to vector<16xf32>
        %mul3A_347 = arith.mulf %get3A_346, %get3A_340 : vector<16xf32>
        %swap3A_348 = arith.constant 0 : i32
        %swap3A_349 = arith.index_cast %swap3A_348 : i32 to index
        %swap3A_350 = arith.index_cast %add3A_334 : i32 to index
        %swap3A_351 = arith.constant 0 : index
        %swap3A_352 = tpu.vector_load %arg11[%swap3A_349, %swap3A_350, %swap3A_351] {strides = array<i32>} : memref<2x125x64xf32, #tpu.memory_space<vmem>>, vector<1x1x16xf32>,
        %swap3A_353 = vector.shape_cast %swap3A_352 : vector<1x1x16xf32> to vector<16xf32>
        %swap3A_354 = vector.shape_cast %mul3A_347 : vector<16xf32> to vector<1x1x16xf32>
        tpu.vector_store %arg11[%swap3A_349, %swap3A_350, %swap3A_351], %swap3A_354 {strides = array<i32>} : memref<2x125x64xf32, #tpu.memory_space<vmem>>, vector<1x1x16xf32>,
        %get3A_355 = arith.constant 0 : i32
        %get3A_356 = arith.index_cast %get3A_355 : i32 to index
        %get3A_357 = arith.index_cast %add3A_334 : i32 to index
        %get3A_358 = arith.constant 16 : index
        %get3A_359 = tpu.vector_load %arg11[%get3A_356, %get3A_357, %get3A_358] {strides = array<i32>} : memref<2x125x64xf32, #tpu.memory_space<vmem>>, vector<1x1x16xf32>,
        %get3A_360 = vector.shape_cast %get3A_359 : vector<1x1x16xf32> to vector<16xf32>
        %mul3A_361 = arith.mulf %get3A_360, %get3A_340 : vector<16xf32>
        %swap3A_362 = arith.constant 0 : i32
        %swap3A_363 = arith.index_cast %swap3A_362 : i32 to index
        %swap3A_364 = arith.index_cast %add3A_334 : i32 to index
        %swap3A_365 = arith.constant 16 : index
        %swap3A_366 = tpu.vector_load %arg11[%swap3A_363, %swap3A_364, %swap3A_365] {strides = array<i32>} : memref<2x125x64xf32, #tpu.memory_space<vmem>>, vector<1x1x16xf32>,
        %swap3A_367 = vector.shape_cast %swap3A_366 : vector<1x1x16xf32> to vector<16xf32>
        %swap3A_368 = vector.shape_cast %mul3A_361 : vector<16xf32> to vector<1x1x16xf32>
        tpu.vector_store %arg11[%swap3A_363, %swap3A_364, %swap3A_365], %swap3A_368 {strides = array<i32>} : memref<2x125x64xf32, #tpu.memory_space<vmem>>, vector<1x1x16xf32>,
        %get3A_369 = arith.constant 0 : i32
        %get3A_370 = arith.index_cast %get3A_369 : i32 to index
        %get3A_371 = arith.index_cast %add3A_334 : i32 to index
        %get3A_372 = arith.constant 32 : index
        %get3A_373 = tpu.vector_load %arg11[%get3A_370, %get3A_371, %get3A_372] {strides = array<i32>} : memref<2x125x64xf32, #tpu.memory_space<vmem>>, vector<1x1x16xf32>,
        %get3A_374 = vector.shape_cast %get3A_373 : vector<1x1x16xf32> to vector<16xf32>
        %mul3A_375 = arith.mulf %get3A_374, %get3A_340 : vector<16xf32>
        %swap3A_376 = arith.constant 0 : i32
        %swap3A_377 = arith.index_cast %swap3A_376 : i32 to index
        %swap3A_378 = arith.index_cast %add3A_334 : i32 to index
        %swap3A_379 = arith.constant 32 : index
        %swap3A_380 = tpu.vector_load %arg11[%swap3A_377, %swap3A_378, %swap3A_379] {strides = array<i32>} : memref<2x125x64xf32, #tpu.memory_space<vmem>>, vector<1x1x16xf32>,
        %swap3A_381 = vector.shape_cast %swap3A_380 : vector<1x1x16xf32> to vector<16xf32>
        %swap3A_382 = vector.shape_cast %mul3A_375 : vector<16xf32> to vector<1x1x16xf32>
        tpu.vector_store %arg11[%swap3A_377, %swap3A_378, %swap3A_379], %swap3A_382 {strides = array<i32>} : memref<2x125x64xf32, #tpu.memory_space<vmem>>, vector<1x1x16xf32>,
        %get3A_383 = arith.constant 0 : i32
        %get3A_384 = arith.index_cast %get3A_383 : i32 to index
        %get3A_385 = arith.index_cast %add3A_334 : i32 to index
        %get3A_386 = arith.constant 48 : index
        %get3A_387 = tpu.vector_load %arg11[%get3A_384, %get3A_385, %get3A_386] {strides = array<i32>} : memref<2x125x64xf32, #tpu.memory_space<vmem>>, vector<1x1x16xf32>,
        %get3A_388 = vector.shape_cast %get3A_387 : vector<1x1x16xf32> to vector<16xf32>
        %mul3A_389 = arith.mulf %get3A_388, %get3A_340 : vector<16xf32>
        %swap3A_390 = arith.constant 0 : i32
        %swap3A_391 = arith.index_cast %swap3A_390 : i32 to index
        %swap3A_392 = arith.index_cast %add3A_334 : i32 to index
        %swap3A_393 = arith.constant 48 : index
        %swap3A_394 = tpu.vector_load %arg11[%swap3A_391, %swap3A_392, %swap3A_393] {strides = array<i32>} : memref<2x125x64xf32, #tpu.memory_space<vmem>>, vector<1x1x16xf32>,
        %swap3A_395 = vector.shape_cast %swap3A_394 : vector<1x1x16xf32> to vector<16xf32>
        %swap3A_396 = vector.shape_cast %mul3A_389 : vector<16xf32> to vector<1x1x16xf32>
        tpu.vector_store %arg11[%swap3A_391, %swap3A_392, %swap3A_393], %swap3A_396 {strides = array<i32>} : memref<2x125x64xf32, #tpu.memory_space<vmem>>, vector<1x1x16xf32>,
        %mul3A_397 = arith.constant 5 : i32
        %mul3A_398 = arith.muli %scan3A_200, %mul3A_397 : i32
        %add3A_399 = arith.constant 3 : i32
        %add3A_400 = arith.addi %mul3A_398, %add3A_399 : i32
        %get3A_401 = arith.constant 0 : i32
        %get3A_402 = arith.index_cast %get3A_401 : i32 to index
        %get3A_403 = arith.index_cast %add3A_400 : i32 to index
        %get3A_404 = arith.constant 0 : index
        %get3A_405 = tpu.vector_load %arg10[%get3A_402, %get3A_403, %get3A_404] {strides = array<i32>} : memref<2x125x16xf32, #tpu.memory_space<vmem>>, vector<1x1x16xf32>,
        %get3A_406 = vector.shape_cast %get3A_405 : vector<1x1x16xf32> to vector<16xf32>
        %get3A_407 = arith.constant 0 : i32
        %get3A_408 = arith.index_cast %get3A_407 : i32 to index
        %get3A_409 = arith.index_cast %add3A_400 : i32 to index
        %get3A_410 = arith.constant 0 : index
        %get3A_411 = tpu.vector_load %arg11[%get3A_408, %get3A_409, %get3A_410] {strides = array<i32>} : memref<2x125x64xf32, #tpu.memory_space<vmem>>, vector<1x1x16xf32>,
        %get3A_412 = vector.shape_cast %get3A_411 : vector<1x1x16xf32> to vector<16xf32>
        %mul3A_413 = arith.mulf %get3A_412, %get3A_406 : vector<16xf32>
        %swap3A_414 = arith.constant 0 : i32
        %swap3A_415 = arith.index_cast %swap3A_414 : i32 to index
        %swap3A_416 = arith.index_cast %add3A_400 : i32 to index
        %swap3A_417 = arith.constant 0 : index
        %swap3A_418 = tpu.vector_load %arg11[%swap3A_415, %swap3A_416, %swap3A_417] {strides = array<i32>} : memref<2x125x64xf32, #tpu.memory_space<vmem>>, vector<1x1x16xf32>,
        %swap3A_419 = vector.shape_cast %swap3A_418 : vector<1x1x16xf32> to vector<16xf32>
        %swap3A_420 = vector.shape_cast %mul3A_413 : vector<16xf32> to vector<1x1x16xf32>
        tpu.vector_store %arg11[%swap3A_415, %swap3A_416, %swap3A_417], %swap3A_420 {strides = array<i32>} : memref<2x125x64xf32, #tpu.memory_space<vmem>>, vector<1x1x16xf32>,
        %get3A_421 = arith.constant 0 : i32
        %get3A_422 = arith.index_cast %get3A_421 : i32 to index
        %get3A_423 = arith.index_cast %add3A_400 : i32 to index
        %get3A_424 = arith.constant 16 : index
        %get3A_425 = tpu.vector_load %arg11[%get3A_422, %get3A_423, %get3A_424] {strides = array<i32>} : memref<2x125x64xf32, #tpu.memory_space<vmem>>, vector<1x1x16xf32>,
        %get3A_426 = vector.shape_cast %get3A_425 : vector<1x1x16xf32> to vector<16xf32>
        %mul3A_427 = arith.mulf %get3A_426, %get3A_406 : vector<16xf32>
        %swap3A_428 = arith.constant 0 : i32
        %swap3A_429 = arith.index_cast %swap3A_428 : i32 to index
        %swap3A_430 = arith.index_cast %add3A_400 : i32 to index
        %swap3A_431 = arith.constant 16 : index
        %swap3A_432 = tpu.vector_load %arg11[%swap3A_429, %swap3A_430, %swap3A_431] {strides = array<i32>} : memref<2x125x64xf32, #tpu.memory_space<vmem>>, vector<1x1x16xf32>,
        %swap3A_433 = vector.shape_cast %swap3A_432 : vector<1x1x16xf32> to vector<16xf32>
        %swap3A_434 = vector.shape_cast %mul3A_427 : vector<16xf32> to vector<1x1x16xf32>
        tpu.vector_store %arg11[%swap3A_429, %swap3A_430, %swap3A_431], %swap3A_434 {strides = array<i32>} : memref<2x125x64xf32, #tpu.memory_space<vmem>>, vector<1x1x16xf32>,
        %get3A_435 = arith.constant 0 : i32
        %get3A_436 = arith.index_cast %get3A_435 : i32 to index
        %get3A_437 = arith.index_cast %add3A_400 : i32 to index
        %get3A_438 = arith.constant 32 : index
        %get3A_439 = tpu.vector_load %arg11[%get3A_436, %get3A_437, %get3A_438] {strides = array<i32>} : memref<2x125x64xf32, #tpu.memory_space<vmem>>, vector<1x1x16xf32>,
        %get3A_440 = vector.shape_cast %get3A_439 : vector<1x1x16xf32> to vector<16xf32>
        %mul3A_441 = arith.mulf %get3A_440, %get3A_406 : vector<16xf32>
        %swap3A_442 = arith.constant 0 : i32
        %swap3A_443 = arith.index_cast %swap3A_442 : i32 to index
        %swap3A_444 = arith.index_cast %add3A_400 : i32 to index
        %swap3A_445 = arith.constant 32 : index
        %swap3A_446 = tpu.vector_load %arg11[%swap3A_443, %swap3A_444, %swap3A_445] {strides = array<i32>} : memref<2x125x64xf32, #tpu.memory_space<vmem>>, vector<1x1x16xf32>,
        %swap3A_447 = vector.shape_cast %swap3A_446 : vector<1x1x16xf32> to vector<16xf32>
        %swap3A_448 = vector.shape_cast %mul3A_441 : vector<16xf32> to vector<1x1x16xf32>
        tpu.vector_store %arg11[%swap3A_443, %swap3A_444, %swap3A_445], %swap3A_448 {strides = array<i32>} : memref<2x125x64xf32, #tpu.memory_space<vmem>>, vector<1x1x16xf32>,
        %get3A_449 = arith.constant 0 : i32
        %get3A_450 = arith.index_cast %get3A_449 : i32 to index
        %get3A_451 = arith.index_cast %add3A_400 : i32 to index
        %get3A_452 = arith.constant 48 : index
        %get3A_453 = tpu.vector_load %arg11[%get3A_450, %get3A_451, %get3A_452] {strides = array<i32>} : memref<2x125x64xf32, #tpu.memory_space<vmem>>, vector<1x1x16xf32>,
        %get3A_454 = vector.shape_cast %get3A_453 : vector<1x1x16xf32> to vector<16xf32>
        %mul3A_455 = arith.mulf %get3A_454, %get3A_406 : vector<16xf32>
        %swap3A_456 = arith.constant 0 : i32
        %swap3A_457 = arith.index_cast %swap3A_456 : i32 to index
        %swap3A_458 = arith.index_cast %add3A_400 : i32 to index
        %swap3A_459 = arith.constant 48 : index
        %swap3A_460 = tpu.vector_load %arg11[%swap3A_457, %swap3A_458, %swap3A_459] {strides = array<i32>} : memref<2x125x64xf32, #tpu.memory_space<vmem>>, vector<1x1x16xf32>,
        %swap3A_461 = vector.shape_cast %swap3A_460 : vector<1x1x16xf32> to vector<16xf32>
        %swap3A_462 = vector.shape_cast %mul3A_455 : vector<16xf32> to vector<1x1x16xf32>
        tpu.vector_store %arg11[%swap3A_457, %swap3A_458, %swap3A_459], %swap3A_462 {strides = array<i32>} : memref<2x125x64xf32, #tpu.memory_space<vmem>>, vector<1x1x16xf32>,
        %mul3A_463 = arith.constant 5 : i32
        %mul3A_464 = arith.muli %scan3A_200, %mul3A_463 : i32
        %add3A_465 = arith.constant 4 : i32
        %add3A_466 = arith.addi %mul3A_464, %add3A_465 : i32
        %get3A_467 = arith.constant 0 : i32
        %get3A_468 = arith.index_cast %get3A_467 : i32 to index
        %get3A_469 = arith.index_cast %add3A_466 : i32 to index
        %get3A_470 = arith.constant 0 : index
        %get3A_471 = tpu.vector_load %arg10[%get3A_468, %get3A_469, %get3A_470] {strides = array<i32>} : memref<2x125x16xf32, #tpu.memory_space<vmem>>, vector<1x1x16xf32>,
        %get3A_472 = vector.shape_cast %get3A_471 : vector<1x1x16xf32> to vector<16xf32>
        %get3A_473 = arith.constant 0 : i32
        %get3A_474 = arith.index_cast %get3A_473 : i32 to index
        %get3A_475 = arith.index_cast %add3A_466 : i32 to index
        %get3A_476 = arith.constant 0 : index
        %get3A_477 = tpu.vector_load %arg11[%get3A_474, %get3A_475, %get3A_476] {strides = array<i32>} : memref<2x125x64xf32, #tpu.memory_space<vmem>>, vector<1x1x16xf32>,
        %get3A_478 = vector.shape_cast %get3A_477 : vector<1x1x16xf32> to vector<16xf32>
        %mul3A_479 = arith.mulf %get3A_478, %get3A_472 : vector<16xf32>
        %swap3A_480 = arith.constant 0 : i32
        %swap3A_481 = arith.index_cast %swap3A_480 : i32 to index
        %swap3A_482 = arith.index_cast %add3A_466 : i32 to index
        %swap3A_483 = arith.constant 0 : index
        %swap3A_484 = tpu.vector_load %arg11[%swap3A_481, %swap3A_482, %swap3A_483] {strides = array<i32>} : memref<2x125x64xf32, #tpu.memory_space<vmem>>, vector<1x1x16xf32>,
        %swap3A_485 = vector.shape_cast %swap3A_484 : vector<1x1x16xf32> to vector<16xf32>
        %swap3A_486 = vector.shape_cast %mul3A_479 : vector<16xf32> to vector<1x1x16xf32>
        tpu.vector_store %arg11[%swap3A_481, %swap3A_482, %swap3A_483], %swap3A_486 {strides = array<i32>} : memref<2x125x64xf32, #tpu.memory_space<vmem>>, vector<1x1x16xf32>,
        %get3A_487 = arith.constant 0 : i32
        %get3A_488 = arith.index_cast %get3A_487 : i32 to index
        %get3A_489 = arith.index_cast %add3A_466 : i32 to index
        %get3A_490 = arith.constant 16 : index
        %get3A_491 = tpu.vector_load %arg11[%get3A_488, %get3A_489, %get3A_490] {strides = array<i32>} : memref<2x125x64xf32, #tpu.memory_space<vmem>>, vector<1x1x16xf32>,
        %get3A_492 = vector.shape_cast %get3A_491 : vector<1x1x16xf32> to vector<16xf32>
        %mul3A_493 = arith.mulf %get3A_492, %get3A_472 : vector<16xf32>
        %swap3A_494 = arith.constant 0 : i32
        %swap3A_495 = arith.index_cast %swap3A_494 : i32 to index
        %swap3A_496 = arith.index_cast %add3A_466 : i32 to index
        %swap3A_497 = arith.constant 16 : index
        %swap3A_498 = tpu.vector_load %arg11[%swap3A_495, %swap3A_496, %swap3A_497] {strides = array<i32>} : memref<2x125x64xf32, #tpu.memory_space<vmem>>, vector<1x1x16xf32>,
        %swap3A_499 = vector.shape_cast %swap3A_498 : vector<1x1x16xf32> to vector<16xf32>
        %swap3A_500 = vector.shape_cast %mul3A_493 : vector<16xf32> to vector<1x1x16xf32>
        tpu.vector_store %arg11[%swap3A_495, %swap3A_496, %swap3A_497], %swap3A_500 {strides = array<i32>} : memref<2x125x64xf32, #tpu.memory_space<vmem>>, vector<1x1x16xf32>,
        %get3A_501 = arith.constant 0 : i32
        %get3A_502 = arith.index_cast %get3A_501 : i32 to index
        %get3A_503 = arith.index_cast %add3A_466 : i32 to index
        %get3A_504 = arith.constant 32 : index
        %get3A_505 = tpu.vector_load %arg11[%get3A_502, %get3A_503, %get3A_504] {strides = array<i32>} : memref<2x125x64xf32, #tpu.memory_space<vmem>>, vector<1x1x16xf32>,
        %get3A_506 = vector.shape_cast %get3A_505 : vector<1x1x16xf32> to vector<16xf32>
        %mul3A_507 = arith.mulf %get3A_506, %get3A_472 : vector<16xf32>
        %swap3A_508 = arith.constant 0 : i32
        %swap3A_509 = arith.index_cast %swap3A_508 : i32 to index
        %swap3A_510 = arith.index_cast %add3A_466 : i32 to index
        %swap3A_511 = arith.constant 32 : index
        %swap3A_512 = tpu.vector_load %arg11[%swap3A_509, %swap3A_510, %swap3A_511] {strides = array<i32>} : memref<2x125x64xf32, #tpu.memory_space<vmem>>, vector<1x1x16xf32>,
        %swap3A_513 = vector.shape_cast %swap3A_512 : vector<1x1x16xf32> to vector<16xf32>
        %swap3A_514 = vector.shape_cast %mul3A_507 : vector<16xf32> to vector<1x1x16xf32>
        tpu.vector_store %arg11[%swap3A_509, %swap3A_510, %swap3A_511], %swap3A_514 {strides = array<i32>} : memref<2x125x64xf32, #tpu.memory_space<vmem>>, vector<1x1x16xf32>,
        %get3A_515 = arith.constant 0 : i32
        %get3A_516 = arith.index_cast %get3A_515 : i32 to index
        %get3A_517 = arith.index_cast %add3A_466 : i32 to index
        %get3A_518 = arith.constant 48 : index
        %get3A_519 = tpu.vector_load %arg11[%get3A_516, %get3A_517, %get3A_518] {strides = array<i32>} : memref<2x125x64xf32, #tpu.memory_space<vmem>>, vector<1x1x16xf32>,
        %get3A_520 = vector.shape_cast %get3A_519 : vector<1x1x16xf32> to vector<16xf32>
        %mul3A_521 = arith.mulf %get3A_520, %get3A_472 : vector<16xf32>
        %swap3A_522 = arith.constant 0 : i32
        %swap3A_523 = arith.index_cast %swap3A_522 : i32 to index
        %swap3A_524 = arith.index_cast %add3A_466 : i32 to index
        %swap3A_525 = arith.constant 48 : index
        %swap3A_526 = tpu.vector_load %arg11[%swap3A_523, %swap3A_524, %swap3A_525] {strides = array<i32>} : memref<2x125x64xf32, #tpu.memory_space<vmem>>, vector<1x1x16xf32>,
        %swap3A_527 = vector.shape_cast %swap3A_526 : vector<1x1x16xf32> to vector<16xf32>
        %swap3A_528 = vector.shape_cast %mul3A_521 : vector<16xf32> to vector<1x1x16xf32>
        tpu.vector_store %arg11[%swap3A_523, %swap3A_524, %swap3A_525], %swap3A_528 {strides = array<i32>} : memref<2x125x64xf32, #tpu.memory_space<vmem>>, vector<1x1x16xf32>,
      }
      %scan3A_117 = arith.constant 25 : i32
      %add3A_118 = arith.constant 0 : i32
      %add3A_119 = arith.addi %mul3A_15, %add3A_118 : i32
      %dma_start3A_120 = arith.constant 0 : i32
      %dma_start3A_121 = arith.constant 0 : i32
      %dma_start3A_122 = arith.constant 0 : i32
      %dma_start3A_123 = tpu.memref_slice %arg11[%dma_start3A_120, %dma_start3A_121, %dma_start3A_122] : memref<2x125x64xf32, #tpu.memory_space<vmem>> -> memref<1x125x64xf32, #tpu.memory_space<vmem>>
      %dma_start3A_124 = tpu.memref_squeeze %dma_start3A_123 : memref<1x125x64xf32, #tpu.memory_space<vmem>> -> memref<125x64xf32, #tpu.memory_space<vmem>>
      %dma_start3A_125 = arith.constant 0 : i32
      %dma_start3A_126 = tpu.memref_slice %arg9[%add3A_119, %dma_start3A_125] : memref<40x125xi32, #tpu.memory_space<vmem>> -> memref<1x125xi32, #tpu.memory_space<vmem>>
      %dma_start3A_127 = tpu.memref_squeeze %dma_start3A_126 : memref<1x125xi32, #tpu.memory_space<vmem>> -> memref<125xi32, #tpu.memory_space<vmem>>
      %dma_start3A_128 = arith.constant 0 : i32
      %dma_start3A_129 = arith.constant 0 : i32
      %dma_start3A_130 = tpu.memref_slice %arg12[%dma_start3A_128, %dma_start3A_129] : memref<10240x64xf32, #tpu.memory_space<vmem_shared>> -> memref<10240x64xf32, #tpu.memory_space<vmem_shared>>
      tpu.enqueue_indirect_dma source(%dma_start3A_124 : memref<125x64xf32, #tpu.memory_space<vmem>>) target(%dma_start3A_130 : memref<10240x64xf32, #tpu.memory_space<vmem_shared>>) offsets(%dma_start3A_127 : memref<125xi32, #tpu.memory_space<vmem>>) semaphore(%arg18 : memref<!tpu.dma_semaphore, #tpu.memory_space<semaphore_mem>>) {add = true}
      %dma_wait3A_131 = arith.constant 1 : i32
      %dma_wait3A_132 = arith.constant 0 : i32
      %dma_wait3A_133 = arith.constant 0 : i32
      %dma_wait3A_134 = tpu.memref_slice %arg10[%dma_wait3A_131, %dma_wait3A_132, %dma_wait3A_133] : memref<2x125x16xf32, #tpu.memory_space<vmem>> -> memref<1x125x16xf32, #tpu.memory_space<vmem>>
      %dma_wait3A_135 = tpu.memref_squeeze %dma_wait3A_134 : memref<1x125x16xf32, #tpu.memory_space<vmem>> -> memref<125x16xf32, #tpu.memory_space<vmem>>
      %dma_wait3A_136 = arith.constant 0 : i32
      %dma_wait3A_137 = arith.constant 0 : i32
      %dma_wait3A_138 = tpu.memref_slice %arg5[%add3A_41, %dma_wait3A_136, %dma_wait3A_137] : memref<1280x125x16xf32, #tpu.memory_space<hbm>> -> memref<1x125x16xf32, #tpu.memory_space<hbm>>
      %dma_wait3A_139 = tpu.memref_squeeze %dma_wait3A_138 : memref<1x125x16xf32, #tpu.memory_space<hbm>> -> memref<125x16xf32, #tpu.memory_space<hbm>>
      %dma_wait3A_140 = arith.constant 0 : i32
      %dma_wait3A_141 = arith.constant 0 : i32
      %dma_wait3A_142 = tpu.memref_slice %arg10[%dma_wait3A_131, %dma_wait3A_140, %dma_wait3A_141] : memref<2x125x16xf32, #tpu.memory_space<vmem>> -> memref<1x125x16xf32, #tpu.memory_space<vmem>>
      %dma_wait3A_143 = tpu.memref_squeeze %dma_wait3A_142 : memref<1x125x16xf32, #tpu.memory_space<vmem>> -> memref<125x16xf32, #tpu.memory_space<vmem>>
      %dma_wait3A_144 = arith.constant 0 : i32
      %dma_wait3A_145 = arith.constant 0 : i32
      %dma_wait3A_146 = tpu.memref_slice %arg5[%add3A_41, %dma_wait3A_144, %dma_wait3A_145] : memref<1280x125x16xf32, #tpu.memory_space<hbm>> -> memref<1x125x16xf32, #tpu.memory_space<hbm>>
      %dma_wait3A_147 = tpu.memref_squeeze %dma_wait3A_146 : memref<1x125x16xf32, #tpu.memory_space<hbm>> -> memref<125x16xf32, #tpu.memory_space<hbm>>
      tpu.wait_dma2 semaphore(%arg15 : memref<!tpu.dma_semaphore, #tpu.memory_space<semaphore_mem>>) src(%dma_wait3A_147 : memref<125x16xf32, #tpu.memory_space<hbm>>) dst(%dma_wait3A_143 : memref<125x16xf32, #tpu.memory_space<vmem>>)
      %dma_wait3A_148 = arith.constant 1 : i32
      %dma_wait3A_149 = arith.constant 0 : i32
      %dma_wait3A_150 = arith.constant 0 : i32
      %dma_wait3A_151 = tpu.memref_slice %arg11[%dma_wait3A_148, %dma_wait3A_149, %dma_wait3A_150] : memref<2x125x64xf32, #tpu.memory_space<vmem>> -> memref<1x125x64xf32, #tpu.memory_space<vmem>>
      %dma_wait3A_152 = tpu.memref_squeeze %dma_wait3A_151 : memref<1x125x64xf32, #tpu.memory_space<vmem>> -> memref<125x64xf32, #tpu.memory_space<vmem>>
      %dma_wait3A_153 = arith.constant 0 : i32
      %dma_wait3A_154 = tpu.memref_slice %arg8[%add3A_73, %dma_wait3A_153] : memref<40x125xi32, #tpu.memory_space<vmem>> -> memref<1x125xi32, #tpu.memory_space<vmem>>
      %dma_wait3A_155 = tpu.memref_squeeze %dma_wait3A_154 : memref<1x125xi32, #tpu.memory_space<vmem>> -> memref<125xi32, #tpu.memory_space<vmem>>
      %dma_wait3A_156 = arith.constant 0 : i32
      %dma_wait3A_157 = arith.constant 0 : i32
      %dma_wait3A_158 = tpu.memref_slice %arg13[%dma_wait3A_156, %dma_wait3A_157] : memref<10240x64xf32, #tpu.memory_space<vmem_shared>> -> memref<10240x64xf32, #tpu.memory_space<vmem_shared>>
      tpu.wait_indirect_dma semaphore(%arg17 : memref<!tpu.dma_semaphore, #tpu.memory_space<semaphore_mem>>) src(%dma_wait3A_158 : memref<10240x64xf32, #tpu.memory_space<vmem_shared>>) dst(%dma_wait3A_152 : memref<125x64xf32, #tpu.memory_space<vmem>>)
      %scan3A_159 = arith.constant 0 : i32
      %scan3A_160 = arith.constant 0 : i32
      %scan3A_161 = arith.constant 25 : i32
      %scan3A_162 = arith.addi %scan3A_160, %scan3A_161 : i32
      %scan3A_163 = arith.constant 1 : i32
      scf.for %scan3A_200 = %scan3A_160 to %scan3A_162 step %scan3A_163  : i32 {
        %mul3A_201 = arith.constant 5 : i32
        %mul3A_202 = arith.muli %scan3A_200, %mul3A_201 : i32
        %add3A_203 = arith.constant 0 : i32
        %add3A_204 = arith.addi %mul3A_202, %add3A_203 : i32
        %get3A = arith.constant 1 : i32
        %get3A_205 = arith.index_cast %get3A : i32 to index
        %get3A_206 = arith.index_cast %add3A_204 : i32 to index
        %get3A_207 = arith.constant 0 : index
        %get3A_208 = tpu.vector_load %arg10[%get3A_205, %get3A_206, %get3A_207] {strides = array<i32>} : memref<2x125x16xf32, #tpu.memory_space<vmem>>, vector<1x1x16xf32>,
        %get3A_209 = vector.shape_cast %get3A_208 : vector<1x1x16xf32> to vector<16xf32>
        %get3A_210 = arith.constant 1 : i32
        %get3A_211 = arith.index_cast %get3A_210 : i32 to index
        %get3A_212 = arith.index_cast %add3A_204 : i32 to index
        %get3A_213 = arith.constant 0 : index
        %get3A_214 = tpu.vector_load %arg11[%get3A_211, %get3A_212, %get3A_213] {strides = array<i32>} : memref<2x125x64xf32, #tpu.memory_space<vmem>>, vector<1x1x16xf32>,
        %get3A_215 = vector.shape_cast %get3A_214 : vector<1x1x16xf32> to vector<16xf32>
        %mul3A_216 = arith.mulf %get3A_215, %get3A_209 : vector<16xf32>
        %swap3A = arith.constant 1 : i32
        %swap3A_217 = arith.index_cast %swap3A : i32 to index
        %swap3A_218 = arith.index_cast %add3A_204 : i32 to index
        %swap3A_219 = arith.constant 0 : index
        %swap3A_220 = tpu.vector_load %arg11[%swap3A_217, %swap3A_218, %swap3A_219] {strides = array<i32>} : memref<2x125x64xf32, #tpu.memory_space<vmem>>, vector<1x1x16xf32>,
        %swap3A_221 = vector.shape_cast %swap3A_220 : vector<1x1x16xf32> to vector<16xf32>
        %swap3A_222 = vector.shape_cast %mul3A_216 : vector<16xf32> to vector<1x1x16xf32>
        tpu.vector_store %arg11[%swap3A_217, %swap3A_218, %swap3A_219], %swap3A_222 {strides = array<i32>} : memref<2x125x64xf32, #tpu.memory_space<vmem>>, vector<1x1x16xf32>,
        %get3A_223 = arith.constant 1 : i32
        %get3A_224 = arith.index_cast %get3A_223 : i32 to index
        %get3A_225 = arith.index_cast %add3A_204 : i32 to index
        %get3A_226 = arith.constant 16 : index
        %get3A_227 = tpu.vector_load %arg11[%get3A_224, %get3A_225, %get3A_226] {strides = array<i32>} : memref<2x125x64xf32, #tpu.memory_space<vmem>>, vector<1x1x16xf32>,
        %get3A_228 = vector.shape_cast %get3A_227 : vector<1x1x16xf32> to vector<16xf32>
        %mul3A_229 = arith.mulf %get3A_228, %get3A_209 : vector<16xf32>
        %swap3A_230 = arith.constant 1 : i32
        %swap3A_231 = arith.index_cast %swap3A_230 : i32 to index
        %swap3A_232 = arith.index_cast %add3A_204 : i32 to index
        %swap3A_233 = arith.constant 16 : index
        %swap3A_234 = tpu.vector_load %arg11[%swap3A_231, %swap3A_232, %swap3A_233] {strides = array<i32>} : memref<2x125x64xf32, #tpu.memory_space<vmem>>, vector<1x1x16xf32>,
        %swap3A_235 = vector.shape_cast %swap3A_234 : vector<1x1x16xf32> to vector<16xf32>
        %swap3A_236 = vector.shape_cast %mul3A_229 : vector<16xf32> to vector<1x1x16xf32>
        tpu.vector_store %arg11[%swap3A_231, %swap3A_232, %swap3A_233], %swap3A_236 {strides = array<i32>} : memref<2x125x64xf32, #tpu.memory_space<vmem>>, vector<1x1x16xf32>,
        %get3A_237 = arith.constant 1 : i32
        %get3A_238 = arith.index_cast %get3A_237 : i32 to index
        %get3A_239 = arith.index_cast %add3A_204 : i32 to index
        %get3A_240 = arith.constant 32 : index
        %get3A_241 = tpu.vector_load %arg11[%get3A_238, %get3A_239, %get3A_240] {strides = array<i32>} : memref<2x125x64xf32, #tpu.memory_space<vmem>>, vector<1x1x16xf32>,
        %get3A_242 = vector.shape_cast %get3A_241 : vector<1x1x16xf32> to vector<16xf32>
        %mul3A_243 = arith.mulf %get3A_242, %get3A_209 : vector<16xf32>
        %swap3A_244 = arith.constant 1 : i32
        %swap3A_245 = arith.index_cast %swap3A_244 : i32 to index
        %swap3A_246 = arith.index_cast %add3A_204 : i32 to index
        %swap3A_247 = arith.constant 32 : index
        %swap3A_248 = tpu.vector_load %arg11[%swap3A_245, %swap3A_246, %swap3A_247] {strides = array<i32>} : memref<2x125x64xf32, #tpu.memory_space<vmem>>, vector<1x1x16xf32>,
        %swap3A_249 = vector.shape_cast %swap3A_248 : vector<1x1x16xf32> to vector<16xf32>
        %swap3A_250 = vector.shape_cast %mul3A_243 : vector<16xf32> to vector<1x1x16xf32>
        tpu.vector_store %arg11[%swap3A_245, %swap3A_246, %swap3A_247], %swap3A_250 {strides = array<i32>} : memref<2x125x64xf32, #tpu.memory_space<vmem>>, vector<1x1x16xf32>,
        %get3A_251 = arith.constant 1 : i32
        %get3A_252 = arith.index_cast %get3A_251 : i32 to index
        %get3A_253 = arith.index_cast %add3A_204 : i32 to index
        %get3A_254 = arith.constant 48 : index
        %get3A_255 = tpu.vector_load %arg11[%get3A_252, %get3A_253, %get3A_254] {strides = array<i32>} : memref<2x125x64xf32, #tpu.memory_space<vmem>>, vector<1x1x16xf32>,
        %get3A_256 = vector.shape_cast %get3A_255 : vector<1x1x16xf32> to vector<16xf32>
        %mul3A_257 = arith.mulf %get3A_256, %get3A_209 : vector<16xf32>
        %swap3A_258 = arith.constant 1 : i32
        %swap3A_259 = arith.index_cast %swap3A_258 : i32 to index
        %swap3A_260 = arith.index_cast %add3A_204 : i32 to index
        %swap3A_261 = arith.constant 48 : index
        %swap3A_262 = tpu.vector_load %arg11[%swap3A_259, %swap3A_260, %swap3A_261] {strides = array<i32>} : memref<2x125x64xf32, #tpu.memory_space<vmem>>, vector<1x1x16xf32>,
        %swap3A_263 = vector.shape_cast %swap3A_262 : vector<1x1x16xf32> to vector<16xf32>
        %swap3A_264 = vector.shape_cast %mul3A_257 : vector<16xf32> to vector<1x1x16xf32>
        tpu.vector_store %arg11[%swap3A_259, %swap3A_260, %swap3A_261], %swap3A_264 {strides = array<i32>} : memref<2x125x64xf32, #tpu.memory_space<vmem>>, vector<1x1x16xf32>,
        %mul3A_265 = arith.constant 5 : i32
        %mul3A_266 = arith.muli %scan3A_200, %mul3A_265 : i32
        %add3A_267 = arith.constant 1 : i32
        %add3A_268 = arith.addi %mul3A_266, %add3A_267 : i32
        %get3A_269 = arith.constant 1 : i32
        %get3A_270 = arith.index_cast %get3A_269 : i32 to index
        %get3A_271 = arith.index_cast %add3A_268 : i32 to index
        %get3A_272 = arith.constant 0 : index
        %get3A_273 = tpu.vector_load %arg10[%get3A_270, %get3A_271, %get3A_272] {strides = array<i32>} : memref<2x125x16xf32, #tpu.memory_space<vmem>>, vector<1x1x16xf32>,
        %get3A_274 = vector.shape_cast %get3A_273 : vector<1x1x16xf32> to vector<16xf32>
        %get3A_275 = arith.constant 1 : i32
        %get3A_276 = arith.index_cast %get3A_275 : i32 to index
        %get3A_277 = arith.index_cast %add3A_268 : i32 to index
        %get3A_278 = arith.constant 0 : index
        %get3A_279 = tpu.vector_load %arg11[%get3A_276, %get3A_277, %get3A_278] {strides = array<i32>} : memref<2x125x64xf32, #tpu.memory_space<vmem>>, vector<1x1x16xf32>,
        %get3A_280 = vector.shape_cast %get3A_279 : vector<1x1x16xf32> to vector<16xf32>
        %mul3A_281 = arith.mulf %get3A_280, %get3A_274 : vector<16xf32>
        %swap3A_282 = arith.constant 1 : i32
        %swap3A_283 = arith.index_cast %swap3A_282 : i32 to index
        %swap3A_284 = arith.index_cast %add3A_268 : i32 to index
        %swap3A_285 = arith.constant 0 : index
        %swap3A_286 = tpu.vector_load %arg11[%swap3A_283, %swap3A_284, %swap3A_285] {strides = array<i32>} : memref<2x125x64xf32, #tpu.memory_space<vmem>>, vector<1x1x16xf32>,
        %swap3A_287 = vector.shape_cast %swap3A_286 : vector<1x1x16xf32> to vector<16xf32>
        %swap3A_288 = vector.shape_cast %mul3A_281 : vector<16xf32> to vector<1x1x16xf32>
        tpu.vector_store %arg11[%swap3A_283, %swap3A_284, %swap3A_285], %swap3A_288 {strides = array<i32>} : memref<2x125x64xf32, #tpu.memory_space<vmem>>, vector<1x1x16xf32>,
        %get3A_289 = arith.constant 1 : i32
        %get3A_290 = arith.index_cast %get3A_289 : i32 to index
        %get3A_291 = arith.index_cast %add3A_268 : i32 to index
        %get3A_292 = arith.constant 16 : index
        %get3A_293 = tpu.vector_load %arg11[%get3A_290, %get3A_291, %get3A_292] {strides = array<i32>} : memref<2x125x64xf32, #tpu.memory_space<vmem>>, vector<1x1x16xf32>,
        %get3A_294 = vector.shape_cast %get3A_293 : vector<1x1x16xf32> to vector<16xf32>
        %mul3A_295 = arith.mulf %get3A_294, %get3A_274 : vector<16xf32>
        %swap3A_296 = arith.constant 1 : i32
        %swap3A_297 = arith.index_cast %swap3A_296 : i32 to index
        %swap3A_298 = arith.index_cast %add3A_268 : i32 to index
        %swap3A_299 = arith.constant 16 : index
        %swap3A_300 = tpu.vector_load %arg11[%swap3A_297, %swap3A_298, %swap3A_299] {strides = array<i32>} : memref<2x125x64xf32, #tpu.memory_space<vmem>>, vector<1x1x16xf32>,
        %swap3A_301 = vector.shape_cast %swap3A_300 : vector<1x1x16xf32> to vector<16xf32>
        %swap3A_302 = vector.shape_cast %mul3A_295 : vector<16xf32> to vector<1x1x16xf32>
        tpu.vector_store %arg11[%swap3A_297, %swap3A_298, %swap3A_299], %swap3A_302 {strides = array<i32>} : memref<2x125x64xf32, #tpu.memory_space<vmem>>, vector<1x1x16xf32>,
        %get3A_303 = arith.constant 1 : i32
        %get3A_304 = arith.index_cast %get3A_303 : i32 to index
        %get3A_305 = arith.index_cast %add3A_268 : i32 to index
        %get3A_306 = arith.constant 32 : index
        %get3A_307 = tpu.vector_load %arg11[%get3A_304, %get3A_305, %get3A_306] {strides = array<i32>} : memref<2x125x64xf32, #tpu.memory_space<vmem>>, vector<1x1x16xf32>,
        %get3A_308 = vector.shape_cast %get3A_307 : vector<1x1x16xf32> to vector<16xf32>
        %mul3A_309 = arith.mulf %get3A_308, %get3A_274 : vector<16xf32>
        %swap3A_310 = arith.constant 1 : i32
        %swap3A_311 = arith.index_cast %swap3A_310 : i32 to index
        %swap3A_312 = arith.index_cast %add3A_268 : i32 to index
        %swap3A_313 = arith.constant 32 : index
        %swap3A_314 = tpu.vector_load %arg11[%swap3A_311, %swap3A_312, %swap3A_313] {strides = array<i32>} : memref<2x125x64xf32, #tpu.memory_space<vmem>>, vector<1x1x16xf32>,
        %swap3A_315 = vector.shape_cast %swap3A_314 : vector<1x1x16xf32> to vector<16xf32>
        %swap3A_316 = vector.shape_cast %mul3A_309 : vector<16xf32> to vector<1x1x16xf32>
        tpu.vector_store %arg11[%swap3A_311, %swap3A_312, %swap3A_313], %swap3A_316 {strides = array<i32>} : memref<2x125x64xf32, #tpu.memory_space<vmem>>, vector<1x1x16xf32>,
        %get3A_317 = arith.constant 1 : i32
        %get3A_318 = arith.index_cast %get3A_317 : i32 to index
        %get3A_319 = arith.index_cast %add3A_268 : i32 to index
        %get3A_320 = arith.constant 48 : index
        %get3A_321 = tpu.vector_load %arg11[%get3A_318, %get3A_319, %get3A_320] {strides = array<i32>} : memref<2x125x64xf32, #tpu.memory_space<vmem>>, vector<1x1x16xf32>,
        %get3A_322 = vector.shape_cast %get3A_321 : vector<1x1x16xf32> to vector<16xf32>
        %mul3A_323 = arith.mulf %get3A_322, %get3A_274 : vector<16xf32>
        %swap3A_324 = arith.constant 1 : i32
        %swap3A_325 = arith.index_cast %swap3A_324 : i32 to index
        %swap3A_326 = arith.index_cast %add3A_268 : i32 to index
        %swap3A_327 = arith.constant 48 : index
        %swap3A_328 = tpu.vector_load %arg11[%swap3A_325, %swap3A_326, %swap3A_327] {strides = array<i32>} : memref<2x125x64xf32, #tpu.memory_space<vmem>>, vector<1x1x16xf32>,
        %swap3A_329 = vector.shape_cast %swap3A_328 : vector<1x1x16xf32> to vector<16xf32>
        %swap3A_330 = vector.shape_cast %mul3A_323 : vector<16xf32> to vector<1x1x16xf32>
        tpu.vector_store %arg11[%swap3A_325, %swap3A_326, %swap3A_327], %swap3A_330 {strides = array<i32>} : memref<2x125x64xf32, #tpu.memory_space<vmem>>, vector<1x1x16xf32>,
        %mul3A_331 = arith.constant 5 : i32
        %mul3A_332 = arith.muli %scan3A_200, %mul3A_331 : i32
        %add3A_333 = arith.constant 2 : i32
        %add3A_334 = arith.addi %mul3A_332, %add3A_333 : i32
        %get3A_335 = arith.constant 1 : i32
        %get3A_336 = arith.index_cast %get3A_335 : i32 to index
        %get3A_337 = arith.index_cast %add3A_334 : i32 to index
        %get3A_338 = arith.constant 0 : index
        %get3A_339 = tpu.vector_load %arg10[%get3A_336, %get3A_337, %get3A_338] {strides = array<i32>} : memref<2x125x16xf32, #tpu.memory_space<vmem>>, vector<1x1x16xf32>,
        %get3A_340 = vector.shape_cast %get3A_339 : vector<1x1x16xf32> to vector<16xf32>
        %get3A_341 = arith.constant 1 : i32
        %get3A_342 = arith.index_cast %get3A_341 : i32 to index
        %get3A_343 = arith.index_cast %add3A_334 : i32 to index
        %get3A_344 = arith.constant 0 : index
        %get3A_345 = tpu.vector_load %arg11[%get3A_342, %get3A_343, %get3A_344] {strides = array<i32>} : memref<2x125x64xf32, #tpu.memory_space<vmem>>, vector<1x1x16xf32>,
        %get3A_346 = vector.shape_cast %get3A_345 : vector<1x1x16xf32> to vector<16xf32>
        %mul3A_347 = arith.mulf %get3A_346, %get3A_340 : vector<16xf32>
        %swap3A_348 = arith.constant 1 : i32
        %swap3A_349 = arith.index_cast %swap3A_348 : i32 to index
        %swap3A_350 = arith.index_cast %add3A_334 : i32 to index
        %swap3A_351 = arith.constant 0 : index
        %swap3A_352 = tpu.vector_load %arg11[%swap3A_349, %swap3A_350, %swap3A_351] {strides = array<i32>} : memref<2x125x64xf32, #tpu.memory_space<vmem>>, vector<1x1x16xf32>,
        %swap3A_353 = vector.shape_cast %swap3A_352 : vector<1x1x16xf32> to vector<16xf32>
        %swap3A_354 = vector.shape_cast %mul3A_347 : vector<16xf32> to vector<1x1x16xf32>
        tpu.vector_store %arg11[%swap3A_349, %swap3A_350, %swap3A_351], %swap3A_354 {strides = array<i32>} : memref<2x125x64xf32, #tpu.memory_space<vmem>>, vector<1x1x16xf32>,
        %get3A_355 = arith.constant 1 : i32
        %get3A_356 = arith.index_cast %get3A_355 : i32 to index
        %get3A_357 = arith.index_cast %add3A_334 : i32 to index
        %get3A_358 = arith.constant 16 : index
        %get3A_359 = tpu.vector_load %arg11[%get3A_356, %get3A_357, %get3A_358] {strides = array<i32>} : memref<2x125x64xf32, #tpu.memory_space<vmem>>, vector<1x1x16xf32>,
        %get3A_360 = vector.shape_cast %get3A_359 : vector<1x1x16xf32> to vector<16xf32>
        %mul3A_361 = arith.mulf %get3A_360, %get3A_340 : vector<16xf32>
        %swap3A_362 = arith.constant 1 : i32
        %swap3A_363 = arith.index_cast %swap3A_362 : i32 to index
        %swap3A_364 = arith.index_cast %add3A_334 : i32 to index
        %swap3A_365 = arith.constant 16 : index
        %swap3A_366 = tpu.vector_load %arg11[%swap3A_363, %swap3A_364, %swap3A_365] {strides = array<i32>} : memref<2x125x64xf32, #tpu.memory_space<vmem>>, vector<1x1x16xf32>,
        %swap3A_367 = vector.shape_cast %swap3A_366 : vector<1x1x16xf32> to vector<16xf32>
        %swap3A_368 = vector.shape_cast %mul3A_361 : vector<16xf32> to vector<1x1x16xf32>
        tpu.vector_store %arg11[%swap3A_363, %swap3A_364, %swap3A_365], %swap3A_368 {strides = array<i32>} : memref<2x125x64xf32, #tpu.memory_space<vmem>>, vector<1x1x16xf32>,
        %get3A_369 = arith.constant 1 : i32
        %get3A_370 = arith.index_cast %get3A_369 : i32 to index
        %get3A_371 = arith.index_cast %add3A_334 : i32 to index
        %get3A_372 = arith.constant 32 : index
        %get3A_373 = tpu.vector_load %arg11[%get3A_370, %get3A_371, %get3A_372] {strides = array<i32>} : memref<2x125x64xf32, #tpu.memory_space<vmem>>, vector<1x1x16xf32>,
        %get3A_374 = vector.shape_cast %get3A_373 : vector<1x1x16xf32> to vector<16xf32>
        %mul3A_375 = arith.mulf %get3A_374, %get3A_340 : vector<16xf32>
        %swap3A_376 = arith.constant 1 : i32
        %swap3A_377 = arith.index_cast %swap3A_376 : i32 to index
        %swap3A_378 = arith.index_cast %add3A_334 : i32 to index
        %swap3A_379 = arith.constant 32 : index
        %swap3A_380 = tpu.vector_load %arg11[%swap3A_377, %swap3A_378, %swap3A_379] {strides = array<i32>} : memref<2x125x64xf32, #tpu.memory_space<vmem>>, vector<1x1x16xf32>,
        %swap3A_381 = vector.shape_cast %swap3A_380 : vector<1x1x16xf32> to vector<16xf32>
        %swap3A_382 = vector.shape_cast %mul3A_375 : vector<16xf32> to vector<1x1x16xf32>
        tpu.vector_store %arg11[%swap3A_377, %swap3A_378, %swap3A_379], %swap3A_382 {strides = array<i32>} : memref<2x125x64xf32, #tpu.memory_space<vmem>>, vector<1x1x16xf32>,
        %get3A_383 = arith.constant 1 : i32
        %get3A_384 = arith.index_cast %get3A_383 : i32 to index
        %get3A_385 = arith.index_cast %add3A_334 : i32 to index
        %get3A_386 = arith.constant 48 : index
        %get3A_387 = tpu.vector_load %arg11[%get3A_384, %get3A_385, %get3A_386] {strides = array<i32>} : memref<2x125x64xf32, #tpu.memory_space<vmem>>, vector<1x1x16xf32>,
        %get3A_388 = vector.shape_cast %get3A_387 : vector<1x1x16xf32> to vector<16xf32>
        %mul3A_389 = arith.mulf %get3A_388, %get3A_340 : vector<16xf32>
        %swap3A_390 = arith.constant 1 : i32
        %swap3A_391 = arith.index_cast %swap3A_390 : i32 to index
        %swap3A_392 = arith.index_cast %add3A_334 : i32 to index
        %swap3A_393 = arith.constant 48 : index
        %swap3A_394 = tpu.vector_load %arg11[%swap3A_391, %swap3A_392, %swap3A_393] {strides = array<i32>} : memref<2x125x64xf32, #tpu.memory_space<vmem>>, vector<1x1x16xf32>,
        %swap3A_395 = vector.shape_cast %swap3A_394 : vector<1x1x16xf32> to vector<16xf32>
        %swap3A_396 = vector.shape_cast %mul3A_389 : vector<16xf32> to vector<1x1x16xf32>
        tpu.vector_store %arg11[%swap3A_391, %swap3A_392, %swap3A_393], %swap3A_396 {strides = array<i32>} : memref<2x125x64xf32, #tpu.memory_space<vmem>>, vector<1x1x16xf32>,
        %mul3A_397 = arith.constant 5 : i32
        %mul3A_398 = arith.muli %scan3A_200, %mul3A_397 : i32
        %add3A_399 = arith.constant 3 : i32
        %add3A_400 = arith.addi %mul3A_398, %add3A_399 : i32
        %get3A_401 = arith.constant 1 : i32
        %get3A_402 = arith.index_cast %get3A_401 : i32 to index
        %get3A_403 = arith.index_cast %add3A_400 : i32 to index
        %get3A_404 = arith.constant 0 : index
        %get3A_405 = tpu.vector_load %arg10[%get3A_402, %get3A_403, %get3A_404] {strides = array<i32>} : memref<2x125x16xf32, #tpu.memory_space<vmem>>, vector<1x1x16xf32>,
        %get3A_406 = vector.shape_cast %get3A_405 : vector<1x1x16xf32> to vector<16xf32>
        %get3A_407 = arith.constant 1 : i32
        %get3A_408 = arith.index_cast %get3A_407 : i32 to index
        %get3A_409 = arith.index_cast %add3A_400 : i32 to index
        %get3A_410 = arith.constant 0 : index
        %get3A_411 = tpu.vector_load %arg11[%get3A_408, %get3A_409, %get3A_410] {strides = array<i32>} : memref<2x125x64xf32, #tpu.memory_space<vmem>>, vector<1x1x16xf32>,
        %get3A_412 = vector.shape_cast %get3A_411 : vector<1x1x16xf32> to vector<16xf32>
        %mul3A_413 = arith.mulf %get3A_412, %get3A_406 : vector<16xf32>
        %swap3A_414 = arith.constant 1 : i32
        %swap3A_415 = arith.index_cast %swap3A_414 : i32 to index
        %swap3A_416 = arith.index_cast %add3A_400 : i32 to index
        %swap3A_417 = arith.constant 0 : index
        %swap3A_418 = tpu.vector_load %arg11[%swap3A_415, %swap3A_416, %swap3A_417] {strides = array<i32>} : memref<2x125x64xf32, #tpu.memory_space<vmem>>, vector<1x1x16xf32>,
        %swap3A_419 = vector.shape_cast %swap3A_418 : vector<1x1x16xf32> to vector<16xf32>
        %swap3A_420 = vector.shape_cast %mul3A_413 : vector<16xf32> to vector<1x1x16xf32>
        tpu.vector_store %arg11[%swap3A_415, %swap3A_416, %swap3A_417], %swap3A_420 {strides = array<i32>} : memref<2x125x64xf32, #tpu.memory_space<vmem>>, vector<1x1x16xf32>,
        %get3A_421 = arith.constant 1 : i32
        %get3A_422 = arith.index_cast %get3A_421 : i32 to index
        %get3A_423 = arith.index_cast %add3A_400 : i32 to index
        %get3A_424 = arith.constant 16 : index
        %get3A_425 = tpu.vector_load %arg11[%get3A_422, %get3A_423, %get3A_424] {strides = array<i32>} : memref<2x125x64xf32, #tpu.memory_space<vmem>>, vector<1x1x16xf32>,
        %get3A_426 = vector.shape_cast %get3A_425 : vector<1x1x16xf32> to vector<16xf32>
        %mul3A_427 = arith.mulf %get3A_426, %get3A_406 : vector<16xf32>
        %swap3A_428 = arith.constant 1 : i32
        %swap3A_429 = arith.index_cast %swap3A_428 : i32 to index
        %swap3A_430 = arith.index_cast %add3A_400 : i32 to index
        %swap3A_431 = arith.constant 16 : index
        %swap3A_432 = tpu.vector_load %arg11[%swap3A_429, %swap3A_430, %swap3A_431] {strides = array<i32>} : memref<2x125x64xf32, #tpu.memory_space<vmem>>, vector<1x1x16xf32>,
        %swap3A_433 = vector.shape_cast %swap3A_432 : vector<1x1x16xf32> to vector<16xf32>
        %swap3A_434 = vector.shape_cast %mul3A_427 : vector<16xf32> to vector<1x1x16xf32>
        tpu.vector_store %arg11[%swap3A_429, %swap3A_430, %swap3A_431], %swap3A_434 {strides = array<i32>} : memref<2x125x64xf32, #tpu.memory_space<vmem>>, vector<1x1x16xf32>,
        %get3A_435 = arith.constant 1 : i32
        %get3A_436 = arith.index_cast %get3A_435 : i32 to index
        %get3A_437 = arith.index_cast %add3A_400 : i32 to index
        %get3A_438 = arith.constant 32 : index
        %get3A_439 = tpu.vector_load %arg11[%get3A_436, %get3A_437, %get3A_438] {strides = array<i32>} : memref<2x125x64xf32, #tpu.memory_space<vmem>>, vector<1x1x16xf32>,
        %get3A_440 = vector.shape_cast %get3A_439 : vector<1x1x16xf32> to vector<16xf32>
        %mul3A_441 = arith.mulf %get3A_440, %get3A_406 : vector<16xf32>
        %swap3A_442 = arith.constant 1 : i32
        %swap3A_443 = arith.index_cast %swap3A_442 : i32 to index
        %swap3A_444 = arith.index_cast %add3A_400 : i32 to index
        %swap3A_445 = arith.constant 32 : index
        %swap3A_446 = tpu.vector_load %arg11[%swap3A_443, %swap3A_444, %swap3A_445] {strides = array<i32>} : memref<2x125x64xf32, #tpu.memory_space<vmem>>, vector<1x1x16xf32>,
        %swap3A_447 = vector.shape_cast %swap3A_446 : vector<1x1x16xf32> to vector<16xf32>
        %swap3A_448 = vector.shape_cast %mul3A_441 : vector<16xf32> to vector<1x1x16xf32>
        tpu.vector_store %arg11[%swap3A_443, %swap3A_444, %swap3A_445], %swap3A_448 {strides = array<i32>} : memref<2x125x64xf32, #tpu.memory_space<vmem>>, vector<1x1x16xf32>,
        %get3A_449 = arith.constant 1 : i32
        %get3A_450 = arith.index_cast %get3A_449 : i32 to index
        %get3A_451 = arith.index_cast %add3A_400 : i32 to index
        %get3A_452 = arith.constant 48 : index
        %get3A_453 = tpu.vector_load %arg11[%get3A_450, %get3A_451, %get3A_452] {strides = array<i32>} : memref<2x125x64xf32, #tpu.memory_space<vmem>>, vector<1x1x16xf32>,
        %get3A_454 = vector.shape_cast %get3A_453 : vector<1x1x16xf32> to vector<16xf32>
        %mul3A_455 = arith.mulf %get3A_454, %get3A_406 : vector<16xf32>
        %swap3A_456 = arith.constant 1 : i32
        %swap3A_457 = arith.index_cast %swap3A_456 : i32 to index
        %swap3A_458 = arith.index_cast %add3A_400 : i32 to index
        %swap3A_459 = arith.constant 48 : index
        %swap3A_460 = tpu.vector_load %arg11[%swap3A_457, %swap3A_458, %swap3A_459] {strides = array<i32>} : memref<2x125x64xf32, #tpu.memory_space<vmem>>, vector<1x1x16xf32>,
        %swap3A_461 = vector.shape_cast %swap3A_460 : vector<1x1x16xf32> to vector<16xf32>
        %swap3A_462 = vector.shape_cast %mul3A_455 : vector<16xf32> to vector<1x1x16xf32>
        tpu.vector_store %arg11[%swap3A_457, %swap3A_458, %swap3A_459], %swap3A_462 {strides = array<i32>} : memref<2x125x64xf32, #tpu.memory_space<vmem>>, vector<1x1x16xf32>,
        %mul3A_463 = arith.constant 5 : i32
        %mul3A_464 = arith.muli %scan3A_200, %mul3A_463 : i32
        %add3A_465 = arith.constant 4 : i32
        %add3A_466 = arith.addi %mul3A_464, %add3A_465 : i32
        %get3A_467 = arith.constant 1 : i32
        %get3A_468 = arith.index_cast %get3A_467 : i32 to index
        %get3A_469 = arith.index_cast %add3A_466 : i32 to index
        %get3A_470 = arith.constant 0 : index
        %get3A_471 = tpu.vector_load %arg10[%get3A_468, %get3A_469, %get3A_470] {strides = array<i32>} : memref<2x125x16xf32, #tpu.memory_space<vmem>>, vector<1x1x16xf32>,
        %get3A_472 = vector.shape_cast %get3A_471 : vector<1x1x16xf32> to vector<16xf32>
        %get3A_473 = arith.constant 1 : i32
        %get3A_474 = arith.index_cast %get3A_473 : i32 to index
        %get3A_475 = arith.index_cast %add3A_466 : i32 to index
        %get3A_476 = arith.constant 0 : index
        %get3A_477 = tpu.vector_load %arg11[%get3A_474, %get3A_475, %get3A_476] {strides = array<i32>} : memref<2x125x64xf32, #tpu.memory_space<vmem>>, vector<1x1x16xf32>,
        %get3A_478 = vector.shape_cast %get3A_477 : vector<1x1x16xf32> to vector<16xf32>
        %mul3A_479 = arith.mulf %get3A_478, %get3A_472 : vector<16xf32>
        %swap3A_480 = arith.constant 1 : i32
        %swap3A_481 = arith.index_cast %swap3A_480 : i32 to index
        %swap3A_482 = arith.index_cast %add3A_466 : i32 to index
        %swap3A_483 = arith.constant 0 : index
        %swap3A_484 = tpu.vector_load %arg11[%swap3A_481, %swap3A_482, %swap3A_483] {strides = array<i32>} : memref<2x125x64xf32, #tpu.memory_space<vmem>>, vector<1x1x16xf32>,
        %swap3A_485 = vector.shape_cast %swap3A_484 : vector<1x1x16xf32> to vector<16xf32>
        %swap3A_486 = vector.shape_cast %mul3A_479 : vector<16xf32> to vector<1x1x16xf32>
        tpu.vector_store %arg11[%swap3A_481, %swap3A_482, %swap3A_483], %swap3A_486 {strides = array<i32>} : memref<2x125x64xf32, #tpu.memory_space<vmem>>, vector<1x1x16xf32>,
        %get3A_487 = arith.constant 1 : i32
        %get3A_488 = arith.index_cast %get3A_487 : i32 to index
        %get3A_489 = arith.index_cast %add3A_466 : i32 to index
        %get3A_490 = arith.constant 16 : index
        %get3A_491 = tpu.vector_load %arg11[%get3A_488, %get3A_489, %get3A_490] {strides = array<i32>} : memref<2x125x64xf32, #tpu.memory_space<vmem>>, vector<1x1x16xf32>,
        %get3A_492 = vector.shape_cast %get3A_491 : vector<1x1x16xf32> to vector<16xf32>
        %mul3A_493 = arith.mulf %get3A_492, %get3A_472 : vector<16xf32>
        %swap3A_494 = arith.constant 1 : i32
        %swap3A_495 = arith.index_cast %swap3A_494 : i32 to index
        %swap3A_496 = arith.index_cast %add3A_466 : i32 to index
        %swap3A_497 = arith.constant 16 : index
        %swap3A_498 = tpu.vector_load %arg11[%swap3A_495, %swap3A_496, %swap3A_497] {strides = array<i32>} : memref<2x125x64xf32, #tpu.memory_space<vmem>>, vector<1x1x16xf32>,
        %swap3A_499 = vector.shape_cast %swap3A_498 : vector<1x1x16xf32> to vector<16xf32>
        %swap3A_500 = vector.shape_cast %mul3A_493 : vector<16xf32> to vector<1x1x16xf32>
        tpu.vector_store %arg11[%swap3A_495, %swap3A_496, %swap3A_497], %swap3A_500 {strides = array<i32>} : memref<2x125x64xf32, #tpu.memory_space<vmem>>, vector<1x1x16xf32>,
        %get3A_501 = arith.constant 1 : i32
        %get3A_502 = arith.index_cast %get3A_501 : i32 to index
        %get3A_503 = arith.index_cast %add3A_466 : i32 to index
        %get3A_504 = arith.constant 32 : index
        %get3A_505 = tpu.vector_load %arg11[%get3A_502, %get3A_503, %get3A_504] {strides = array<i32>} : memref<2x125x64xf32, #tpu.memory_space<vmem>>, vector<1x1x16xf32>,
        %get3A_506 = vector.shape_cast %get3A_505 : vector<1x1x16xf32> to vector<16xf32>
        %mul3A_507 = arith.mulf %get3A_506, %get3A_472 : vector<16xf32>
        %swap3A_508 = arith.constant 1 : i32
        %swap3A_509 = arith.index_cast %swap3A_508 : i32 to index
        %swap3A_510 = arith.index_cast %add3A_466 : i32 to index
        %swap3A_511 = arith.constant 32 : index
        %swap3A_512 = tpu.vector_load %arg11[%swap3A_509, %swap3A_510, %swap3A_511] {strides = array<i32>} : memref<2x125x64xf32, #tpu.memory_space<vmem>>, vector<1x1x16xf32>,
        %swap3A_513 = vector.shape_cast %swap3A_512 : vector<1x1x16xf32> to vector<16xf32>
        %swap3A_514 = vector.shape_cast %mul3A_507 : vector<16xf32> to vector<1x1x16xf32>
        tpu.vector_store %arg11[%swap3A_509, %swap3A_510, %swap3A_511], %swap3A_514 {strides = array<i32>} : memref<2x125x64xf32, #tpu.memory_space<vmem>>, vector<1x1x16xf32>,
        %get3A_515 = arith.constant 1 : i32
        %get3A_516 = arith.index_cast %get3A_515 : i32 to index
        %get3A_517 = arith.index_cast %add3A_466 : i32 to index
        %get3A_518 = arith.constant 48 : index
        %get3A_519 = tpu.vector_load %arg11[%get3A_516, %get3A_517, %get3A_518] {strides = array<i32>} : memref<2x125x64xf32, #tpu.memory_space<vmem>>, vector<1x1x16xf32>,
        %get3A_520 = vector.shape_cast %get3A_519 : vector<1x1x16xf32> to vector<16xf32>
        %mul3A_521 = arith.mulf %get3A_520, %get3A_472 : vector<16xf32>
        %swap3A_522 = arith.constant 1 : i32
        %swap3A_523 = arith.index_cast %swap3A_522 : i32 to index
        %swap3A_524 = arith.index_cast %add3A_466 : i32 to index
        %swap3A_525 = arith.constant 48 : index
        %swap3A_526 = tpu.vector_load %arg11[%swap3A_523, %swap3A_524, %swap3A_525] {strides = array<i32>} : memref<2x125x64xf32, #tpu.memory_space<vmem>>, vector<1x1x16xf32>,
        %swap3A_527 = vector.shape_cast %swap3A_526 : vector<1x1x16xf32> to vector<16xf32>
        %swap3A_528 = vector.shape_cast %mul3A_521 : vector<16xf32> to vector<1x1x16xf32>
        tpu.vector_store %arg11[%swap3A_523, %swap3A_524, %swap3A_525], %swap3A_528 {strides = array<i32>} : memref<2x125x64xf32, #tpu.memory_space<vmem>>, vector<1x1x16xf32>,
      }
      %scan3A_164 = arith.constant 25 : i32
      %add3A_165 = arith.constant 1 : i32
      %add3A_166 = arith.addi %mul3A_15, %add3A_165 : i32
      %dma_start3A_167 = arith.constant 1 : i32
      %dma_start3A_168 = arith.constant 0 : i32
      %dma_start3A_169 = arith.constant 0 : i32
      %dma_start3A_170 = tpu.memref_slice %arg11[%dma_start3A_167, %dma_start3A_168, %dma_start3A_169] : memref<2x125x64xf32, #tpu.memory_space<vmem>> -> memref<1x125x64xf32, #tpu.memory_space<vmem>>
      %dma_start3A_171 = tpu.memref_squeeze %dma_start3A_170 : memref<1x125x64xf32, #tpu.memory_space<vmem>> -> memref<125x64xf32, #tpu.memory_space<vmem>>
      %dma_start3A_172 = arith.constant 0 : i32
      %dma_start3A_173 = tpu.memref_slice %arg9[%add3A_166, %dma_start3A_172] : memref<40x125xi32, #tpu.memory_space<vmem>> -> memref<1x125xi32, #tpu.memory_space<vmem>>
      %dma_start3A_174 = tpu.memref_squeeze %dma_start3A_173 : memref<1x125xi32, #tpu.memory_space<vmem>> -> memref<125xi32, #tpu.memory_space<vmem>>
      %dma_start3A_175 = arith.constant 0 : i32
      %dma_start3A_176 = arith.constant 0 : i32
      %dma_start3A_177 = tpu.memref_slice %arg12[%dma_start3A_175, %dma_start3A_176] : memref<10240x64xf32, #tpu.memory_space<vmem_shared>> -> memref<10240x64xf32, #tpu.memory_space<vmem_shared>>
      tpu.enqueue_indirect_dma source(%dma_start3A_171 : memref<125x64xf32, #tpu.memory_space<vmem>>) target(%dma_start3A_177 : memref<10240x64xf32, #tpu.memory_space<vmem_shared>>) offsets(%dma_start3A_174 : memref<125xi32, #tpu.memory_space<vmem>>) semaphore(%arg19 : memref<!tpu.dma_semaphore, #tpu.memory_space<semaphore_mem>>) {add = true}
      %dma_wait3A_178 = arith.constant 0 : i32
      %dma_wait3A_179 = arith.constant 0 : i32
      %dma_wait3A_180 = arith.constant 0 : i32
      %dma_wait3A_181 = tpu.memref_slice %arg11[%dma_wait3A_178, %dma_wait3A_179, %dma_wait3A_180] : memref<2x125x64xf32, #tpu.memory_space<vmem>> -> memref<1x125x64xf32, #tpu.memory_space<vmem>>
      %dma_wait3A_182 = tpu.memref_squeeze %dma_wait3A_181 : memref<1x125x64xf32, #tpu.memory_space<vmem>> -> memref<125x64xf32, #tpu.memory_space<vmem>>
      %dma_wait3A_183 = arith.constant 0 : i32
      %dma_wait3A_184 = tpu.memref_slice %arg9[%add3A_119, %dma_wait3A_183] : memref<40x125xi32, #tpu.memory_space<vmem>> -> memref<1x125xi32, #tpu.memory_space<vmem>>
      %dma_wait3A_185 = tpu.memref_squeeze %dma_wait3A_184 : memref<1x125xi32, #tpu.memory_space<vmem>> -> memref<125xi32, #tpu.memory_space<vmem>>
      %dma_wait3A_186 = arith.constant 0 : i32
      %dma_wait3A_187 = arith.constant 0 : i32
      %dma_wait3A_188 = tpu.memref_slice %arg12[%dma_wait3A_186, %dma_wait3A_187] : memref<10240x64xf32, #tpu.memory_space<vmem_shared>> -> memref<10240x64xf32, #tpu.memory_space<vmem_shared>>
      tpu.wait_indirect_dma semaphore(%arg18 : memref<!tpu.dma_semaphore, #tpu.memory_space<semaphore_mem>>) src(%dma_wait3A_182 : memref<125x64xf32, #tpu.memory_space<vmem>>) dst(%dma_wait3A_188 : memref<10240x64xf32, #tpu.memory_space<vmem_shared>>)
      %dma_wait3A_189 = arith.constant 1 : i32
      %dma_wait3A_190 = arith.constant 0 : i32
      %dma_wait3A_191 = arith.constant 0 : i32
      %dma_wait3A_192 = tpu.memref_slice %arg11[%dma_wait3A_189, %dma_wait3A_190, %dma_wait3A_191] : memref<2x125x64xf32, #tpu.memory_space<vmem>> -> memref<1x125x64xf32, #tpu.memory_space<vmem>>
      %dma_wait3A_193 = tpu.memref_squeeze %dma_wait3A_192 : memref<1x125x64xf32, #tpu.memory_space<vmem>> -> memref<125x64xf32, #tpu.memory_space<vmem>>
      %dma_wait3A_194 = arith.constant 0 : i32
      %dma_wait3A_195 = tpu.memref_slice %arg9[%add3A_166, %dma_wait3A_194] : memref<40x125xi32, #tpu.memory_space<vmem>> -> memref<1x125xi32, #tpu.memory_space<vmem>>
      %dma_wait3A_196 = tpu.memref_squeeze %dma_wait3A_195 : memref<1x125xi32, #tpu.memory_space<vmem>> -> memref<125xi32, #tpu.memory_space<vmem>>
      %dma_wait3A_197 = arith.constant 0 : i32
      %dma_wait3A_198 = arith.constant 0 : i32
      %dma_wait3A_199 = tpu.memref_slice %arg12[%dma_wait3A_197, %dma_wait3A_198] : memref<10240x64xf32, #tpu.memory_space<vmem_shared>> -> memref<10240x64xf32, #tpu.memory_space<vmem_shared>>
      tpu.wait_indirect_dma semaphore(%arg19 : memref<!tpu.dma_semaphore, #tpu.memory_space<semaphore_mem>>) src(%dma_wait3A_193 : memref<125x64xf32, #tpu.memory_space<vmem>>) dst(%dma_wait3A_199 : memref<10240x64xf32, #tpu.memory_space<vmem_shared>>)
    }
    %scan3A_11 = arith.constant 20 : i32
    %barrier3A_12 = arith.constant 0 : index
    tpu.barrier barrier_id(%barrier3A_12)
    "tpu.region"() ({
      %run_scoped3A = tpu.sem_alloc : memref<!tpu.dma_semaphore, #tpu.memory_space<semaphore_mem>>
      %dma_start3A = arith.constant 0 : i32
      %dma_start3A_13 = arith.constant 0 : i32
      %dma_start3A_14 = tpu.memref_slice %arg7[%arg0, %dma_start3A, %dma_start3A_13] : memref<2x10240x64xf32, #tpu.memory_space<hbm>> -> memref<1x10240x64xf32, #tpu.memory_space<hbm>>
      %dma_start3A_15 = tpu.memref_squeeze %dma_start3A_14 : memref<1x10240x64xf32, #tpu.memory_space<hbm>> -> memref<10240x64xf32, #tpu.memory_space<hbm>>
      %dma_start3A_16 = arith.constant 0 : i32
      %dma_start3A_17 = tpu.memref_slice %dma_start3A_15[%mul3A_2, %dma_start3A_16] : memref<10240x64xf32, #tpu.memory_space<hbm>> -> memref<640x64xf32, #tpu.memory_space<hbm>>
      %dma_start3A_18 = arith.constant 0 : i32
      %dma_start3A_19 = tpu.memref_slice %arg12[%mul3A_2, %dma_start3A_18] : memref<10240x64xf32, #tpu.memory_space<vmem_shared>> -> memref<640x64xf32, #tpu.memory_space<vmem_shared>>
      tpu.enqueue_dma source(%dma_start3A_19 : memref<640x64xf32, #tpu.memory_space<vmem_shared>>) target(%dma_start3A_17 : memref<640x64xf32, #tpu.memory_space<hbm>>) target_semaphore(%run_scoped3A : memref<!tpu.dma_semaphore, #tpu.memory_space<semaphore_mem>>)
      %dma_wait3A = arith.constant 0 : i32
      %dma_wait3A_20 = arith.constant 0 : i32
      %dma_wait3A_21 = tpu.memref_slice %arg7[%arg0, %dma_wait3A, %dma_wait3A_20] : memref<2x10240x64xf32, #tpu.memory_space<hbm>> -> memref<1x10240x64xf32, #tpu.memory_space<hbm>>
      %dma_wait3A_22 = tpu.memref_squeeze %dma_wait3A_21 : memref<1x10240x64xf32, #tpu.memory_space<hbm>> -> memref<10240x64xf32, #tpu.memory_space<hbm>>
      %dma_wait3A_23 = arith.constant 0 : i32
      %dma_wait3A_24 = tpu.memref_slice %dma_wait3A_22[%mul3A_2, %dma_wait3A_23] : memref<10240x64xf32, #tpu.memory_space<hbm>> -> memref<640x64xf32, #tpu.memory_space<hbm>>
      %dma_wait3A_25 = arith.constant 0 : i32
      %dma_wait3A_26 = tpu.memref_slice %arg12[%mul3A_2, %dma_wait3A_25] : memref<10240x64xf32, #tpu.memory_space<vmem_shared>> -> memref<640x64xf32, #tpu.memory_space<vmem_shared>>
      tpu.wait_dma2 semaphore(%run_scoped3A : memref<!tpu.dma_semaphore, #tpu.memory_space<semaphore_mem>>) src(%dma_wait3A_26 : memref<640x64xf32, #tpu.memory_space<vmem_shared>>) dst(%dma_wait3A_24 : memref<640x64xf32, #tpu.memory_space<hbm>>)
      tpu.yield
    }) : () -> ()
    return
  }
}

#map = affine_map<(d0, d1) -> (0, 0)>
#map1 = affine_map<(d0, d1) -> (0, 0, 0)>
module attributes {stable_mosaic.version = 14 : i64} {
  func.func @agg(%arg0: i32, %arg1: i32, %arg2: memref<10240x16xf32, #tpu.memory_space<hbm>>, %arg3: memref<1280x125xi32, #tpu.memory_space<hbm>>, %arg4: memref<1280x125xi32, #tpu.memory_space<hbm>>, %arg5: memref<1280x125x16xf32, #tpu.memory_space<hbm>>, %arg6: memref<10240x16xf32, #tpu.memory_space<hbm>>, %arg7: memref<2x10240x16xf32, #tpu.memory_space<hbm>>, %arg8: memref<40x125xi32, #tpu.memory_space<vmem>>, %arg9: memref<40x125xi32, #tpu.memory_space<vmem>>, %arg10: memref<2x125x16xf32, #tpu.memory_space<vmem>>, %arg11: memref<2x125x16xf32, #tpu.memory_space<vmem>>, %arg12: memref<10240x16xf32, #tpu.memory_space<vmem_shared>>, %arg13: memref<10240x16xf32, #tpu.memory_space<vmem_shared>>, %arg14: memref<!tpu.dma_semaphore, #tpu.memory_space<semaphore_mem>>, %arg15: memref<!tpu.dma_semaphore, #tpu.memory_space<semaphore_mem>>, %arg16: memref<!tpu.dma_semaphore, #tpu.memory_space<semaphore_mem>>, %arg17: memref<!tpu.dma_semaphore, #tpu.memory_space<semaphore_mem>>, %arg18: memref<!tpu.dma_semaphore, #tpu.memory_space<semaphore_mem>>, %arg19: memref<!tpu.dma_semaphore, #tpu.memory_space<semaphore_mem>>) attributes {dimension_semantics = [#tpu.dimension_semantics<core_parallel>, #tpu.dimension_semantics<subcore_parallel>], iteration_bounds = array<i64: 2, 16>, scalar_prefetch = 0 : i64, scratch_operands = 12 : i64, tpu.core_type = #tpu.core_type<sc_vector_subcore>, window_params = [{transform_indices = #map}, {transform_indices = #map}, {transform_indices = #map}, {transform_indices = #map1}, {transform_indices = #map}, {transform_indices = #map1}]} {
    %mul3A = arith.constant 16 : i32
    %mul3A_0 = arith.muli %arg0, %mul3A : i32
    %add3A = arith.addi %mul3A_0, %arg1 : i32
    %mul3A_1 = arith.constant 640 : i32
    %mul3A_2 = arith.muli %arg1, %mul3A_1 : i32
    "tpu.region"() ({
      %run_scoped3A = tpu.sem_alloc : memref<!tpu.dma_semaphore, #tpu.memory_space<semaphore_mem>>
      %dma_start3A = arith.constant 0 : i32
      %dma_start3A_13 = tpu.memref_slice %arg12[%mul3A_2, %dma_start3A] : memref<10240x16xf32, #tpu.memory_space<vmem_shared>> -> memref<640x16xf32, #tpu.memory_space<vmem_shared>>
      %dma_start3A_14 = arith.constant 0 : i32
      %dma_start3A_15 = tpu.memref_slice %arg6[%mul3A_2, %dma_start3A_14] : memref<10240x16xf32, #tpu.memory_space<hbm>> -> memref<640x16xf32, #tpu.memory_space<hbm>>
      tpu.enqueue_dma source(%dma_start3A_15 : memref<640x16xf32, #tpu.memory_space<hbm>>) target(%dma_start3A_13 : memref<640x16xf32, #tpu.memory_space<vmem_shared>>) target_semaphore(%run_scoped3A : memref<!tpu.dma_semaphore, #tpu.memory_space<semaphore_mem>>)
      %dma_wait3A = arith.constant 0 : i32
      %dma_wait3A_16 = tpu.memref_slice %arg12[%mul3A_2, %dma_wait3A] : memref<10240x16xf32, #tpu.memory_space<vmem_shared>> -> memref<640x16xf32, #tpu.memory_space<vmem_shared>>
      %dma_wait3A_17 = arith.constant 0 : i32
      %dma_wait3A_18 = tpu.memref_slice %arg6[%mul3A_2, %dma_wait3A_17] : memref<10240x16xf32, #tpu.memory_space<hbm>> -> memref<640x16xf32, #tpu.memory_space<hbm>>
      tpu.wait_dma2 semaphore(%run_scoped3A : memref<!tpu.dma_semaphore, #tpu.memory_space<semaphore_mem>>) src(%dma_wait3A_18 : memref<640x16xf32, #tpu.memory_space<hbm>>) dst(%dma_wait3A_16 : memref<640x16xf32, #tpu.memory_space<vmem_shared>>)
      tpu.yield
    }) : () -> ()
    "tpu.region"() ({
      %run_scoped3A = tpu.sem_alloc : memref<!tpu.dma_semaphore, #tpu.memory_space<semaphore_mem>>
      %dma_start3A = arith.constant 0 : i32
      %dma_start3A_13 = tpu.memref_slice %arg13[%mul3A_2, %dma_start3A] : memref<10240x16xf32, #tpu.memory_space<vmem_shared>> -> memref<640x16xf32, #tpu.memory_space<vmem_shared>>
      %dma_start3A_14 = arith.constant 0 : i32
      %dma_start3A_15 = tpu.memref_slice %arg2[%mul3A_2, %dma_start3A_14] : memref<10240x16xf32, #tpu.memory_space<hbm>> -> memref<640x16xf32, #tpu.memory_space<hbm>>
      tpu.enqueue_dma source(%dma_start3A_15 : memref<640x16xf32, #tpu.memory_space<hbm>>) target(%dma_start3A_13 : memref<640x16xf32, #tpu.memory_space<vmem_shared>>) target_semaphore(%run_scoped3A : memref<!tpu.dma_semaphore, #tpu.memory_space<semaphore_mem>>)
      %dma_wait3A = arith.constant 0 : i32
      %dma_wait3A_16 = tpu.memref_slice %arg13[%mul3A_2, %dma_wait3A] : memref<10240x16xf32, #tpu.memory_space<vmem_shared>> -> memref<640x16xf32, #tpu.memory_space<vmem_shared>>
      %dma_wait3A_17 = arith.constant 0 : i32
      %dma_wait3A_18 = tpu.memref_slice %arg2[%mul3A_2, %dma_wait3A_17] : memref<10240x16xf32, #tpu.memory_space<hbm>> -> memref<640x16xf32, #tpu.memory_space<hbm>>
      tpu.wait_dma2 semaphore(%run_scoped3A : memref<!tpu.dma_semaphore, #tpu.memory_space<semaphore_mem>>) src(%dma_wait3A_18 : memref<640x16xf32, #tpu.memory_space<hbm>>) dst(%dma_wait3A_16 : memref<640x16xf32, #tpu.memory_space<vmem_shared>>)
      tpu.yield
    }) : () -> ()
    %mul3A_3 = arith.constant 40 : i32
    %mul3A_4 = arith.muli %add3A, %mul3A_3 : i32
    "tpu.region"() ({
      %run_scoped3A = tpu.sem_alloc : memref<!tpu.dma_semaphore, #tpu.memory_space<semaphore_mem>>
      %dma_start3A = arith.constant 0 : i32
      %dma_start3A_13 = tpu.memref_slice %arg3[%mul3A_4, %dma_start3A] : memref<1280x125xi32, #tpu.memory_space<hbm>> -> memref<40x125xi32, #tpu.memory_space<hbm>>
      %dma_start3A_14 = arith.constant 0 : i32
      %dma_start3A_15 = tpu.memref_slice %arg3[%mul3A_4, %dma_start3A_14] : memref<1280x125xi32, #tpu.memory_space<hbm>> -> memref<40x125xi32, #tpu.memory_space<hbm>>
      tpu.enqueue_dma source(%dma_start3A_15 : memref<40x125xi32, #tpu.memory_space<hbm>>) target(%arg8 : memref<40x125xi32, #tpu.memory_space<vmem>>) target_semaphore(%run_scoped3A : memref<!tpu.dma_semaphore, #tpu.memory_space<semaphore_mem>>)
      %dma_wait3A = arith.constant 0 : i32
      %dma_wait3A_16 = tpu.memref_slice %arg3[%mul3A_4, %dma_wait3A] : memref<1280x125xi32, #tpu.memory_space<hbm>> -> memref<40x125xi32, #tpu.memory_space<hbm>>
      %dma_wait3A_17 = arith.constant 0 : i32
      %dma_wait3A_18 = tpu.memref_slice %arg3[%mul3A_4, %dma_wait3A_17] : memref<1280x125xi32, #tpu.memory_space<hbm>> -> memref<40x125xi32, #tpu.memory_space<hbm>>
      tpu.wait_dma2 semaphore(%run_scoped3A : memref<!tpu.dma_semaphore, #tpu.memory_space<semaphore_mem>>) src(%dma_wait3A_18 : memref<40x125xi32, #tpu.memory_space<hbm>>) dst(%arg8 : memref<40x125xi32, #tpu.memory_space<vmem>>)
      tpu.yield
    }) : () -> ()
    %mul3A_5 = arith.constant 40 : i32
    %mul3A_6 = arith.muli %add3A, %mul3A_5 : i32
    "tpu.region"() ({
      %run_scoped3A = tpu.sem_alloc : memref<!tpu.dma_semaphore, #tpu.memory_space<semaphore_mem>>
      %dma_start3A = arith.constant 0 : i32
      %dma_start3A_13 = tpu.memref_slice %arg4[%mul3A_6, %dma_start3A] : memref<1280x125xi32, #tpu.memory_space<hbm>> -> memref<40x125xi32, #tpu.memory_space<hbm>>
      %dma_start3A_14 = arith.constant 0 : i32
      %dma_start3A_15 = tpu.memref_slice %arg4[%mul3A_6, %dma_start3A_14] : memref<1280x125xi32, #tpu.memory_space<hbm>> -> memref<40x125xi32, #tpu.memory_space<hbm>>
      tpu.enqueue_dma source(%dma_start3A_15 : memref<40x125xi32, #tpu.memory_space<hbm>>) target(%arg9 : memref<40x125xi32, #tpu.memory_space<vmem>>) target_semaphore(%run_scoped3A : memref<!tpu.dma_semaphore, #tpu.memory_space<semaphore_mem>>)
      %dma_wait3A = arith.constant 0 : i32
      %dma_wait3A_16 = tpu.memref_slice %arg4[%mul3A_6, %dma_wait3A] : memref<1280x125xi32, #tpu.memory_space<hbm>> -> memref<40x125xi32, #tpu.memory_space<hbm>>
      %dma_wait3A_17 = arith.constant 0 : i32
      %dma_wait3A_18 = tpu.memref_slice %arg4[%mul3A_6, %dma_wait3A_17] : memref<1280x125xi32, #tpu.memory_space<hbm>> -> memref<40x125xi32, #tpu.memory_space<hbm>>
      tpu.wait_dma2 semaphore(%run_scoped3A : memref<!tpu.dma_semaphore, #tpu.memory_space<semaphore_mem>>) src(%dma_wait3A_18 : memref<40x125xi32, #tpu.memory_space<hbm>>) dst(%arg9 : memref<40x125xi32, #tpu.memory_space<vmem>>)
      tpu.yield
    }) : () -> ()
    %barrier3A = arith.constant 0 : index
    tpu.barrier barrier_id(%barrier3A)
    %scan3A = arith.constant 0 : i32
    %scan3A_7 = arith.constant 0 : i32
    %scan3A_8 = arith.constant 20 : i32
    %scan3A_9 = arith.addi %scan3A_7, %scan3A_8 : i32
    %scan3A_10 = arith.constant 1 : i32
    scf.for %scan3A_13 = %scan3A_7 to %scan3A_9 step %scan3A_10  : i32 {
      %mul3A_14 = arith.constant 2 : i32
      %mul3A_15 = arith.muli %scan3A_13, %mul3A_14 : i32
      %mul3A_16 = arith.constant 40 : i32
      %mul3A_17 = arith.muli %add3A, %mul3A_16 : i32
      %add3A_18 = arith.addi %mul3A_17, %mul3A_15 : i32
      %add3A_19 = arith.constant 0 : i32
      %add3A_20 = arith.addi %add3A_18, %add3A_19 : i32
      %dma_start3A = arith.constant 0 : i32
      %dma_start3A_21 = arith.constant 0 : i32
      %dma_start3A_22 = arith.constant 0 : i32
      %dma_start3A_23 = tpu.memref_slice %arg10[%dma_start3A, %dma_start3A_21, %dma_start3A_22] : memref<2x125x16xf32, #tpu.memory_space<vmem>> -> memref<1x125x16xf32, #tpu.memory_space<vmem>>
      %dma_start3A_24 = tpu.memref_squeeze %dma_start3A_23 : memref<1x125x16xf32, #tpu.memory_space<vmem>> -> memref<125x16xf32, #tpu.memory_space<vmem>>
      %dma_start3A_25 = arith.constant 0 : i32
      %dma_start3A_26 = arith.constant 0 : i32
      %dma_start3A_27 = tpu.memref_slice %arg5[%add3A_20, %dma_start3A_25, %dma_start3A_26] : memref<1280x125x16xf32, #tpu.memory_space<hbm>> -> memref<1x125x16xf32, #tpu.memory_space<hbm>>
      %dma_start3A_28 = tpu.memref_squeeze %dma_start3A_27 : memref<1x125x16xf32, #tpu.memory_space<hbm>> -> memref<125x16xf32, #tpu.memory_space<hbm>>
      %dma_start3A_29 = arith.constant 0 : i32
      %dma_start3A_30 = arith.constant 0 : i32
      %dma_start3A_31 = tpu.memref_slice %arg10[%dma_start3A, %dma_start3A_29, %dma_start3A_30] : memref<2x125x16xf32, #tpu.memory_space<vmem>> -> memref<1x125x16xf32, #tpu.memory_space<vmem>>
      %dma_start3A_32 = tpu.memref_squeeze %dma_start3A_31 : memref<1x125x16xf32, #tpu.memory_space<vmem>> -> memref<125x16xf32, #tpu.memory_space<vmem>>
      %dma_start3A_33 = arith.constant 0 : i32
      %dma_start3A_34 = arith.constant 0 : i32
      %dma_start3A_35 = tpu.memref_slice %arg5[%add3A_20, %dma_start3A_33, %dma_start3A_34] : memref<1280x125x16xf32, #tpu.memory_space<hbm>> -> memref<1x125x16xf32, #tpu.memory_space<hbm>>
      %dma_start3A_36 = tpu.memref_squeeze %dma_start3A_35 : memref<1x125x16xf32, #tpu.memory_space<hbm>> -> memref<125x16xf32, #tpu.memory_space<hbm>>
      tpu.enqueue_dma source(%dma_start3A_36 : memref<125x16xf32, #tpu.memory_space<hbm>>) target(%dma_start3A_32 : memref<125x16xf32, #tpu.memory_space<vmem>>) target_semaphore(%arg14 : memref<!tpu.dma_semaphore, #tpu.memory_space<semaphore_mem>>)
      %mul3A_37 = arith.constant 40 : i32
      %mul3A_38 = arith.muli %add3A, %mul3A_37 : i32
      %add3A_39 = arith.addi %mul3A_38, %mul3A_15 : i32
      %add3A_40 = arith.constant 1 : i32
      %add3A_41 = arith.addi %add3A_39, %add3A_40 : i32
      %dma_start3A_42 = arith.constant 1 : i32
      %dma_start3A_43 = arith.constant 0 : i32
      %dma_start3A_44 = arith.constant 0 : i32
      %dma_start3A_45 = tpu.memref_slice %arg10[%dma_start3A_42, %dma_start3A_43, %dma_start3A_44] : memref<2x125x16xf32, #tpu.memory_space<vmem>> -> memref<1x125x16xf32, #tpu.memory_space<vmem>>
      %dma_start3A_46 = tpu.memref_squeeze %dma_start3A_45 : memref<1x125x16xf32, #tpu.memory_space<vmem>> -> memref<125x16xf32, #tpu.memory_space<vmem>>
      %dma_start3A_47 = arith.constant 0 : i32
      %dma_start3A_48 = arith.constant 0 : i32
      %dma_start3A_49 = tpu.memref_slice %arg5[%add3A_41, %dma_start3A_47, %dma_start3A_48] : memref<1280x125x16xf32, #tpu.memory_space<hbm>> -> memref<1x125x16xf32, #tpu.memory_space<hbm>>
      %dma_start3A_50 = tpu.memref_squeeze %dma_start3A_49 : memref<1x125x16xf32, #tpu.memory_space<hbm>> -> memref<125x16xf32, #tpu.memory_space<hbm>>
      %dma_start3A_51 = arith.constant 0 : i32
      %dma_start3A_52 = arith.constant 0 : i32
      %dma_start3A_53 = tpu.memref_slice %arg10[%dma_start3A_42, %dma_start3A_51, %dma_start3A_52] : memref<2x125x16xf32, #tpu.memory_space<vmem>> -> memref<1x125x16xf32, #tpu.memory_space<vmem>>
      %dma_start3A_54 = tpu.memref_squeeze %dma_start3A_53 : memref<1x125x16xf32, #tpu.memory_space<vmem>> -> memref<125x16xf32, #tpu.memory_space<vmem>>
      %dma_start3A_55 = arith.constant 0 : i32
      %dma_start3A_56 = arith.constant 0 : i32
      %dma_start3A_57 = tpu.memref_slice %arg5[%add3A_41, %dma_start3A_55, %dma_start3A_56] : memref<1280x125x16xf32, #tpu.memory_space<hbm>> -> memref<1x125x16xf32, #tpu.memory_space<hbm>>
      %dma_start3A_58 = tpu.memref_squeeze %dma_start3A_57 : memref<1x125x16xf32, #tpu.memory_space<hbm>> -> memref<125x16xf32, #tpu.memory_space<hbm>>
      tpu.enqueue_dma source(%dma_start3A_58 : memref<125x16xf32, #tpu.memory_space<hbm>>) target(%dma_start3A_54 : memref<125x16xf32, #tpu.memory_space<vmem>>) target_semaphore(%arg15 : memref<!tpu.dma_semaphore, #tpu.memory_space<semaphore_mem>>)
      %add3A_59 = arith.constant 0 : i32
      %add3A_60 = arith.addi %mul3A_15, %add3A_59 : i32
      %dma_start3A_61 = arith.constant 0 : i32
      %dma_start3A_62 = arith.constant 0 : i32
      %dma_start3A_63 = arith.constant 0 : i32
      %dma_start3A_64 = tpu.memref_slice %arg11[%dma_start3A_61, %dma_start3A_62, %dma_start3A_63] : memref<2x125x16xf32, #tpu.memory_space<vmem>> -> memref<1x125x16xf32, #tpu.memory_space<vmem>>
      %dma_start3A_65 = tpu.memref_squeeze %dma_start3A_64 : memref<1x125x16xf32, #tpu.memory_space<vmem>> -> memref<125x16xf32, #tpu.memory_space<vmem>>
      %dma_start3A_66 = arith.constant 0 : i32
      %dma_start3A_67 = tpu.memref_slice %arg8[%add3A_60, %dma_start3A_66] : memref<40x125xi32, #tpu.memory_space<vmem>> -> memref<1x125xi32, #tpu.memory_space<vmem>>
      %dma_start3A_68 = tpu.memref_squeeze %dma_start3A_67 : memref<1x125xi32, #tpu.memory_space<vmem>> -> memref<125xi32, #tpu.memory_space<vmem>>
      %dma_start3A_69 = arith.constant 0 : i32
      %dma_start3A_70 = arith.constant 0 : i32
      %dma_start3A_71 = tpu.memref_slice %arg13[%dma_start3A_69, %dma_start3A_70] : memref<10240x16xf32, #tpu.memory_space<vmem_shared>> -> memref<10240x16xf32, #tpu.memory_space<vmem_shared>>
      tpu.enqueue_indirect_dma source(%dma_start3A_71 : memref<10240x16xf32, #tpu.memory_space<vmem_shared>>) target(%dma_start3A_65 : memref<125x16xf32, #tpu.memory_space<vmem>>) offsets(%dma_start3A_68 : memref<125xi32, #tpu.memory_space<vmem>>) semaphore(%arg16 : memref<!tpu.dma_semaphore, #tpu.memory_space<semaphore_mem>>)
      %add3A_72 = arith.constant 1 : i32
      %add3A_73 = arith.addi %mul3A_15, %add3A_72 : i32
      %dma_start3A_74 = arith.constant 1 : i32
      %dma_start3A_75 = arith.constant 0 : i32
      %dma_start3A_76 = arith.constant 0 : i32
      %dma_start3A_77 = tpu.memref_slice %arg11[%dma_start3A_74, %dma_start3A_75, %dma_start3A_76] : memref<2x125x16xf32, #tpu.memory_space<vmem>> -> memref<1x125x16xf32, #tpu.memory_space<vmem>>
      %dma_start3A_78 = tpu.memref_squeeze %dma_start3A_77 : memref<1x125x16xf32, #tpu.memory_space<vmem>> -> memref<125x16xf32, #tpu.memory_space<vmem>>
      %dma_start3A_79 = arith.constant 0 : i32
      %dma_start3A_80 = tpu.memref_slice %arg8[%add3A_73, %dma_start3A_79] : memref<40x125xi32, #tpu.memory_space<vmem>> -> memref<1x125xi32, #tpu.memory_space<vmem>>
      %dma_start3A_81 = tpu.memref_squeeze %dma_start3A_80 : memref<1x125xi32, #tpu.memory_space<vmem>> -> memref<125xi32, #tpu.memory_space<vmem>>
      %dma_start3A_82 = arith.constant 0 : i32
      %dma_start3A_83 = arith.constant 0 : i32
      %dma_start3A_84 = tpu.memref_slice %arg13[%dma_start3A_82, %dma_start3A_83] : memref<10240x16xf32, #tpu.memory_space<vmem_shared>> -> memref<10240x16xf32, #tpu.memory_space<vmem_shared>>
      tpu.enqueue_indirect_dma source(%dma_start3A_84 : memref<10240x16xf32, #tpu.memory_space<vmem_shared>>) target(%dma_start3A_78 : memref<125x16xf32, #tpu.memory_space<vmem>>) offsets(%dma_start3A_81 : memref<125xi32, #tpu.memory_space<vmem>>) semaphore(%arg17 : memref<!tpu.dma_semaphore, #tpu.memory_space<semaphore_mem>>)
      %dma_wait3A = arith.constant 0 : i32
      %dma_wait3A_85 = arith.constant 0 : i32
      %dma_wait3A_86 = arith.constant 0 : i32
      %dma_wait3A_87 = tpu.memref_slice %arg10[%dma_wait3A, %dma_wait3A_85, %dma_wait3A_86] : memref<2x125x16xf32, #tpu.memory_space<vmem>> -> memref<1x125x16xf32, #tpu.memory_space<vmem>>
      %dma_wait3A_88 = tpu.memref_squeeze %dma_wait3A_87 : memref<1x125x16xf32, #tpu.memory_space<vmem>> -> memref<125x16xf32, #tpu.memory_space<vmem>>
      %dma_wait3A_89 = arith.constant 0 : i32
      %dma_wait3A_90 = arith.constant 0 : i32
      %dma_wait3A_91 = tpu.memref_slice %arg5[%add3A_20, %dma_wait3A_89, %dma_wait3A_90] : memref<1280x125x16xf32, #tpu.memory_space<hbm>> -> memref<1x125x16xf32, #tpu.memory_space<hbm>>
      %dma_wait3A_92 = tpu.memref_squeeze %dma_wait3A_91 : memref<1x125x16xf32, #tpu.memory_space<hbm>> -> memref<125x16xf32, #tpu.memory_space<hbm>>
      %dma_wait3A_93 = arith.constant 0 : i32
      %dma_wait3A_94 = arith.constant 0 : i32
      %dma_wait3A_95 = tpu.memref_slice %arg10[%dma_wait3A, %dma_wait3A_93, %dma_wait3A_94] : memref<2x125x16xf32, #tpu.memory_space<vmem>> -> memref<1x125x16xf32, #tpu.memory_space<vmem>>
      %dma_wait3A_96 = tpu.memref_squeeze %dma_wait3A_95 : memref<1x125x16xf32, #tpu.memory_space<vmem>> -> memref<125x16xf32, #tpu.memory_space<vmem>>
      %dma_wait3A_97 = arith.constant 0 : i32
      %dma_wait3A_98 = arith.constant 0 : i32
      %dma_wait3A_99 = tpu.memref_slice %arg5[%add3A_20, %dma_wait3A_97, %dma_wait3A_98] : memref<1280x125x16xf32, #tpu.memory_space<hbm>> -> memref<1x125x16xf32, #tpu.memory_space<hbm>>
      %dma_wait3A_100 = tpu.memref_squeeze %dma_wait3A_99 : memref<1x125x16xf32, #tpu.memory_space<hbm>> -> memref<125x16xf32, #tpu.memory_space<hbm>>
      tpu.wait_dma2 semaphore(%arg14 : memref<!tpu.dma_semaphore, #tpu.memory_space<semaphore_mem>>) src(%dma_wait3A_100 : memref<125x16xf32, #tpu.memory_space<hbm>>) dst(%dma_wait3A_96 : memref<125x16xf32, #tpu.memory_space<vmem>>)
      %dma_wait3A_101 = arith.constant 0 : i32
      %dma_wait3A_102 = arith.constant 0 : i32
      %dma_wait3A_103 = arith.constant 0 : i32
      %dma_wait3A_104 = tpu.memref_slice %arg11[%dma_wait3A_101, %dma_wait3A_102, %dma_wait3A_103] : memref<2x125x16xf32, #tpu.memory_space<vmem>> -> memref<1x125x16xf32, #tpu.memory_space<vmem>>
      %dma_wait3A_105 = tpu.memref_squeeze %dma_wait3A_104 : memref<1x125x16xf32, #tpu.memory_space<vmem>> -> memref<125x16xf32, #tpu.memory_space<vmem>>
      %dma_wait3A_106 = arith.constant 0 : i32
      %dma_wait3A_107 = tpu.memref_slice %arg8[%add3A_60, %dma_wait3A_106] : memref<40x125xi32, #tpu.memory_space<vmem>> -> memref<1x125xi32, #tpu.memory_space<vmem>>
      %dma_wait3A_108 = tpu.memref_squeeze %dma_wait3A_107 : memref<1x125xi32, #tpu.memory_space<vmem>> -> memref<125xi32, #tpu.memory_space<vmem>>
      %dma_wait3A_109 = arith.constant 0 : i32
      %dma_wait3A_110 = arith.constant 0 : i32
      %dma_wait3A_111 = tpu.memref_slice %arg13[%dma_wait3A_109, %dma_wait3A_110] : memref<10240x16xf32, #tpu.memory_space<vmem_shared>> -> memref<10240x16xf32, #tpu.memory_space<vmem_shared>>
      tpu.wait_indirect_dma semaphore(%arg16 : memref<!tpu.dma_semaphore, #tpu.memory_space<semaphore_mem>>) src(%dma_wait3A_111 : memref<10240x16xf32, #tpu.memory_space<vmem_shared>>) dst(%dma_wait3A_105 : memref<125x16xf32, #tpu.memory_space<vmem>>)
      %scan3A_112 = arith.constant 0 : i32
      %scan3A_113 = arith.constant 0 : i32
      %scan3A_114 = arith.constant 25 : i32
      %scan3A_115 = arith.addi %scan3A_113, %scan3A_114 : i32
      %scan3A_116 = arith.constant 1 : i32
      scf.for %scan3A_200 = %scan3A_113 to %scan3A_115 step %scan3A_116  : i32 {
        %mul3A_201 = arith.constant 5 : i32
        %mul3A_202 = arith.muli %scan3A_200, %mul3A_201 : i32
        %add3A_203 = arith.constant 0 : i32
        %add3A_204 = arith.addi %mul3A_202, %add3A_203 : i32
        %get3A = arith.constant 0 : i32
        %get3A_205 = arith.index_cast %get3A : i32 to index
        %get3A_206 = arith.index_cast %add3A_204 : i32 to index
        %get3A_207 = arith.constant 0 : index
        %get3A_208 = tpu.vector_load %arg10[%get3A_205, %get3A_206, %get3A_207] {strides = array<i32>} : memref<2x125x16xf32, #tpu.memory_space<vmem>>, vector<1x1x16xf32>,
        %get3A_209 = vector.shape_cast %get3A_208 : vector<1x1x16xf32> to vector<16xf32>
        %get3A_210 = arith.constant 0 : i32
        %get3A_211 = arith.index_cast %get3A_210 : i32 to index
        %get3A_212 = arith.index_cast %add3A_204 : i32 to index
        %get3A_213 = arith.constant 0 : index
        %get3A_214 = tpu.vector_load %arg11[%get3A_211, %get3A_212, %get3A_213] {strides = array<i32>} : memref<2x125x16xf32, #tpu.memory_space<vmem>>, vector<1x1x16xf32>,
        %get3A_215 = vector.shape_cast %get3A_214 : vector<1x1x16xf32> to vector<16xf32>
        %mul3A_216 = arith.mulf %get3A_215, %get3A_209 : vector<16xf32>
        %swap3A = arith.constant 0 : i32
        %swap3A_217 = arith.index_cast %swap3A : i32 to index
        %swap3A_218 = arith.index_cast %add3A_204 : i32 to index
        %swap3A_219 = arith.constant 0 : index
        %swap3A_220 = tpu.vector_load %arg11[%swap3A_217, %swap3A_218, %swap3A_219] {strides = array<i32>} : memref<2x125x16xf32, #tpu.memory_space<vmem>>, vector<1x1x16xf32>,
        %swap3A_221 = vector.shape_cast %swap3A_220 : vector<1x1x16xf32> to vector<16xf32>
        %swap3A_222 = vector.shape_cast %mul3A_216 : vector<16xf32> to vector<1x1x16xf32>
        tpu.vector_store %arg11[%swap3A_217, %swap3A_218, %swap3A_219], %swap3A_222 {strides = array<i32>} : memref<2x125x16xf32, #tpu.memory_space<vmem>>, vector<1x1x16xf32>,
        %mul3A_223 = arith.constant 5 : i32
        %mul3A_224 = arith.muli %scan3A_200, %mul3A_223 : i32
        %add3A_225 = arith.constant 1 : i32
        %add3A_226 = arith.addi %mul3A_224, %add3A_225 : i32
        %get3A_227 = arith.constant 0 : i32
        %get3A_228 = arith.index_cast %get3A_227 : i32 to index
        %get3A_229 = arith.index_cast %add3A_226 : i32 to index
        %get3A_230 = arith.constant 0 : index
        %get3A_231 = tpu.vector_load %arg10[%get3A_228, %get3A_229, %get3A_230] {strides = array<i32>} : memref<2x125x16xf32, #tpu.memory_space<vmem>>, vector<1x1x16xf32>,
        %get3A_232 = vector.shape_cast %get3A_231 : vector<1x1x16xf32> to vector<16xf32>
        %get3A_233 = arith.constant 0 : i32
        %get3A_234 = arith.index_cast %get3A_233 : i32 to index
        %get3A_235 = arith.index_cast %add3A_226 : i32 to index
        %get3A_236 = arith.constant 0 : index
        %get3A_237 = tpu.vector_load %arg11[%get3A_234, %get3A_235, %get3A_236] {strides = array<i32>} : memref<2x125x16xf32, #tpu.memory_space<vmem>>, vector<1x1x16xf32>,
        %get3A_238 = vector.shape_cast %get3A_237 : vector<1x1x16xf32> to vector<16xf32>
        %mul3A_239 = arith.mulf %get3A_238, %get3A_232 : vector<16xf32>
        %swap3A_240 = arith.constant 0 : i32
        %swap3A_241 = arith.index_cast %swap3A_240 : i32 to index
        %swap3A_242 = arith.index_cast %add3A_226 : i32 to index
        %swap3A_243 = arith.constant 0 : index
        %swap3A_244 = tpu.vector_load %arg11[%swap3A_241, %swap3A_242, %swap3A_243] {strides = array<i32>} : memref<2x125x16xf32, #tpu.memory_space<vmem>>, vector<1x1x16xf32>,
        %swap3A_245 = vector.shape_cast %swap3A_244 : vector<1x1x16xf32> to vector<16xf32>
        %swap3A_246 = vector.shape_cast %mul3A_239 : vector<16xf32> to vector<1x1x16xf32>
        tpu.vector_store %arg11[%swap3A_241, %swap3A_242, %swap3A_243], %swap3A_246 {strides = array<i32>} : memref<2x125x16xf32, #tpu.memory_space<vmem>>, vector<1x1x16xf32>,
        %mul3A_247 = arith.constant 5 : i32
        %mul3A_248 = arith.muli %scan3A_200, %mul3A_247 : i32
        %add3A_249 = arith.constant 2 : i32
        %add3A_250 = arith.addi %mul3A_248, %add3A_249 : i32
        %get3A_251 = arith.constant 0 : i32
        %get3A_252 = arith.index_cast %get3A_251 : i32 to index
        %get3A_253 = arith.index_cast %add3A_250 : i32 to index
        %get3A_254 = arith.constant 0 : index
        %get3A_255 = tpu.vector_load %arg10[%get3A_252, %get3A_253, %get3A_254] {strides = array<i32>} : memref<2x125x16xf32, #tpu.memory_space<vmem>>, vector<1x1x16xf32>,
        %get3A_256 = vector.shape_cast %get3A_255 : vector<1x1x16xf32> to vector<16xf32>
        %get3A_257 = arith.constant 0 : i32
        %get3A_258 = arith.index_cast %get3A_257 : i32 to index
        %get3A_259 = arith.index_cast %add3A_250 : i32 to index
        %get3A_260 = arith.constant 0 : index
        %get3A_261 = tpu.vector_load %arg11[%get3A_258, %get3A_259, %get3A_260] {strides = array<i32>} : memref<2x125x16xf32, #tpu.memory_space<vmem>>, vector<1x1x16xf32>,
        %get3A_262 = vector.shape_cast %get3A_261 : vector<1x1x16xf32> to vector<16xf32>
        %mul3A_263 = arith.mulf %get3A_262, %get3A_256 : vector<16xf32>
        %swap3A_264 = arith.constant 0 : i32
        %swap3A_265 = arith.index_cast %swap3A_264 : i32 to index
        %swap3A_266 = arith.index_cast %add3A_250 : i32 to index
        %swap3A_267 = arith.constant 0 : index
        %swap3A_268 = tpu.vector_load %arg11[%swap3A_265, %swap3A_266, %swap3A_267] {strides = array<i32>} : memref<2x125x16xf32, #tpu.memory_space<vmem>>, vector<1x1x16xf32>,
        %swap3A_269 = vector.shape_cast %swap3A_268 : vector<1x1x16xf32> to vector<16xf32>
        %swap3A_270 = vector.shape_cast %mul3A_263 : vector<16xf32> to vector<1x1x16xf32>
        tpu.vector_store %arg11[%swap3A_265, %swap3A_266, %swap3A_267], %swap3A_270 {strides = array<i32>} : memref<2x125x16xf32, #tpu.memory_space<vmem>>, vector<1x1x16xf32>,
        %mul3A_271 = arith.constant 5 : i32
        %mul3A_272 = arith.muli %scan3A_200, %mul3A_271 : i32
        %add3A_273 = arith.constant 3 : i32
        %add3A_274 = arith.addi %mul3A_272, %add3A_273 : i32
        %get3A_275 = arith.constant 0 : i32
        %get3A_276 = arith.index_cast %get3A_275 : i32 to index
        %get3A_277 = arith.index_cast %add3A_274 : i32 to index
        %get3A_278 = arith.constant 0 : index
        %get3A_279 = tpu.vector_load %arg10[%get3A_276, %get3A_277, %get3A_278] {strides = array<i32>} : memref<2x125x16xf32, #tpu.memory_space<vmem>>, vector<1x1x16xf32>,
        %get3A_280 = vector.shape_cast %get3A_279 : vector<1x1x16xf32> to vector<16xf32>
        %get3A_281 = arith.constant 0 : i32
        %get3A_282 = arith.index_cast %get3A_281 : i32 to index
        %get3A_283 = arith.index_cast %add3A_274 : i32 to index
        %get3A_284 = arith.constant 0 : index
        %get3A_285 = tpu.vector_load %arg11[%get3A_282, %get3A_283, %get3A_284] {strides = array<i32>} : memref<2x125x16xf32, #tpu.memory_space<vmem>>, vector<1x1x16xf32>,
        %get3A_286 = vector.shape_cast %get3A_285 : vector<1x1x16xf32> to vector<16xf32>
        %mul3A_287 = arith.mulf %get3A_286, %get3A_280 : vector<16xf32>
        %swap3A_288 = arith.constant 0 : i32
        %swap3A_289 = arith.index_cast %swap3A_288 : i32 to index
        %swap3A_290 = arith.index_cast %add3A_274 : i32 to index
        %swap3A_291 = arith.constant 0 : index
        %swap3A_292 = tpu.vector_load %arg11[%swap3A_289, %swap3A_290, %swap3A_291] {strides = array<i32>} : memref<2x125x16xf32, #tpu.memory_space<vmem>>, vector<1x1x16xf32>,
        %swap3A_293 = vector.shape_cast %swap3A_292 : vector<1x1x16xf32> to vector<16xf32>
        %swap3A_294 = vector.shape_cast %mul3A_287 : vector<16xf32> to vector<1x1x16xf32>
        tpu.vector_store %arg11[%swap3A_289, %swap3A_290, %swap3A_291], %swap3A_294 {strides = array<i32>} : memref<2x125x16xf32, #tpu.memory_space<vmem>>, vector<1x1x16xf32>,
        %mul3A_295 = arith.constant 5 : i32
        %mul3A_296 = arith.muli %scan3A_200, %mul3A_295 : i32
        %add3A_297 = arith.constant 4 : i32
        %add3A_298 = arith.addi %mul3A_296, %add3A_297 : i32
        %get3A_299 = arith.constant 0 : i32
        %get3A_300 = arith.index_cast %get3A_299 : i32 to index
        %get3A_301 = arith.index_cast %add3A_298 : i32 to index
        %get3A_302 = arith.constant 0 : index
        %get3A_303 = tpu.vector_load %arg10[%get3A_300, %get3A_301, %get3A_302] {strides = array<i32>} : memref<2x125x16xf32, #tpu.memory_space<vmem>>, vector<1x1x16xf32>,
        %get3A_304 = vector.shape_cast %get3A_303 : vector<1x1x16xf32> to vector<16xf32>
        %get3A_305 = arith.constant 0 : i32
        %get3A_306 = arith.index_cast %get3A_305 : i32 to index
        %get3A_307 = arith.index_cast %add3A_298 : i32 to index
        %get3A_308 = arith.constant 0 : index
        %get3A_309 = tpu.vector_load %arg11[%get3A_306, %get3A_307, %get3A_308] {strides = array<i32>} : memref<2x125x16xf32, #tpu.memory_space<vmem>>, vector<1x1x16xf32>,
        %get3A_310 = vector.shape_cast %get3A_309 : vector<1x1x16xf32> to vector<16xf32>
        %mul3A_311 = arith.mulf %get3A_310, %get3A_304 : vector<16xf32>
        %swap3A_312 = arith.constant 0 : i32
        %swap3A_313 = arith.index_cast %swap3A_312 : i32 to index
        %swap3A_314 = arith.index_cast %add3A_298 : i32 to index
        %swap3A_315 = arith.constant 0 : index
        %swap3A_316 = tpu.vector_load %arg11[%swap3A_313, %swap3A_314, %swap3A_315] {strides = array<i32>} : memref<2x125x16xf32, #tpu.memory_space<vmem>>, vector<1x1x16xf32>,
        %swap3A_317 = vector.shape_cast %swap3A_316 : vector<1x1x16xf32> to vector<16xf32>
        %swap3A_318 = vector.shape_cast %mul3A_311 : vector<16xf32> to vector<1x1x16xf32>
        tpu.vector_store %arg11[%swap3A_313, %swap3A_314, %swap3A_315], %swap3A_318 {strides = array<i32>} : memref<2x125x16xf32, #tpu.memory_space<vmem>>, vector<1x1x16xf32>,
      }
      %scan3A_117 = arith.constant 25 : i32
      %add3A_118 = arith.constant 0 : i32
      %add3A_119 = arith.addi %mul3A_15, %add3A_118 : i32
      %dma_start3A_120 = arith.constant 0 : i32
      %dma_start3A_121 = arith.constant 0 : i32
      %dma_start3A_122 = arith.constant 0 : i32
      %dma_start3A_123 = tpu.memref_slice %arg11[%dma_start3A_120, %dma_start3A_121, %dma_start3A_122] : memref<2x125x16xf32, #tpu.memory_space<vmem>> -> memref<1x125x16xf32, #tpu.memory_space<vmem>>
      %dma_start3A_124 = tpu.memref_squeeze %dma_start3A_123 : memref<1x125x16xf32, #tpu.memory_space<vmem>> -> memref<125x16xf32, #tpu.memory_space<vmem>>
      %dma_start3A_125 = arith.constant 0 : i32
      %dma_start3A_126 = tpu.memref_slice %arg9[%add3A_119, %dma_start3A_125] : memref<40x125xi32, #tpu.memory_space<vmem>> -> memref<1x125xi32, #tpu.memory_space<vmem>>
      %dma_start3A_127 = tpu.memref_squeeze %dma_start3A_126 : memref<1x125xi32, #tpu.memory_space<vmem>> -> memref<125xi32, #tpu.memory_space<vmem>>
      %dma_start3A_128 = arith.constant 0 : i32
      %dma_start3A_129 = arith.constant 0 : i32
      %dma_start3A_130 = tpu.memref_slice %arg12[%dma_start3A_128, %dma_start3A_129] : memref<10240x16xf32, #tpu.memory_space<vmem_shared>> -> memref<10240x16xf32, #tpu.memory_space<vmem_shared>>
      tpu.enqueue_indirect_dma source(%dma_start3A_124 : memref<125x16xf32, #tpu.memory_space<vmem>>) target(%dma_start3A_130 : memref<10240x16xf32, #tpu.memory_space<vmem_shared>>) offsets(%dma_start3A_127 : memref<125xi32, #tpu.memory_space<vmem>>) semaphore(%arg18 : memref<!tpu.dma_semaphore, #tpu.memory_space<semaphore_mem>>) {add = true}
      %dma_wait3A_131 = arith.constant 1 : i32
      %dma_wait3A_132 = arith.constant 0 : i32
      %dma_wait3A_133 = arith.constant 0 : i32
      %dma_wait3A_134 = tpu.memref_slice %arg10[%dma_wait3A_131, %dma_wait3A_132, %dma_wait3A_133] : memref<2x125x16xf32, #tpu.memory_space<vmem>> -> memref<1x125x16xf32, #tpu.memory_space<vmem>>
      %dma_wait3A_135 = tpu.memref_squeeze %dma_wait3A_134 : memref<1x125x16xf32, #tpu.memory_space<vmem>> -> memref<125x16xf32, #tpu.memory_space<vmem>>
      %dma_wait3A_136 = arith.constant 0 : i32
      %dma_wait3A_137 = arith.constant 0 : i32
      %dma_wait3A_138 = tpu.memref_slice %arg5[%add3A_41, %dma_wait3A_136, %dma_wait3A_137] : memref<1280x125x16xf32, #tpu.memory_space<hbm>> -> memref<1x125x16xf32, #tpu.memory_space<hbm>>
      %dma_wait3A_139 = tpu.memref_squeeze %dma_wait3A_138 : memref<1x125x16xf32, #tpu.memory_space<hbm>> -> memref<125x16xf32, #tpu.memory_space<hbm>>
      %dma_wait3A_140 = arith.constant 0 : i32
      %dma_wait3A_141 = arith.constant 0 : i32
      %dma_wait3A_142 = tpu.memref_slice %arg10[%dma_wait3A_131, %dma_wait3A_140, %dma_wait3A_141] : memref<2x125x16xf32, #tpu.memory_space<vmem>> -> memref<1x125x16xf32, #tpu.memory_space<vmem>>
      %dma_wait3A_143 = tpu.memref_squeeze %dma_wait3A_142 : memref<1x125x16xf32, #tpu.memory_space<vmem>> -> memref<125x16xf32, #tpu.memory_space<vmem>>
      %dma_wait3A_144 = arith.constant 0 : i32
      %dma_wait3A_145 = arith.constant 0 : i32
      %dma_wait3A_146 = tpu.memref_slice %arg5[%add3A_41, %dma_wait3A_144, %dma_wait3A_145] : memref<1280x125x16xf32, #tpu.memory_space<hbm>> -> memref<1x125x16xf32, #tpu.memory_space<hbm>>
      %dma_wait3A_147 = tpu.memref_squeeze %dma_wait3A_146 : memref<1x125x16xf32, #tpu.memory_space<hbm>> -> memref<125x16xf32, #tpu.memory_space<hbm>>
      tpu.wait_dma2 semaphore(%arg15 : memref<!tpu.dma_semaphore, #tpu.memory_space<semaphore_mem>>) src(%dma_wait3A_147 : memref<125x16xf32, #tpu.memory_space<hbm>>) dst(%dma_wait3A_143 : memref<125x16xf32, #tpu.memory_space<vmem>>)
      %dma_wait3A_148 = arith.constant 1 : i32
      %dma_wait3A_149 = arith.constant 0 : i32
      %dma_wait3A_150 = arith.constant 0 : i32
      %dma_wait3A_151 = tpu.memref_slice %arg11[%dma_wait3A_148, %dma_wait3A_149, %dma_wait3A_150] : memref<2x125x16xf32, #tpu.memory_space<vmem>> -> memref<1x125x16xf32, #tpu.memory_space<vmem>>
      %dma_wait3A_152 = tpu.memref_squeeze %dma_wait3A_151 : memref<1x125x16xf32, #tpu.memory_space<vmem>> -> memref<125x16xf32, #tpu.memory_space<vmem>>
      %dma_wait3A_153 = arith.constant 0 : i32
      %dma_wait3A_154 = tpu.memref_slice %arg8[%add3A_73, %dma_wait3A_153] : memref<40x125xi32, #tpu.memory_space<vmem>> -> memref<1x125xi32, #tpu.memory_space<vmem>>
      %dma_wait3A_155 = tpu.memref_squeeze %dma_wait3A_154 : memref<1x125xi32, #tpu.memory_space<vmem>> -> memref<125xi32, #tpu.memory_space<vmem>>
      %dma_wait3A_156 = arith.constant 0 : i32
      %dma_wait3A_157 = arith.constant 0 : i32
      %dma_wait3A_158 = tpu.memref_slice %arg13[%dma_wait3A_156, %dma_wait3A_157] : memref<10240x16xf32, #tpu.memory_space<vmem_shared>> -> memref<10240x16xf32, #tpu.memory_space<vmem_shared>>
      tpu.wait_indirect_dma semaphore(%arg17 : memref<!tpu.dma_semaphore, #tpu.memory_space<semaphore_mem>>) src(%dma_wait3A_158 : memref<10240x16xf32, #tpu.memory_space<vmem_shared>>) dst(%dma_wait3A_152 : memref<125x16xf32, #tpu.memory_space<vmem>>)
      %scan3A_159 = arith.constant 0 : i32
      %scan3A_160 = arith.constant 0 : i32
      %scan3A_161 = arith.constant 25 : i32
      %scan3A_162 = arith.addi %scan3A_160, %scan3A_161 : i32
      %scan3A_163 = arith.constant 1 : i32
      scf.for %scan3A_200 = %scan3A_160 to %scan3A_162 step %scan3A_163  : i32 {
        %mul3A_201 = arith.constant 5 : i32
        %mul3A_202 = arith.muli %scan3A_200, %mul3A_201 : i32
        %add3A_203 = arith.constant 0 : i32
        %add3A_204 = arith.addi %mul3A_202, %add3A_203 : i32
        %get3A = arith.constant 1 : i32
        %get3A_205 = arith.index_cast %get3A : i32 to index
        %get3A_206 = arith.index_cast %add3A_204 : i32 to index
        %get3A_207 = arith.constant 0 : index
        %get3A_208 = tpu.vector_load %arg10[%get3A_205, %get3A_206, %get3A_207] {strides = array<i32>} : memref<2x125x16xf32, #tpu.memory_space<vmem>>, vector<1x1x16xf32>,
        %get3A_209 = vector.shape_cast %get3A_208 : vector<1x1x16xf32> to vector<16xf32>
        %get3A_210 = arith.constant 1 : i32
        %get3A_211 = arith.index_cast %get3A_210 : i32 to index
        %get3A_212 = arith.index_cast %add3A_204 : i32 to index
        %get3A_213 = arith.constant 0 : index
        %get3A_214 = tpu.vector_load %arg11[%get3A_211, %get3A_212, %get3A_213] {strides = array<i32>} : memref<2x125x16xf32, #tpu.memory_space<vmem>>, vector<1x1x16xf32>,
        %get3A_215 = vector.shape_cast %get3A_214 : vector<1x1x16xf32> to vector<16xf32>
        %mul3A_216 = arith.mulf %get3A_215, %get3A_209 : vector<16xf32>
        %swap3A = arith.constant 1 : i32
        %swap3A_217 = arith.index_cast %swap3A : i32 to index
        %swap3A_218 = arith.index_cast %add3A_204 : i32 to index
        %swap3A_219 = arith.constant 0 : index
        %swap3A_220 = tpu.vector_load %arg11[%swap3A_217, %swap3A_218, %swap3A_219] {strides = array<i32>} : memref<2x125x16xf32, #tpu.memory_space<vmem>>, vector<1x1x16xf32>,
        %swap3A_221 = vector.shape_cast %swap3A_220 : vector<1x1x16xf32> to vector<16xf32>
        %swap3A_222 = vector.shape_cast %mul3A_216 : vector<16xf32> to vector<1x1x16xf32>
        tpu.vector_store %arg11[%swap3A_217, %swap3A_218, %swap3A_219], %swap3A_222 {strides = array<i32>} : memref<2x125x16xf32, #tpu.memory_space<vmem>>, vector<1x1x16xf32>,
        %mul3A_223 = arith.constant 5 : i32
        %mul3A_224 = arith.muli %scan3A_200, %mul3A_223 : i32
        %add3A_225 = arith.constant 1 : i32
        %add3A_226 = arith.addi %mul3A_224, %add3A_225 : i32
        %get3A_227 = arith.constant 1 : i32
        %get3A_228 = arith.index_cast %get3A_227 : i32 to index
        %get3A_229 = arith.index_cast %add3A_226 : i32 to index
        %get3A_230 = arith.constant 0 : index
        %get3A_231 = tpu.vector_load %arg10[%get3A_228, %get3A_229, %get3A_230] {strides = array<i32>} : memref<2x125x16xf32, #tpu.memory_space<vmem>>, vector<1x1x16xf32>,
        %get3A_232 = vector.shape_cast %get3A_231 : vector<1x1x16xf32> to vector<16xf32>
        %get3A_233 = arith.constant 1 : i32
        %get3A_234 = arith.index_cast %get3A_233 : i32 to index
        %get3A_235 = arith.index_cast %add3A_226 : i32 to index
        %get3A_236 = arith.constant 0 : index
        %get3A_237 = tpu.vector_load %arg11[%get3A_234, %get3A_235, %get3A_236] {strides = array<i32>} : memref<2x125x16xf32, #tpu.memory_space<vmem>>, vector<1x1x16xf32>,
        %get3A_238 = vector.shape_cast %get3A_237 : vector<1x1x16xf32> to vector<16xf32>
        %mul3A_239 = arith.mulf %get3A_238, %get3A_232 : vector<16xf32>
        %swap3A_240 = arith.constant 1 : i32
        %swap3A_241 = arith.index_cast %swap3A_240 : i32 to index
        %swap3A_242 = arith.index_cast %add3A_226 : i32 to index
        %swap3A_243 = arith.constant 0 : index
        %swap3A_244 = tpu.vector_load %arg11[%swap3A_241, %swap3A_242, %swap3A_243] {strides = array<i32>} : memref<2x125x16xf32, #tpu.memory_space<vmem>>, vector<1x1x16xf32>,
        %swap3A_245 = vector.shape_cast %swap3A_244 : vector<1x1x16xf32> to vector<16xf32>
        %swap3A_246 = vector.shape_cast %mul3A_239 : vector<16xf32> to vector<1x1x16xf32>
        tpu.vector_store %arg11[%swap3A_241, %swap3A_242, %swap3A_243], %swap3A_246 {strides = array<i32>} : memref<2x125x16xf32, #tpu.memory_space<vmem>>, vector<1x1x16xf32>,
        %mul3A_247 = arith.constant 5 : i32
        %mul3A_248 = arith.muli %scan3A_200, %mul3A_247 : i32
        %add3A_249 = arith.constant 2 : i32
        %add3A_250 = arith.addi %mul3A_248, %add3A_249 : i32
        %get3A_251 = arith.constant 1 : i32
        %get3A_252 = arith.index_cast %get3A_251 : i32 to index
        %get3A_253 = arith.index_cast %add3A_250 : i32 to index
        %get3A_254 = arith.constant 0 : index
        %get3A_255 = tpu.vector_load %arg10[%get3A_252, %get3A_253, %get3A_254] {strides = array<i32>} : memref<2x125x16xf32, #tpu.memory_space<vmem>>, vector<1x1x16xf32>,
        %get3A_256 = vector.shape_cast %get3A_255 : vector<1x1x16xf32> to vector<16xf32>
        %get3A_257 = arith.constant 1 : i32
        %get3A_258 = arith.index_cast %get3A_257 : i32 to index
        %get3A_259 = arith.index_cast %add3A_250 : i32 to index
        %get3A_260 = arith.constant 0 : index
        %get3A_261 = tpu.vector_load %arg11[%get3A_258, %get3A_259, %get3A_260] {strides = array<i32>} : memref<2x125x16xf32, #tpu.memory_space<vmem>>, vector<1x1x16xf32>,
        %get3A_262 = vector.shape_cast %get3A_261 : vector<1x1x16xf32> to vector<16xf32>
        %mul3A_263 = arith.mulf %get3A_262, %get3A_256 : vector<16xf32>
        %swap3A_264 = arith.constant 1 : i32
        %swap3A_265 = arith.index_cast %swap3A_264 : i32 to index
        %swap3A_266 = arith.index_cast %add3A_250 : i32 to index
        %swap3A_267 = arith.constant 0 : index
        %swap3A_268 = tpu.vector_load %arg11[%swap3A_265, %swap3A_266, %swap3A_267] {strides = array<i32>} : memref<2x125x16xf32, #tpu.memory_space<vmem>>, vector<1x1x16xf32>,
        %swap3A_269 = vector.shape_cast %swap3A_268 : vector<1x1x16xf32> to vector<16xf32>
        %swap3A_270 = vector.shape_cast %mul3A_263 : vector<16xf32> to vector<1x1x16xf32>
        tpu.vector_store %arg11[%swap3A_265, %swap3A_266, %swap3A_267], %swap3A_270 {strides = array<i32>} : memref<2x125x16xf32, #tpu.memory_space<vmem>>, vector<1x1x16xf32>,
        %mul3A_271 = arith.constant 5 : i32
        %mul3A_272 = arith.muli %scan3A_200, %mul3A_271 : i32
        %add3A_273 = arith.constant 3 : i32
        %add3A_274 = arith.addi %mul3A_272, %add3A_273 : i32
        %get3A_275 = arith.constant 1 : i32
        %get3A_276 = arith.index_cast %get3A_275 : i32 to index
        %get3A_277 = arith.index_cast %add3A_274 : i32 to index
        %get3A_278 = arith.constant 0 : index
        %get3A_279 = tpu.vector_load %arg10[%get3A_276, %get3A_277, %get3A_278] {strides = array<i32>} : memref<2x125x16xf32, #tpu.memory_space<vmem>>, vector<1x1x16xf32>,
        %get3A_280 = vector.shape_cast %get3A_279 : vector<1x1x16xf32> to vector<16xf32>
        %get3A_281 = arith.constant 1 : i32
        %get3A_282 = arith.index_cast %get3A_281 : i32 to index
        %get3A_283 = arith.index_cast %add3A_274 : i32 to index
        %get3A_284 = arith.constant 0 : index
        %get3A_285 = tpu.vector_load %arg11[%get3A_282, %get3A_283, %get3A_284] {strides = array<i32>} : memref<2x125x16xf32, #tpu.memory_space<vmem>>, vector<1x1x16xf32>,
        %get3A_286 = vector.shape_cast %get3A_285 : vector<1x1x16xf32> to vector<16xf32>
        %mul3A_287 = arith.mulf %get3A_286, %get3A_280 : vector<16xf32>
        %swap3A_288 = arith.constant 1 : i32
        %swap3A_289 = arith.index_cast %swap3A_288 : i32 to index
        %swap3A_290 = arith.index_cast %add3A_274 : i32 to index
        %swap3A_291 = arith.constant 0 : index
        %swap3A_292 = tpu.vector_load %arg11[%swap3A_289, %swap3A_290, %swap3A_291] {strides = array<i32>} : memref<2x125x16xf32, #tpu.memory_space<vmem>>, vector<1x1x16xf32>,
        %swap3A_293 = vector.shape_cast %swap3A_292 : vector<1x1x16xf32> to vector<16xf32>
        %swap3A_294 = vector.shape_cast %mul3A_287 : vector<16xf32> to vector<1x1x16xf32>
        tpu.vector_store %arg11[%swap3A_289, %swap3A_290, %swap3A_291], %swap3A_294 {strides = array<i32>} : memref<2x125x16xf32, #tpu.memory_space<vmem>>, vector<1x1x16xf32>,
        %mul3A_295 = arith.constant 5 : i32
        %mul3A_296 = arith.muli %scan3A_200, %mul3A_295 : i32
        %add3A_297 = arith.constant 4 : i32
        %add3A_298 = arith.addi %mul3A_296, %add3A_297 : i32
        %get3A_299 = arith.constant 1 : i32
        %get3A_300 = arith.index_cast %get3A_299 : i32 to index
        %get3A_301 = arith.index_cast %add3A_298 : i32 to index
        %get3A_302 = arith.constant 0 : index
        %get3A_303 = tpu.vector_load %arg10[%get3A_300, %get3A_301, %get3A_302] {strides = array<i32>} : memref<2x125x16xf32, #tpu.memory_space<vmem>>, vector<1x1x16xf32>,
        %get3A_304 = vector.shape_cast %get3A_303 : vector<1x1x16xf32> to vector<16xf32>
        %get3A_305 = arith.constant 1 : i32
        %get3A_306 = arith.index_cast %get3A_305 : i32 to index
        %get3A_307 = arith.index_cast %add3A_298 : i32 to index
        %get3A_308 = arith.constant 0 : index
        %get3A_309 = tpu.vector_load %arg11[%get3A_306, %get3A_307, %get3A_308] {strides = array<i32>} : memref<2x125x16xf32, #tpu.memory_space<vmem>>, vector<1x1x16xf32>,
        %get3A_310 = vector.shape_cast %get3A_309 : vector<1x1x16xf32> to vector<16xf32>
        %mul3A_311 = arith.mulf %get3A_310, %get3A_304 : vector<16xf32>
        %swap3A_312 = arith.constant 1 : i32
        %swap3A_313 = arith.index_cast %swap3A_312 : i32 to index
        %swap3A_314 = arith.index_cast %add3A_298 : i32 to index
        %swap3A_315 = arith.constant 0 : index
        %swap3A_316 = tpu.vector_load %arg11[%swap3A_313, %swap3A_314, %swap3A_315] {strides = array<i32>} : memref<2x125x16xf32, #tpu.memory_space<vmem>>, vector<1x1x16xf32>,
        %swap3A_317 = vector.shape_cast %swap3A_316 : vector<1x1x16xf32> to vector<16xf32>
        %swap3A_318 = vector.shape_cast %mul3A_311 : vector<16xf32> to vector<1x1x16xf32>
        tpu.vector_store %arg11[%swap3A_313, %swap3A_314, %swap3A_315], %swap3A_318 {strides = array<i32>} : memref<2x125x16xf32, #tpu.memory_space<vmem>>, vector<1x1x16xf32>,
      }
      %scan3A_164 = arith.constant 25 : i32
      %add3A_165 = arith.constant 1 : i32
      %add3A_166 = arith.addi %mul3A_15, %add3A_165 : i32
      %dma_start3A_167 = arith.constant 1 : i32
      %dma_start3A_168 = arith.constant 0 : i32
      %dma_start3A_169 = arith.constant 0 : i32
      %dma_start3A_170 = tpu.memref_slice %arg11[%dma_start3A_167, %dma_start3A_168, %dma_start3A_169] : memref<2x125x16xf32, #tpu.memory_space<vmem>> -> memref<1x125x16xf32, #tpu.memory_space<vmem>>
      %dma_start3A_171 = tpu.memref_squeeze %dma_start3A_170 : memref<1x125x16xf32, #tpu.memory_space<vmem>> -> memref<125x16xf32, #tpu.memory_space<vmem>>
      %dma_start3A_172 = arith.constant 0 : i32
      %dma_start3A_173 = tpu.memref_slice %arg9[%add3A_166, %dma_start3A_172] : memref<40x125xi32, #tpu.memory_space<vmem>> -> memref<1x125xi32, #tpu.memory_space<vmem>>
      %dma_start3A_174 = tpu.memref_squeeze %dma_start3A_173 : memref<1x125xi32, #tpu.memory_space<vmem>> -> memref<125xi32, #tpu.memory_space<vmem>>
      %dma_start3A_175 = arith.constant 0 : i32
      %dma_start3A_176 = arith.constant 0 : i32
      %dma_start3A_177 = tpu.memref_slice %arg12[%dma_start3A_175, %dma_start3A_176] : memref<10240x16xf32, #tpu.memory_space<vmem_shared>> -> memref<10240x16xf32, #tpu.memory_space<vmem_shared>>
      tpu.enqueue_indirect_dma source(%dma_start3A_171 : memref<125x16xf32, #tpu.memory_space<vmem>>) target(%dma_start3A_177 : memref<10240x16xf32, #tpu.memory_space<vmem_shared>>) offsets(%dma_start3A_174 : memref<125xi32, #tpu.memory_space<vmem>>) semaphore(%arg19 : memref<!tpu.dma_semaphore, #tpu.memory_space<semaphore_mem>>) {add = true}
      %dma_wait3A_178 = arith.constant 0 : i32
      %dma_wait3A_179 = arith.constant 0 : i32
      %dma_wait3A_180 = arith.constant 0 : i32
      %dma_wait3A_181 = tpu.memref_slice %arg11[%dma_wait3A_178, %dma_wait3A_179, %dma_wait3A_180] : memref<2x125x16xf32, #tpu.memory_space<vmem>> -> memref<1x125x16xf32, #tpu.memory_space<vmem>>
      %dma_wait3A_182 = tpu.memref_squeeze %dma_wait3A_181 : memref<1x125x16xf32, #tpu.memory_space<vmem>> -> memref<125x16xf32, #tpu.memory_space<vmem>>
      %dma_wait3A_183 = arith.constant 0 : i32
      %dma_wait3A_184 = tpu.memref_slice %arg9[%add3A_119, %dma_wait3A_183] : memref<40x125xi32, #tpu.memory_space<vmem>> -> memref<1x125xi32, #tpu.memory_space<vmem>>
      %dma_wait3A_185 = tpu.memref_squeeze %dma_wait3A_184 : memref<1x125xi32, #tpu.memory_space<vmem>> -> memref<125xi32, #tpu.memory_space<vmem>>
      %dma_wait3A_186 = arith.constant 0 : i32
      %dma_wait3A_187 = arith.constant 0 : i32
      %dma_wait3A_188 = tpu.memref_slice %arg12[%dma_wait3A_186, %dma_wait3A_187] : memref<10240x16xf32, #tpu.memory_space<vmem_shared>> -> memref<10240x16xf32, #tpu.memory_space<vmem_shared>>
      tpu.wait_indirect_dma semaphore(%arg18 : memref<!tpu.dma_semaphore, #tpu.memory_space<semaphore_mem>>) src(%dma_wait3A_182 : memref<125x16xf32, #tpu.memory_space<vmem>>) dst(%dma_wait3A_188 : memref<10240x16xf32, #tpu.memory_space<vmem_shared>>)
      %dma_wait3A_189 = arith.constant 1 : i32
      %dma_wait3A_190 = arith.constant 0 : i32
      %dma_wait3A_191 = arith.constant 0 : i32
      %dma_wait3A_192 = tpu.memref_slice %arg11[%dma_wait3A_189, %dma_wait3A_190, %dma_wait3A_191] : memref<2x125x16xf32, #tpu.memory_space<vmem>> -> memref<1x125x16xf32, #tpu.memory_space<vmem>>
      %dma_wait3A_193 = tpu.memref_squeeze %dma_wait3A_192 : memref<1x125x16xf32, #tpu.memory_space<vmem>> -> memref<125x16xf32, #tpu.memory_space<vmem>>
      %dma_wait3A_194 = arith.constant 0 : i32
      %dma_wait3A_195 = tpu.memref_slice %arg9[%add3A_166, %dma_wait3A_194] : memref<40x125xi32, #tpu.memory_space<vmem>> -> memref<1x125xi32, #tpu.memory_space<vmem>>
      %dma_wait3A_196 = tpu.memref_squeeze %dma_wait3A_195 : memref<1x125xi32, #tpu.memory_space<vmem>> -> memref<125xi32, #tpu.memory_space<vmem>>
      %dma_wait3A_197 = arith.constant 0 : i32
      %dma_wait3A_198 = arith.constant 0 : i32
      %dma_wait3A_199 = tpu.memref_slice %arg12[%dma_wait3A_197, %dma_wait3A_198] : memref<10240x16xf32, #tpu.memory_space<vmem_shared>> -> memref<10240x16xf32, #tpu.memory_space<vmem_shared>>
      tpu.wait_indirect_dma semaphore(%arg19 : memref<!tpu.dma_semaphore, #tpu.memory_space<semaphore_mem>>) src(%dma_wait3A_193 : memref<125x16xf32, #tpu.memory_space<vmem>>) dst(%dma_wait3A_199 : memref<10240x16xf32, #tpu.memory_space<vmem_shared>>)
    }
    %scan3A_11 = arith.constant 20 : i32
    %barrier3A_12 = arith.constant 0 : index
    tpu.barrier barrier_id(%barrier3A_12)
    "tpu.region"() ({
      %run_scoped3A = tpu.sem_alloc : memref<!tpu.dma_semaphore, #tpu.memory_space<semaphore_mem>>
      %dma_start3A = arith.constant 0 : i32
      %dma_start3A_13 = arith.constant 0 : i32
      %dma_start3A_14 = tpu.memref_slice %arg7[%arg0, %dma_start3A, %dma_start3A_13] : memref<2x10240x16xf32, #tpu.memory_space<hbm>> -> memref<1x10240x16xf32, #tpu.memory_space<hbm>>
      %dma_start3A_15 = tpu.memref_squeeze %dma_start3A_14 : memref<1x10240x16xf32, #tpu.memory_space<hbm>> -> memref<10240x16xf32, #tpu.memory_space<hbm>>
      %dma_start3A_16 = arith.constant 0 : i32
      %dma_start3A_17 = tpu.memref_slice %dma_start3A_15[%mul3A_2, %dma_start3A_16] : memref<10240x16xf32, #tpu.memory_space<hbm>> -> memref<640x16xf32, #tpu.memory_space<hbm>>
      %dma_start3A_18 = arith.constant 0 : i32
      %dma_start3A_19 = tpu.memref_slice %arg12[%mul3A_2, %dma_start3A_18] : memref<10240x16xf32, #tpu.memory_space<vmem_shared>> -> memref<640x16xf32, #tpu.memory_space<vmem_shared>>
      tpu.enqueue_dma source(%dma_start3A_19 : memref<640x16xf32, #tpu.memory_space<vmem_shared>>) target(%dma_start3A_17 : memref<640x16xf32, #tpu.memory_space<hbm>>) target_semaphore(%run_scoped3A : memref<!tpu.dma_semaphore, #tpu.memory_space<semaphore_mem>>)
      %dma_wait3A = arith.constant 0 : i32
      %dma_wait3A_20 = arith.constant 0 : i32
      %dma_wait3A_21 = tpu.memref_slice %arg7[%arg0, %dma_wait3A, %dma_wait3A_20] : memref<2x10240x16xf32, #tpu.memory_space<hbm>> -> memref<1x10240x16xf32, #tpu.memory_space<hbm>>
      %dma_wait3A_22 = tpu.memref_squeeze %dma_wait3A_21 : memref<1x10240x16xf32, #tpu.memory_space<hbm>> -> memref<10240x16xf32, #tpu.memory_space<hbm>>
      %dma_wait3A_23 = arith.constant 0 : i32
      %dma_wait3A_24 = tpu.memref_slice %dma_wait3A_22[%mul3A_2, %dma_wait3A_23] : memref<10240x16xf32, #tpu.memory_space<hbm>> -> memref<640x16xf32, #tpu.memory_space<hbm>>
      %dma_wait3A_25 = arith.constant 0 : i32
      %dma_wait3A_26 = tpu.memref_slice %arg12[%mul3A_2, %dma_wait3A_25] : memref<10240x16xf32, #tpu.memory_space<vmem_shared>> -> memref<640x16xf32, #tpu.memory_space<vmem_shared>>
      tpu.wait_dma2 semaphore(%run_scoped3A : memref<!tpu.dma_semaphore, #tpu.memory_space<semaphore_mem>>) src(%dma_wait3A_26 : memref<640x16xf32, #tpu.memory_space<vmem_shared>>) dst(%dma_wait3A_24 : memref<640x16xf32, #tpu.memory_space<hbm>>)
      tpu.yield
    }) : () -> ()
    return
  }
}

module attributes {stable_mosaic.version = 14 : i64} {
  func.func @_tc1_body(%arg0: i32, %arg1: memref<1000x1433xf32, #tpu.memory_space<vmem>>, %arg2: memref<1433x64xf32, #tpu.memory_space<vmem>>, %arg3: memref<1x64xf32, #tpu.memory_space<vmem>>, %arg4: memref<1000x64xf32, #tpu.memory_space<vmem>>) attributes {dimension_semantics = [#tpu.dimension_semantics<arbitrary>], iteration_bounds = array<i64: 10>, scalar_prefetch = 0 : i64, scratch_operands = 0 : i64, tpu.core_type = #tpu.core_type<tc>, window_params = [{transform_indices = @transform_0, window_bounds = array<i64: 1000, 1433>}, {pipeline_mode = #tpu.pipeline_mode<synchronous>, transform_indices = @transform_1, window_bounds = array<i64: 1433, 64>}, {pipeline_mode = #tpu.pipeline_mode<synchronous>, transform_indices = @transform_2, window_bounds = array<i64: 1, 64>}, {transform_indices = @transform_3, window_bounds = array<i64: 1000, 64>}]} {
    %get3A = arith.constant 0 : index
    %get3A_0 = arith.constant 0 : index
    %get3A_1 = vector.load %arg1[%get3A, %get3A_0] : memref<1000x1433xf32, #tpu.memory_space<vmem>>, vector<1000x1433xf32>
    %get3A_2 = arith.constant 0 : index
    %get3A_3 = arith.constant 0 : index
    %get3A_4 = vector.load %arg2[%get3A_2, %get3A_3] : memref<1433x64xf32, #tpu.memory_space<vmem>>, vector<1433x64xf32>
    %dot_general3A = arith.constant dense<0.000000e+00> : vector<1000x64xf32>
    %dot_general3A_5 = tpu.matmul %get3A_1, %get3A_4, %dot_general3A {dimension_numbers = #tpu.dot_dimension_numbers<[1], [0], [0], [1], [0, 0, 1, 1], [], []>, transpose_lhs_hint = false} : vector<1000x1433xf32>, vector<1433x64xf32>, vector<1000x64xf32> -> vector<1000x64xf32>
    %get3A_6 = arith.constant 0 : index
    %get3A_7 = arith.constant 0 : index
    %get3A_8 = vector.load %arg3[%get3A_6, %get3A_7] : memref<1x64xf32, #tpu.memory_space<vmem>>, vector<1x64xf32>
    %mul3A = arith.mulf %dot_general3A_5, %dot_general3A_5 : vector<1000x64xf32>
    %reduce_sum3A = arith.constant dense<0.000000e+00> : vector<1000xf32>
    %reduce_sum3A_9 = vector.multi_reduction <add>, %mul3A, %reduce_sum3A [1] : vector<1000x64xf32> to vector<1000xf32>
    %broadcast_in_dim3A = vector.shape_cast %reduce_sum3A_9 : vector<1000xf32> to vector<1000x1xf32>
    %slice3A = vector.extract_strided_slice %dot_general3A_5 {offsets = [0, 0], sizes = [1000, 1], strides = [1, 1]} : vector<1000x64xf32> to vector<1000x1xf32>
    %slice3A_10 = vector.extract_strided_slice %dot_general3A_5 {offsets = [0, 0], sizes = [1000, 1], strides = [1, 1]} : vector<1000x64xf32> to vector<1000x1xf32>
    %mul3A_11 = arith.mulf %slice3A, %slice3A_10 : vector<1000x1xf32>
    %sub3A = arith.subf %broadcast_in_dim3A, %mul3A_11 : vector<1000x1xf32>
    %sqrt3A = math.sqrt %sub3A : vector<1000x1xf32>
    %max3A = arith.constant 1.000000e-15 : f32
    %max3A_12 = vector.broadcast %max3A : f32 to vector<1000x1xf32>
    %max3A_13 = arith.maximumf %sqrt3A, %max3A_12 : vector<1000x1xf32>
    %exp3A = math.exp %max3A_13 : vector<1000x1xf32>
    %div3A = arith.constant 1.000000e+00 : f32
    %div3A_14 = vector.broadcast %div3A : f32 to vector<1000x1xf32>
    %div3A_15 = arith.divf %div3A_14, %exp3A : vector<1000x1xf32>
    %sub3A_16 = arith.subf %exp3A, %div3A_15 : vector<1000x1xf32>
    %mul3A_17 = arith.constant 5.000000e-01 : f32
    %mul3A_18 = vector.broadcast %mul3A_17 : f32 to vector<1000x1xf32>
    %mul3A_19 = arith.mulf %mul3A_18, %sub3A_16 : vector<1000x1xf32>
    %add3A = arith.addf %exp3A, %div3A_15 : vector<1000x1xf32>
    %mul3A_20 = arith.constant 5.000000e-01 : f32
    %mul3A_21 = vector.broadcast %mul3A_20 : f32 to vector<1000x1xf32>
    %mul3A_22 = arith.mulf %mul3A_21, %add3A : vector<1000x1xf32>
    %mul3A_23 = vector.broadcast %mul3A_19 : vector<1000x1xf32> to vector<1000x64xf32>
    %mul3A_24 = arith.mulf %mul3A_23, %dot_general3A_5 : vector<1000x64xf32>
    %div3A_25 = vector.broadcast %max3A_13 : vector<1000x1xf32> to vector<1000x64xf32>
    %div3A_26 = arith.divf %mul3A_24, %div3A_25 : vector<1000x64xf32>
    %iota3A = tpu.iota {dimensions = array<i32: 1>} : vector<1000x64xi32>
    %eq3A = arith.constant 0 : i32
    %eq3A_27 = vector.broadcast %eq3A : i32 to vector<1000x64xi32>
    %eq3A_28 = arith.cmpi eq, %iota3A, %eq3A_27 : vector<1000x64xi32>
    %broadcast_in_dim3A_29 = vector.shape_cast %mul3A_22 : vector<1000x1xf32> to vector<1000x1xf32>
    %broadcast_in_dim3A_30 = vector.broadcast %broadcast_in_dim3A_29 : vector<1000x1xf32> to vector<1000x64xf32>
    %select_n3A = arith.select %eq3A_28, %broadcast_in_dim3A_30, %div3A_26 : vector<1000x64xi1>, vector<1000x64xf32>
    %mul3A_31 = arith.mulf %select_n3A, %select_n3A : vector<1000x64xf32>
    %reduce_sum3A_32 = arith.constant dense<0.000000e+00> : vector<1000xf32>
    %reduce_sum3A_33 = vector.multi_reduction <add>, %mul3A_31, %reduce_sum3A_32 [1] : vector<1000x64xf32> to vector<1000xf32>
    %broadcast_in_dim3A_34 = vector.shape_cast %reduce_sum3A_33 : vector<1000xf32> to vector<1000x1xf32>
    %slice3A_35 = vector.extract_strided_slice %select_n3A {offsets = [0, 0], sizes = [1000, 1], strides = [1, 1]} : vector<1000x64xf32> to vector<1000x1xf32>
    %slice3A_36 = vector.extract_strided_slice %select_n3A {offsets = [0, 0], sizes = [1000, 1], strides = [1, 1]} : vector<1000x64xf32> to vector<1000x1xf32>
    %mul3A_37 = arith.mulf %slice3A_35, %slice3A_36 : vector<1000x1xf32>
    %sub3A_38 = arith.subf %broadcast_in_dim3A_34, %mul3A_37 : vector<1000x1xf32>
    %add3A_39 = arith.constant 1.000000e+00 : f32
    %add3A_40 = vector.broadcast %add3A_39 : f32 to vector<1000x1xf32>
    %add3A_41 = arith.addf %add3A_40, %sub3A_38 : vector<1000x1xf32>
    %max3A_42 = arith.constant 1.000000e-07 : f32
    %max3A_43 = vector.broadcast %max3A_42 : f32 to vector<1000x1xf32>
    %max3A_44 = arith.maximumf %add3A_41, %max3A_43 : vector<1000x1xf32>
    %sqrt3A_45 = math.sqrt %max3A_44 : vector<1000x1xf32>
    %iota3A_46 = tpu.iota {dimensions = array<i32: 1>} : vector<1000x64xi32>
    %eq3A_47 = arith.constant 0 : i32
    %eq3A_48 = vector.broadcast %eq3A_47 : i32 to vector<1000x64xi32>
    %eq3A_49 = arith.cmpi eq, %iota3A_46, %eq3A_48 : vector<1000x64xi32>
    %broadcast_in_dim3A_50 = vector.shape_cast %sqrt3A_45 : vector<1000x1xf32> to vector<1000x1xf32>
    %broadcast_in_dim3A_51 = vector.broadcast %broadcast_in_dim3A_50 : vector<1000x1xf32> to vector<1000x64xf32>
    %select_n3A_52 = arith.select %eq3A_49, %broadcast_in_dim3A_51, %select_n3A : vector<1000x64xi1>, vector<1000x64xf32>
    %iota3A_53 = tpu.iota {dimensions = array<i32: 1>} : vector<1x64xi32>
    %eq3A_54 = arith.constant 0 : i32
    %eq3A_55 = vector.broadcast %eq3A_54 : i32 to vector<1x64xi32>
    %eq3A_56 = arith.cmpi eq, %iota3A_53, %eq3A_55 : vector<1x64xi32>
    %jit3A = arith.constant 0.000000e+00 : f32
    %broadcast_in_dim3A_57 = vector.broadcast %jit3A : f32 to vector<1x64xf32>
    %select_n3A_58 = arith.select %eq3A_56, %broadcast_in_dim3A_57, %get3A_8 : vector<1x64xi1>, vector<1x64xf32>
    %mul3A_59 = arith.mulf %select_n3A_58, %select_n3A_58 : vector<1x64xf32>
    %reduce_sum3A_60 = arith.constant dense<0.000000e+00> : vector<1xf32>
    %reduce_sum3A_61 = vector.multi_reduction <add>, %mul3A_59, %reduce_sum3A_60 [1] : vector<1x64xf32> to vector<1xf32>
    %broadcast_in_dim3A_62 = vector.shape_cast %reduce_sum3A_61 : vector<1xf32> to vector<1x1xf32>
    %slice3A_63 = vector.extract_strided_slice %select_n3A_58 {offsets = [0, 0], sizes = [1, 1], strides = [1, 1]} : vector<1x64xf32> to vector<1x1xf32>
    %slice3A_64 = vector.extract_strided_slice %select_n3A_58 {offsets = [0, 0], sizes = [1, 1], strides = [1, 1]} : vector<1x64xf32> to vector<1x1xf32>
    %mul3A_65 = arith.mulf %slice3A_63, %slice3A_64 : vector<1x1xf32>
    %sub3A_66 = arith.subf %broadcast_in_dim3A_62, %mul3A_65 : vector<1x1xf32>
    %sqrt3A_67 = math.sqrt %sub3A_66 : vector<1x1xf32>
    %max3A_68 = arith.constant 1.000000e-15 : f32
    %max3A_69 = vector.broadcast %max3A_68 : f32 to vector<1x1xf32>
    %max3A_70 = arith.maximumf %sqrt3A_67, %max3A_69 : vector<1x1xf32>
    %exp3A_71 = math.exp %max3A_70 : vector<1x1xf32>
    %div3A_72 = arith.constant 1.000000e+00 : f32
    %div3A_73 = vector.broadcast %div3A_72 : f32 to vector<1x1xf32>
    %div3A_74 = arith.divf %div3A_73, %exp3A_71 : vector<1x1xf32>
    %sub3A_75 = arith.subf %exp3A_71, %div3A_74 : vector<1x1xf32>
    %mul3A_76 = arith.constant 5.000000e-01 : f32
    %mul3A_77 = vector.broadcast %mul3A_76 : f32 to vector<1x1xf32>
    %mul3A_78 = arith.mulf %mul3A_77, %sub3A_75 : vector<1x1xf32>
    %add3A_79 = arith.addf %exp3A_71, %div3A_74 : vector<1x1xf32>
    %mul3A_80 = arith.constant 5.000000e-01 : f32
    %mul3A_81 = vector.broadcast %mul3A_80 : f32 to vector<1x1xf32>
    %mul3A_82 = arith.mulf %mul3A_81, %add3A_79 : vector<1x1xf32>
    %mul3A_83 = vector.broadcast %mul3A_78 : vector<1x1xf32> to vector<1x64xf32>
    %mul3A_84 = arith.mulf %mul3A_83, %select_n3A_58 : vector<1x64xf32>
    %div3A_85 = vector.broadcast %max3A_70 : vector<1x1xf32> to vector<1x64xf32>
    %div3A_86 = arith.divf %mul3A_84, %div3A_85 : vector<1x64xf32>
    %iota3A_87 = tpu.iota {dimensions = array<i32: 1>} : vector<1x64xi32>
    %eq3A_88 = arith.constant 0 : i32
    %eq3A_89 = vector.broadcast %eq3A_88 : i32 to vector<1x64xi32>
    %eq3A_90 = arith.cmpi eq, %iota3A_87, %eq3A_89 : vector<1x64xi32>
    %broadcast_in_dim3A_91 = vector.shape_cast %mul3A_82 : vector<1x1xf32> to vector<1x1xf32>
    %broadcast_in_dim3A_92 = vector.broadcast %broadcast_in_dim3A_91 : vector<1x1xf32> to vector<1x64xf32>
    %select_n3A_93 = arith.select %eq3A_90, %broadcast_in_dim3A_92, %div3A_86 : vector<1x64xi1>, vector<1x64xf32>
    %mul3A_94 = arith.mulf %select_n3A_93, %select_n3A_93 : vector<1x64xf32>
    %reduce_sum3A_95 = arith.constant dense<0.000000e+00> : vector<1xf32>
    %reduce_sum3A_96 = vector.multi_reduction <add>, %mul3A_94, %reduce_sum3A_95 [1] : vector<1x64xf32> to vector<1xf32>
    %broadcast_in_dim3A_97 = vector.shape_cast %reduce_sum3A_96 : vector<1xf32> to vector<1x1xf32>
    %slice3A_98 = vector.extract_strided_slice %select_n3A_93 {offsets = [0, 0], sizes = [1, 1], strides = [1, 1]} : vector<1x64xf32> to vector<1x1xf32>
    %slice3A_99 = vector.extract_strided_slice %select_n3A_93 {offsets = [0, 0], sizes = [1, 1], strides = [1, 1]} : vector<1x64xf32> to vector<1x1xf32>
    %mul3A_100 = arith.mulf %slice3A_98, %slice3A_99 : vector<1x1xf32>
    %sub3A_101 = arith.subf %broadcast_in_dim3A_97, %mul3A_100 : vector<1x1xf32>
    %add3A_102 = arith.constant 1.000000e+00 : f32
    %add3A_103 = vector.broadcast %add3A_102 : f32 to vector<1x1xf32>
    %add3A_104 = arith.addf %add3A_103, %sub3A_101 : vector<1x1xf32>
    %max3A_105 = arith.constant 1.000000e-07 : f32
    %max3A_106 = vector.broadcast %max3A_105 : f32 to vector<1x1xf32>
    %max3A_107 = arith.maximumf %add3A_104, %max3A_106 : vector<1x1xf32>
    %sqrt3A_108 = math.sqrt %max3A_107 : vector<1x1xf32>
    %iota3A_109 = tpu.iota {dimensions = array<i32: 1>} : vector<1x64xi32>
    %eq3A_110 = arith.constant 0 : i32
    %eq3A_111 = vector.broadcast %eq3A_110 : i32 to vector<1x64xi32>
    %eq3A_112 = arith.cmpi eq, %iota3A_109, %eq3A_111 : vector<1x64xi32>
    %broadcast_in_dim3A_113 = vector.shape_cast %sqrt3A_108 : vector<1x1xf32> to vector<1x1xf32>
    %broadcast_in_dim3A_114 = vector.broadcast %broadcast_in_dim3A_113 : vector<1x1xf32> to vector<1x64xf32>
    %select_n3A_115 = arith.select %eq3A_112, %broadcast_in_dim3A_114, %select_n3A_93 : vector<1x64xi1>, vector<1x64xf32>
    %mul3A_116 = arith.mulf %select_n3A_115, %select_n3A_115 : vector<1x64xf32>
    %reduce_sum3A_117 = arith.constant dense<0.000000e+00> : vector<1xf32>
    %reduce_sum3A_118 = vector.multi_reduction <add>, %mul3A_116, %reduce_sum3A_117 [1] : vector<1x64xf32> to vector<1xf32>
    %broadcast_in_dim3A_119 = vector.shape_cast %reduce_sum3A_118 : vector<1xf32> to vector<1x1xf32>
    %slice3A_120 = vector.extract_strided_slice %select_n3A_115 {offsets = [0, 0], sizes = [1, 1], strides = [1, 1]} : vector<1x64xf32> to vector<1x1xf32>
    %slice3A_121 = vector.extract_strided_slice %select_n3A_115 {offsets = [0, 0], sizes = [1, 1], strides = [1, 1]} : vector<1x64xf32> to vector<1x1xf32>
    %mul3A_122 = arith.mulf %slice3A_120, %slice3A_121 : vector<1x1xf32>
    %sub3A_123 = arith.subf %broadcast_in_dim3A_119, %mul3A_122 : vector<1x1xf32>
    %sqrt3A_124 = math.sqrt %sub3A_123 : vector<1x1xf32>
    %max3A_125 = arith.constant 1.000000e-15 : f32
    %max3A_126 = vector.broadcast %max3A_125 : f32 to vector<1x1xf32>
    %max3A_127 = arith.maximumf %sqrt3A_124, %max3A_126 : vector<1x1xf32>
    %slice3A_128 = vector.extract_strided_slice %select_n3A_115 {offsets = [0, 0], sizes = [1, 1], strides = [1, 1]} : vector<1x64xf32> to vector<1x1xf32>
    %max3A_129 = arith.constant 1.00000012 : f32
    %max3A_130 = vector.broadcast %max3A_129 : f32 to vector<1x1xf32>
    %max3A_131 = arith.maximumf %slice3A_128, %max3A_130 : vector<1x1xf32>
    %mul3A_132 = arith.mulf %max3A_131, %max3A_131 : vector<1x1xf32>
    %sub3A_133 = arith.constant 1.000000e+00 : f32
    %sub3A_134 = vector.broadcast %sub3A_133 : f32 to vector<1x1xf32>
    %sub3A_135 = arith.subf %mul3A_132, %sub3A_134 : vector<1x1xf32>
    %max3A_136 = arith.constant 1.000000e-15 : f32
    %max3A_137 = vector.broadcast %max3A_136 : f32 to vector<1x1xf32>
    %max3A_138 = arith.maximumf %sub3A_135, %max3A_137 : vector<1x1xf32>
    %sqrt3A_139 = math.sqrt %max3A_138 : vector<1x1xf32>
    %add3A_140 = arith.addf %max3A_131, %sqrt3A_139 : vector<1x1xf32>
    %log3A = math.log %add3A_140 : vector<1x1xf32>
    %mul3A_141 = vector.broadcast %log3A : vector<1x1xf32> to vector<1x64xf32>
    %mul3A_142 = arith.mulf %mul3A_141, %select_n3A_115 : vector<1x64xf32>
    %div3A_143 = vector.broadcast %max3A_127 : vector<1x1xf32> to vector<1x64xf32>
    %div3A_144 = arith.divf %mul3A_142, %div3A_143 : vector<1x64xf32>
    %iota3A_145 = tpu.iota {dimensions = array<i32: 1>} : vector<1x64xi32>
    %eq3A_146 = arith.constant 0 : i32
    %eq3A_147 = vector.broadcast %eq3A_146 : i32 to vector<1x64xi32>
    %eq3A_148 = arith.cmpi eq, %iota3A_145, %eq3A_147 : vector<1x64xi32>
    %jit3A_149 = arith.constant 0.000000e+00 : f32
    %broadcast_in_dim3A_150 = vector.broadcast %jit3A_149 : f32 to vector<1x64xf32>
    %select_n3A_151 = arith.select %eq3A_148, %broadcast_in_dim3A_150, %div3A_144 : vector<1x64xi1>, vector<1x64xf32>
    %slice3A_152 = vector.extract_strided_slice %select_n3A_52 {offsets = [0, 0], sizes = [1000, 1], strides = [1, 1]} : vector<1000x64xf32> to vector<1000x1xf32>
    %mul3A_153 = arith.mulf %select_n3A_52, %select_n3A_52 : vector<1000x64xf32>
    %reduce_sum3A_154 = arith.constant dense<0.000000e+00> : vector<1000xf32>
    %reduce_sum3A_155 = vector.multi_reduction <add>, %mul3A_153, %reduce_sum3A_154 [1] : vector<1000x64xf32> to vector<1000xf32>
    %broadcast_in_dim3A_156 = vector.shape_cast %reduce_sum3A_155 : vector<1000xf32> to vector<1000x1xf32>
    %slice3A_157 = vector.extract_strided_slice %select_n3A_52 {offsets = [0, 0], sizes = [1000, 1], strides = [1, 1]} : vector<1000x64xf32> to vector<1000x1xf32>
    %slice3A_158 = vector.extract_strided_slice %select_n3A_52 {offsets = [0, 0], sizes = [1000, 1], strides = [1, 1]} : vector<1000x64xf32> to vector<1000x1xf32>
    %mul3A_159 = arith.mulf %slice3A_157, %slice3A_158 : vector<1000x1xf32>
    %sub3A_160 = arith.subf %broadcast_in_dim3A_156, %mul3A_159 : vector<1000x1xf32>
    %sqrt3A_161 = math.sqrt %sub3A_160 : vector<1000x1xf32>
    %max3A_162 = arith.constant 1.000000e-15 : f32
    %max3A_163 = vector.broadcast %max3A_162 : f32 to vector<1000x1xf32>
    %max3A_164 = arith.maximumf %sqrt3A_161, %max3A_163 : vector<1000x1xf32>
    %div3A_165 = vector.broadcast %max3A_164 : vector<1000x1xf32> to vector<1000x64xf32>
    %div3A_166 = arith.divf %select_n3A_52, %div3A_165 : vector<1000x64xf32>
    %mul3A_167 = vector.broadcast %select_n3A_151 : vector<1x64xf32> to vector<1000x64xf32>
    %mul3A_168 = arith.mulf %div3A_166, %mul3A_167 : vector<1000x64xf32>
    %reduce_sum3A_169 = arith.constant dense<0.000000e+00> : vector<1000xf32>
    %reduce_sum3A_170 = vector.multi_reduction <add>, %mul3A_168, %reduce_sum3A_169 [1] : vector<1000x64xf32> to vector<1000xf32>
    %broadcast_in_dim3A_171 = vector.shape_cast %reduce_sum3A_170 : vector<1000xf32> to vector<1000x1xf32>
    %slice3A_172 = vector.extract_strided_slice %div3A_166 {offsets = [0, 0], sizes = [1000, 1], strides = [1, 1]} : vector<1000x64xf32> to vector<1000x1xf32>
    %slice3A_173 = vector.extract_strided_slice %select_n3A_151 {offsets = [0, 0], sizes = [1, 1], strides = [1, 1]} : vector<1x64xf32> to vector<1x1xf32>
    %mul3A_174 = vector.broadcast %slice3A_173 : vector<1x1xf32> to vector<1000x1xf32>
    %mul3A_175 = arith.mulf %slice3A_172, %mul3A_174 : vector<1000x1xf32>
    %sub3A_176 = arith.subf %broadcast_in_dim3A_171, %mul3A_175 : vector<1000x1xf32>
    %iota3A_177 = tpu.iota {dimensions = array<i32: 1>} : vector<1000x64xi32>
    %eq3A_178 = arith.constant 0 : i32
    %eq3A_179 = vector.broadcast %eq3A_178 : i32 to vector<1000x64xi32>
    %eq3A_180 = arith.cmpi eq, %iota3A_177, %eq3A_179 : vector<1000x64xi32>
    %neg3A = arith.constant 0.000000e+00 : f32
    %neg3A_181 = vector.broadcast %neg3A : f32 to vector<1000x1xf32>
    %neg3A_182 = arith.subf %neg3A_181, %max3A_164 : vector<1000x1xf32>
    %sub3A_183 = arith.constant 1.000000e+00 : f32
    %sub3A_184 = vector.broadcast %sub3A_183 : f32 to vector<1000x1xf32>
    %sub3A_185 = arith.subf %sub3A_184, %slice3A_152 : vector<1000x1xf32>
    %mul3A_186 = vector.broadcast %sub3A_185 : vector<1000x1xf32> to vector<1000x64xf32>
    %mul3A_187 = arith.mulf %mul3A_186, %div3A_166 : vector<1000x64xf32>
    %broadcast_in_dim3A_188 = vector.shape_cast %neg3A_182 : vector<1000x1xf32> to vector<1000x1xf32>
    %broadcast_in_dim3A_189 = vector.broadcast %broadcast_in_dim3A_188 : vector<1000x1xf32> to vector<1000x64xf32>
    %select_n3A_190 = arith.select %eq3A_180, %broadcast_in_dim3A_189, %mul3A_187 : vector<1000x64xi1>, vector<1000x64xf32>
    %mul3A_191 = vector.broadcast %sub3A_176 : vector<1000x1xf32> to vector<1000x64xf32>
    %mul3A_192 = arith.mulf %mul3A_191, %select_n3A_190 : vector<1000x64xf32>
    %sub3A_193 = vector.broadcast %select_n3A_151 : vector<1x64xf32> to vector<1000x64xf32>
    %sub3A_194 = arith.subf %sub3A_193, %mul3A_192 : vector<1000x64xf32>
    %mul3A_195 = arith.mulf %select_n3A_52, %sub3A_194 : vector<1000x64xf32>
    %reduce_sum3A_196 = arith.constant dense<0.000000e+00> : vector<1000xf32>
    %reduce_sum3A_197 = vector.multi_reduction <add>, %mul3A_195, %reduce_sum3A_196 [1] : vector<1000x64xf32> to vector<1000xf32>
    %broadcast_in_dim3A_198 = vector.shape_cast %reduce_sum3A_197 : vector<1000xf32> to vector<1000x1xf32>
    %slice3A_199 = vector.extract_strided_slice %select_n3A_52 {offsets = [0, 0], sizes = [1000, 1], strides = [1, 1]} : vector<1000x64xf32> to vector<1000x1xf32>
    %slice3A_200 = vector.extract_strided_slice %sub3A_194 {offsets = [0, 0], sizes = [1000, 1], strides = [1, 1]} : vector<1000x64xf32> to vector<1000x1xf32>
    %mul3A_201 = arith.mulf %slice3A_199, %slice3A_200 : vector<1000x1xf32>
    %sub3A_202 = arith.subf %broadcast_in_dim3A_198, %mul3A_201 : vector<1000x1xf32>
    %slice3A_203 = vector.extract_strided_slice %select_n3A_52 {offsets = [0, 0], sizes = [1000, 1], strides = [1, 1]} : vector<1000x64xf32> to vector<1000x1xf32>
    %max3A_204 = arith.constant 1.000000e-07 : f32
    %max3A_205 = vector.broadcast %max3A_204 : f32 to vector<1000x1xf32>
    %max3A_206 = arith.maximumf %slice3A_203, %max3A_205 : vector<1000x1xf32>
    %div3A_207 = arith.divf %sub3A_202, %max3A_206 : vector<1000x1xf32>
    %iota3A_208 = tpu.iota {dimensions = array<i32: 1>} : vector<1000x64xi32>
    %eq3A_209 = arith.constant 0 : i32
    %eq3A_210 = vector.broadcast %eq3A_209 : i32 to vector<1000x64xi32>
    %eq3A_211 = arith.cmpi eq, %iota3A_208, %eq3A_210 : vector<1000x64xi32>
    %broadcast_in_dim3A_212 = vector.shape_cast %div3A_207 : vector<1000x1xf32> to vector<1000x1xf32>
    %broadcast_in_dim3A_213 = vector.broadcast %broadcast_in_dim3A_212 : vector<1000x1xf32> to vector<1000x64xf32>
    %select_n3A_214 = arith.select %eq3A_211, %broadcast_in_dim3A_213, %sub3A_194 : vector<1000x64xi1>, vector<1000x64xf32>
    %mul3A_215 = arith.mulf %select_n3A_214, %select_n3A_214 : vector<1000x64xf32>
    %reduce_sum3A_216 = arith.constant dense<0.000000e+00> : vector<1000xf32>
    %reduce_sum3A_217 = vector.multi_reduction <add>, %mul3A_215, %reduce_sum3A_216 [1] : vector<1000x64xf32> to vector<1000xf32>
    %broadcast_in_dim3A_218 = vector.shape_cast %reduce_sum3A_217 : vector<1000xf32> to vector<1000x1xf32>
    %slice3A_219 = vector.extract_strided_slice %select_n3A_214 {offsets = [0, 0], sizes = [1000, 1], strides = [1, 1]} : vector<1000x64xf32> to vector<1000x1xf32>
    %slice3A_220 = vector.extract_strided_slice %select_n3A_214 {offsets = [0, 0], sizes = [1000, 1], strides = [1, 1]} : vector<1000x64xf32> to vector<1000x1xf32>
    %mul3A_221 = arith.mulf %slice3A_219, %slice3A_220 : vector<1000x1xf32>
    %sub3A_222 = arith.subf %broadcast_in_dim3A_218, %mul3A_221 : vector<1000x1xf32>
    %slice3A_223 = vector.extract_strided_slice %select_n3A_214 {offsets = [0, 0], sizes = [1000, 1], strides = [1, 1]} : vector<1000x64xf32> to vector<1000x1xf32>
    %slice3A_224 = vector.extract_strided_slice %select_n3A_214 {offsets = [0, 0], sizes = [1000, 1], strides = [1, 1]} : vector<1000x64xf32> to vector<1000x1xf32>
    %mul3A_225 = arith.mulf %slice3A_223, %slice3A_224 : vector<1000x1xf32>
    %sub3A_226 = arith.subf %sub3A_222, %mul3A_225 : vector<1000x1xf32>
    %max3A_227 = arith.constant 1.000000e-07 : f32
    %max3A_228 = vector.broadcast %max3A_227 : f32 to vector<1000x1xf32>
    %max3A_229 = arith.maximumf %sub3A_226, %max3A_228 : vector<1000x1xf32>
    %sqrt3A_230 = math.sqrt %max3A_229 : vector<1000x1xf32>
    %min3A = arith.constant 1.000000e+06 : f32
    %min3A_231 = vector.broadcast %min3A : f32 to vector<1000x1xf32>
    %min3A_232 = arith.minimumf %sqrt3A_230, %min3A_231 : vector<1000x1xf32>
    %max3A_233 = arith.constant 1.000000e-15 : f32
    %max3A_234 = vector.broadcast %max3A_233 : f32 to vector<1000x1xf32>
    %max3A_235 = arith.maximumf %min3A_232, %max3A_234 : vector<1000x1xf32>
    %exp3A_236 = math.exp %max3A_235 : vector<1000x1xf32>
    %div3A_237 = arith.constant 1.000000e+00 : f32
    %div3A_238 = vector.broadcast %div3A_237 : f32 to vector<1000x1xf32>
    %div3A_239 = arith.divf %div3A_238, %exp3A_236 : vector<1000x1xf32>
    %sub3A_240 = arith.subf %exp3A_236, %div3A_239 : vector<1000x1xf32>
    %mul3A_241 = arith.constant 5.000000e-01 : f32
    %mul3A_242 = vector.broadcast %mul3A_241 : f32 to vector<1000x1xf32>
    %mul3A_243 = arith.mulf %mul3A_242, %sub3A_240 : vector<1000x1xf32>
    %add3A_244 = arith.addf %exp3A_236, %div3A_239 : vector<1000x1xf32>
    %mul3A_245 = arith.constant 5.000000e-01 : f32
    %mul3A_246 = vector.broadcast %mul3A_245 : f32 to vector<1000x1xf32>
    %mul3A_247 = arith.mulf %mul3A_246, %add3A_244 : vector<1000x1xf32>
    %mul3A_248 = vector.broadcast %mul3A_247 : vector<1000x1xf32> to vector<1000x64xf32>
    %mul3A_249 = arith.mulf %mul3A_248, %select_n3A_52 : vector<1000x64xf32>
    %mul3A_250 = vector.broadcast %mul3A_243 : vector<1000x1xf32> to vector<1000x64xf32>
    %mul3A_251 = arith.mulf %mul3A_250, %select_n3A_214 : vector<1000x64xf32>
    %div3A_252 = vector.broadcast %max3A_235 : vector<1000x1xf32> to vector<1000x64xf32>
    %div3A_253 = arith.divf %mul3A_251, %div3A_252 : vector<1000x64xf32>
    %add3A_254 = arith.addf %mul3A_249, %div3A_253 : vector<1000x64xf32>
    %mul3A_255 = arith.mulf %add3A_254, %add3A_254 : vector<1000x64xf32>
    %reduce_sum3A_256 = arith.constant dense<0.000000e+00> : vector<1000xf32>
    %reduce_sum3A_257 = vector.multi_reduction <add>, %mul3A_255, %reduce_sum3A_256 [1] : vector<1000x64xf32> to vector<1000xf32>
    %broadcast_in_dim3A_258 = vector.shape_cast %reduce_sum3A_257 : vector<1000xf32> to vector<1000x1xf32>
    %slice3A_259 = vector.extract_strided_slice %add3A_254 {offsets = [0, 0], sizes = [1000, 1], strides = [1, 1]} : vector<1000x64xf32> to vector<1000x1xf32>
    %slice3A_260 = vector.extract_strided_slice %add3A_254 {offsets = [0, 0], sizes = [1000, 1], strides = [1, 1]} : vector<1000x64xf32> to vector<1000x1xf32>
    %mul3A_261 = arith.mulf %slice3A_259, %slice3A_260 : vector<1000x1xf32>
    %sub3A_262 = arith.subf %broadcast_in_dim3A_258, %mul3A_261 : vector<1000x1xf32>
    %add3A_263 = arith.constant 1.000000e+00 : f32
    %add3A_264 = vector.broadcast %add3A_263 : f32 to vector<1000x1xf32>
    %add3A_265 = arith.addf %add3A_264, %sub3A_262 : vector<1000x1xf32>
    %max3A_266 = arith.constant 1.000000e-07 : f32
    %max3A_267 = vector.broadcast %max3A_266 : f32 to vector<1000x1xf32>
    %max3A_268 = arith.maximumf %add3A_265, %max3A_267 : vector<1000x1xf32>
    %sqrt3A_269 = math.sqrt %max3A_268 : vector<1000x1xf32>
    %iota3A_270 = tpu.iota {dimensions = array<i32: 1>} : vector<1000x64xi32>
    %eq3A_271 = arith.constant 0 : i32
    %eq3A_272 = vector.broadcast %eq3A_271 : i32 to vector<1000x64xi32>
    %eq3A_273 = arith.cmpi eq, %iota3A_270, %eq3A_272 : vector<1000x64xi32>
    %broadcast_in_dim3A_274 = vector.shape_cast %sqrt3A_269 : vector<1000x1xf32> to vector<1000x1xf32>
    %broadcast_in_dim3A_275 = vector.broadcast %broadcast_in_dim3A_274 : vector<1000x1xf32> to vector<1000x64xf32>
    %select_n3A_276 = arith.select %eq3A_273, %broadcast_in_dim3A_275, %add3A_254 : vector<1000x64xi1>, vector<1000x64xf32>
    %mul3A_277 = arith.mulf %select_n3A_276, %select_n3A_276 : vector<1000x64xf32>
    %reduce_sum3A_278 = arith.constant dense<0.000000e+00> : vector<1000xf32>
    %reduce_sum3A_279 = vector.multi_reduction <add>, %mul3A_277, %reduce_sum3A_278 [1] : vector<1000x64xf32> to vector<1000xf32>
    %broadcast_in_dim3A_280 = vector.shape_cast %reduce_sum3A_279 : vector<1000xf32> to vector<1000x1xf32>
    %slice3A_281 = vector.extract_strided_slice %select_n3A_276 {offsets = [0, 0], sizes = [1000, 1], strides = [1, 1]} : vector<1000x64xf32> to vector<1000x1xf32>
    %slice3A_282 = vector.extract_strided_slice %select_n3A_276 {offsets = [0, 0], sizes = [1000, 1], strides = [1, 1]} : vector<1000x64xf32> to vector<1000x1xf32>
    %mul3A_283 = arith.mulf %slice3A_281, %slice3A_282 : vector<1000x1xf32>
    %sub3A_284 = arith.subf %broadcast_in_dim3A_280, %mul3A_283 : vector<1000x1xf32>
    %add3A_285 = arith.constant 1.000000e+00 : f32
    %add3A_286 = vector.broadcast %add3A_285 : f32 to vector<1000x1xf32>
    %add3A_287 = arith.addf %add3A_286, %sub3A_284 : vector<1000x1xf32>
    %max3A_288 = arith.constant 1.000000e-07 : f32
    %max3A_289 = vector.broadcast %max3A_288 : f32 to vector<1000x1xf32>
    %max3A_290 = arith.maximumf %add3A_287, %max3A_289 : vector<1000x1xf32>
    %sqrt3A_291 = math.sqrt %max3A_290 : vector<1000x1xf32>
    %iota3A_292 = tpu.iota {dimensions = array<i32: 1>} : vector<1000x64xi32>
    %eq3A_293 = arith.constant 0 : i32
    %eq3A_294 = vector.broadcast %eq3A_293 : i32 to vector<1000x64xi32>
    %eq3A_295 = arith.cmpi eq, %iota3A_292, %eq3A_294 : vector<1000x64xi32>
    %broadcast_in_dim3A_296 = vector.shape_cast %sqrt3A_291 : vector<1000x1xf32> to vector<1000x1xf32>
    %broadcast_in_dim3A_297 = vector.broadcast %broadcast_in_dim3A_296 : vector<1000x1xf32> to vector<1000x64xf32>
    %select_n3A_298 = arith.select %eq3A_295, %broadcast_in_dim3A_297, %select_n3A_276 : vector<1000x64xi1>, vector<1000x64xf32>
    %mul3A_299 = arith.mulf %select_n3A_298, %select_n3A_298 : vector<1000x64xf32>
    %reduce_sum3A_300 = arith.constant dense<0.000000e+00> : vector<1000xf32>
    %reduce_sum3A_301 = vector.multi_reduction <add>, %mul3A_299, %reduce_sum3A_300 [1] : vector<1000x64xf32> to vector<1000xf32>
    %broadcast_in_dim3A_302 = vector.shape_cast %reduce_sum3A_301 : vector<1000xf32> to vector<1000x1xf32>
    %slice3A_303 = vector.extract_strided_slice %select_n3A_298 {offsets = [0, 0], sizes = [1000, 1], strides = [1, 1]} : vector<1000x64xf32> to vector<1000x1xf32>
    %slice3A_304 = vector.extract_strided_slice %select_n3A_298 {offsets = [0, 0], sizes = [1000, 1], strides = [1, 1]} : vector<1000x64xf32> to vector<1000x1xf32>
    %mul3A_305 = arith.mulf %slice3A_303, %slice3A_304 : vector<1000x1xf32>
    %sub3A_306 = arith.subf %broadcast_in_dim3A_302, %mul3A_305 : vector<1000x1xf32>
    %sqrt3A_307 = math.sqrt %sub3A_306 : vector<1000x1xf32>
    %max3A_308 = arith.constant 1.000000e-15 : f32
    %max3A_309 = vector.broadcast %max3A_308 : f32 to vector<1000x1xf32>
    %max3A_310 = arith.maximumf %sqrt3A_307, %max3A_309 : vector<1000x1xf32>
    %slice3A_311 = vector.extract_strided_slice %select_n3A_298 {offsets = [0, 0], sizes = [1000, 1], strides = [1, 1]} : vector<1000x64xf32> to vector<1000x1xf32>
    %max3A_312 = arith.constant 1.00000012 : f32
    %max3A_313 = vector.broadcast %max3A_312 : f32 to vector<1000x1xf32>
    %max3A_314 = arith.maximumf %slice3A_311, %max3A_313 : vector<1000x1xf32>
    %mul3A_315 = arith.mulf %max3A_314, %max3A_314 : vector<1000x1xf32>
    %sub3A_316 = arith.constant 1.000000e+00 : f32
    %sub3A_317 = vector.broadcast %sub3A_316 : f32 to vector<1000x1xf32>
    %sub3A_318 = arith.subf %mul3A_315, %sub3A_317 : vector<1000x1xf32>
    %max3A_319 = arith.constant 1.000000e-15 : f32
    %max3A_320 = vector.broadcast %max3A_319 : f32 to vector<1000x1xf32>
    %max3A_321 = arith.maximumf %sub3A_318, %max3A_320 : vector<1000x1xf32>
    %sqrt3A_322 = math.sqrt %max3A_321 : vector<1000x1xf32>
    %add3A_323 = arith.addf %max3A_314, %sqrt3A_322 : vector<1000x1xf32>
    %log3A_324 = math.log %add3A_323 : vector<1000x1xf32>
    %mul3A_325 = vector.broadcast %log3A_324 : vector<1000x1xf32> to vector<1000x64xf32>
    %mul3A_326 = arith.mulf %mul3A_325, %select_n3A_298 : vector<1000x64xf32>
    %div3A_327 = vector.broadcast %max3A_310 : vector<1000x1xf32> to vector<1000x64xf32>
    %div3A_328 = arith.divf %mul3A_326, %div3A_327 : vector<1000x64xf32>
    %iota3A_329 = tpu.iota {dimensions = array<i32: 1>} : vector<1000x64xi32>
    %eq3A_330 = arith.constant 0 : i32
    %eq3A_331 = vector.broadcast %eq3A_330 : i32 to vector<1000x64xi32>
    %eq3A_332 = arith.cmpi eq, %iota3A_329, %eq3A_331 : vector<1000x64xi32>
    %jit3A_333 = arith.constant 0.000000e+00 : f32
    %broadcast_in_dim3A_334 = vector.broadcast %jit3A_333 : f32 to vector<1000x64xf32>
    %select_n3A_335 = arith.select %eq3A_332, %broadcast_in_dim3A_334, %div3A_328 : vector<1000x64xi1>, vector<1000x64xf32>
    %swap3A = arith.constant 0 : index
    %swap3A_336 = arith.constant 0 : index
    %swap3A_337 = vector.load %arg4[%swap3A, %swap3A_336] : memref<1000x64xf32, #tpu.memory_space<vmem>>, vector<1000x64xf32>
    tpu.vector_store %arg4[%swap3A, %swap3A_336], %select_n3A_335 {strides = array<i32>} : memref<1000x64xf32, #tpu.memory_space<vmem>>, vector<1000x64xf32>,
    return
  }
  func.func @transform_0(%arg0: i32) -> (i32, i32) {
    %c0_i32 = arith.constant 0 : i32
    %c0_i32_0 = arith.constant 0 : i32
    return %arg0, %c0_i32 : i32, i32
  }
  func.func @transform_1(%arg0: i32) -> (i32, i32) {
    %c0_i32 = arith.constant 0 : i32
    %c0_i32_0 = arith.constant 0 : i32
    %c0_i32_1 = arith.constant 0 : i32
    return %c0_i32, %c0_i32_0 : i32, i32
  }
  func.func @transform_2(%arg0: i32) -> (i32, i32) {
    %c0_i32 = arith.constant 0 : i32
    %c0_i32_0 = arith.constant 0 : i32
    %c0_i32_1 = arith.constant 0 : i32
    return %c0_i32, %c0_i32_0 : i32, i32
  }
  func.func @transform_3(%arg0: i32) -> (i32, i32) {
    %c0_i32 = arith.constant 0 : i32
    %c0_i32_0 = arith.constant 0 : i32
    return %arg0, %c0_i32 : i32, i32
  }
}

module attributes {stable_mosaic.version = 14 : i64} {
  func.func @_tc2_body(%arg0: i32, %arg1: memref<1x1000x64xf32, #tpu.memory_space<vmem>>, %arg2: memref<1x1000x64xf32, #tpu.memory_space<vmem>>, %arg3: memref<64x16xf32, #tpu.memory_space<vmem>>, %arg4: memref<1x16xf32, #tpu.memory_space<vmem>>, %arg5: memref<1000x16xf32, #tpu.memory_space<vmem>>) attributes {dimension_semantics = [#tpu.dimension_semantics<arbitrary>], iteration_bounds = array<i64: 10>, scalar_prefetch = 0 : i64, scratch_operands = 0 : i64, tpu.core_type = #tpu.core_type<tc>, window_params = [{transform_indices = @transform_0, window_bounds = array<i64: 1, 1000, 64>}, {transform_indices = @transform_1, window_bounds = array<i64: 1, 1000, 64>}, {pipeline_mode = #tpu.pipeline_mode<synchronous>, transform_indices = @transform_2, window_bounds = array<i64: 64, 16>}, {pipeline_mode = #tpu.pipeline_mode<synchronous>, transform_indices = @transform_3, window_bounds = array<i64: 1, 16>}, {transform_indices = @transform_4, window_bounds = array<i64: 1000, 16>}]} {
    %get3A = arith.constant 0 : index
    %get3A_0 = arith.constant 0 : index
    %get3A_1 = arith.constant 0 : index
    %get3A_2 = vector.load %arg1[%get3A, %get3A_0, %get3A_1] : memref<1x1000x64xf32, #tpu.memory_space<vmem>>, vector<1x1000x64xf32>
    %get3A_3 = vector.shape_cast %get3A_2 : vector<1x1000x64xf32> to vector<1000x64xf32>
    %get3A_4 = arith.constant 0 : index
    %get3A_5 = arith.constant 0 : index
    %get3A_6 = arith.constant 0 : index
    %get3A_7 = vector.load %arg2[%get3A_4, %get3A_5, %get3A_6] : memref<1x1000x64xf32, #tpu.memory_space<vmem>>, vector<1x1000x64xf32>
    %get3A_8 = vector.shape_cast %get3A_7 : vector<1x1000x64xf32> to vector<1000x64xf32>
    %add3A = arith.addf %get3A_3, %get3A_8 : vector<1000x64xf32>
    %mul3A = arith.mulf %add3A, %add3A : vector<1000x64xf32>
    %reduce_sum3A = arith.constant dense<0.000000e+00> : vector<1000xf32>
    %reduce_sum3A_9 = vector.multi_reduction <add>, %mul3A, %reduce_sum3A [1] : vector<1000x64xf32> to vector<1000xf32>
    %broadcast_in_dim3A = vector.shape_cast %reduce_sum3A_9 : vector<1000xf32> to vector<1000x1xf32>
    %sqrt3A = math.sqrt %broadcast_in_dim3A : vector<1000x1xf32>
    %max3A = arith.constant 1.000000e-15 : f32
    %max3A_10 = vector.broadcast %max3A : f32 to vector<1000x1xf32>
    %max3A_11 = arith.maximumf %sqrt3A, %max3A_10 : vector<1000x1xf32>
    %exp3A = math.exp %max3A_11 : vector<1000x1xf32>
    %div3A = arith.constant 1.000000e+00 : f32
    %div3A_12 = vector.broadcast %div3A : f32 to vector<1000x1xf32>
    %div3A_13 = arith.divf %div3A_12, %exp3A : vector<1000x1xf32>
    %sub3A = arith.subf %exp3A, %div3A_13 : vector<1000x1xf32>
    %mul3A_14 = arith.constant 5.000000e-01 : f32
    %mul3A_15 = vector.broadcast %mul3A_14 : f32 to vector<1000x1xf32>
    %mul3A_16 = arith.mulf %mul3A_15, %sub3A : vector<1000x1xf32>
    %mul3A_17 = vector.broadcast %mul3A_16 : vector<1000x1xf32> to vector<1000x64xf32>
    %mul3A_18 = arith.mulf %mul3A_17, %add3A : vector<1000x64xf32>
    %div3A_19 = vector.broadcast %max3A_11 : vector<1000x1xf32> to vector<1000x64xf32>
    %div3A_20 = arith.divf %mul3A_18, %div3A_19 : vector<1000x64xf32>
    %mul3A_21 = arith.mulf %div3A_20, %div3A_20 : vector<1000x64xf32>
    %reduce_sum3A_22 = arith.constant dense<0.000000e+00> : vector<1000xf32>
    %reduce_sum3A_23 = vector.multi_reduction <add>, %mul3A_21, %reduce_sum3A_22 [1] : vector<1000x64xf32> to vector<1000xf32>
    %broadcast_in_dim3A_24 = vector.shape_cast %reduce_sum3A_23 : vector<1000xf32> to vector<1000x1xf32>
    %sqrt3A_25 = math.sqrt %broadcast_in_dim3A_24 : vector<1000x1xf32>
    %max3A_26 = arith.constant 1.000000e-15 : f32
    %max3A_27 = vector.broadcast %max3A_26 : f32 to vector<1000x1xf32>
    %max3A_28 = arith.maximumf %sqrt3A_25, %max3A_27 : vector<1000x1xf32>
    %add3A_29 = arith.constant 1.000000e+00 : f32
    %add3A_30 = vector.broadcast %add3A_29 : f32 to vector<1000x1xf32>
    %add3A_31 = arith.addf %add3A_30, %broadcast_in_dim3A_24 : vector<1000x1xf32>
    %max3A_32 = arith.constant 1.000000e-07 : f32
    %max3A_33 = vector.broadcast %max3A_32 : f32 to vector<1000x1xf32>
    %max3A_34 = arith.maximumf %add3A_31, %max3A_33 : vector<1000x1xf32>
    %sqrt3A_35 = math.sqrt %max3A_34 : vector<1000x1xf32>
    %max3A_36 = arith.constant 1.00000012 : f32
    %max3A_37 = vector.broadcast %max3A_36 : f32 to vector<1000x1xf32>
    %max3A_38 = arith.maximumf %sqrt3A_35, %max3A_37 : vector<1000x1xf32>
    %mul3A_39 = arith.mulf %max3A_38, %max3A_38 : vector<1000x1xf32>
    %sub3A_40 = arith.constant 1.000000e+00 : f32
    %sub3A_41 = vector.broadcast %sub3A_40 : f32 to vector<1000x1xf32>
    %sub3A_42 = arith.subf %mul3A_39, %sub3A_41 : vector<1000x1xf32>
    %max3A_43 = arith.constant 1.000000e-15 : f32
    %max3A_44 = vector.broadcast %max3A_43 : f32 to vector<1000x1xf32>
    %max3A_45 = arith.maximumf %sub3A_42, %max3A_44 : vector<1000x1xf32>
    %sqrt3A_46 = math.sqrt %max3A_45 : vector<1000x1xf32>
    %add3A_47 = arith.addf %max3A_38, %sqrt3A_46 : vector<1000x1xf32>
    %log3A = math.log %add3A_47 : vector<1000x1xf32>
    %mul3A_48 = vector.broadcast %log3A : vector<1000x1xf32> to vector<1000x64xf32>
    %mul3A_49 = arith.mulf %mul3A_48, %div3A_20 : vector<1000x64xf32>
    %div3A_50 = vector.broadcast %max3A_28 : vector<1000x1xf32> to vector<1000x64xf32>
    %div3A_51 = arith.divf %mul3A_49, %div3A_50 : vector<1000x64xf32>
    %max3A_52 = arith.constant 0.000000e+00 : f32
    %max3A_53 = vector.broadcast %max3A_52 : f32 to vector<1000x64xf32>
    %max3A_54 = arith.maximumf %div3A_51, %max3A_53 : vector<1000x64xf32>
    %mul3A_55 = arith.mulf %max3A_54, %max3A_54 : vector<1000x64xf32>
    %reduce_sum3A_56 = arith.constant dense<0.000000e+00> : vector<1000xf32>
    %reduce_sum3A_57 = vector.multi_reduction <add>, %mul3A_55, %reduce_sum3A_56 [1] : vector<1000x64xf32> to vector<1000xf32>
    %broadcast_in_dim3A_58 = vector.shape_cast %reduce_sum3A_57 : vector<1000xf32> to vector<1000x1xf32>
    %sqrt3A_59 = math.sqrt %broadcast_in_dim3A_58 : vector<1000x1xf32>
    %max3A_60 = arith.constant 1.000000e-15 : f32
    %max3A_61 = vector.broadcast %max3A_60 : f32 to vector<1000x1xf32>
    %max3A_62 = arith.maximumf %sqrt3A_59, %max3A_61 : vector<1000x1xf32>
    %exp3A_63 = math.exp %max3A_62 : vector<1000x1xf32>
    %div3A_64 = arith.constant 1.000000e+00 : f32
    %div3A_65 = vector.broadcast %div3A_64 : f32 to vector<1000x1xf32>
    %div3A_66 = arith.divf %div3A_65, %exp3A_63 : vector<1000x1xf32>
    %sub3A_67 = arith.subf %exp3A_63, %div3A_66 : vector<1000x1xf32>
    %mul3A_68 = arith.constant 5.000000e-01 : f32
    %mul3A_69 = vector.broadcast %mul3A_68 : f32 to vector<1000x1xf32>
    %mul3A_70 = arith.mulf %mul3A_69, %sub3A_67 : vector<1000x1xf32>
    %mul3A_71 = vector.broadcast %mul3A_70 : vector<1000x1xf32> to vector<1000x64xf32>
    %mul3A_72 = arith.mulf %mul3A_71, %max3A_54 : vector<1000x64xf32>
    %div3A_73 = vector.broadcast %max3A_62 : vector<1000x1xf32> to vector<1000x64xf32>
    %div3A_74 = arith.divf %mul3A_72, %div3A_73 : vector<1000x64xf32>
    %mul3A_75 = arith.mulf %div3A_74, %div3A_74 : vector<1000x64xf32>
    %reduce_sum3A_76 = arith.constant dense<0.000000e+00> : vector<1000xf32>
    %reduce_sum3A_77 = vector.multi_reduction <add>, %mul3A_75, %reduce_sum3A_76 [1] : vector<1000x64xf32> to vector<1000xf32>
    %broadcast_in_dim3A_78 = vector.shape_cast %reduce_sum3A_77 : vector<1000xf32> to vector<1000x1xf32>
    %sqrt3A_79 = math.sqrt %broadcast_in_dim3A_78 : vector<1000x1xf32>
    %max3A_80 = arith.constant 1.000000e-15 : f32
    %max3A_81 = vector.broadcast %max3A_80 : f32 to vector<1000x1xf32>
    %max3A_82 = arith.maximumf %sqrt3A_79, %max3A_81 : vector<1000x1xf32>
    %add3A_83 = arith.constant 1.000000e+00 : f32
    %add3A_84 = vector.broadcast %add3A_83 : f32 to vector<1000x1xf32>
    %add3A_85 = arith.addf %add3A_84, %broadcast_in_dim3A_78 : vector<1000x1xf32>
    %max3A_86 = arith.constant 1.000000e-07 : f32
    %max3A_87 = vector.broadcast %max3A_86 : f32 to vector<1000x1xf32>
    %max3A_88 = arith.maximumf %add3A_85, %max3A_87 : vector<1000x1xf32>
    %sqrt3A_89 = math.sqrt %max3A_88 : vector<1000x1xf32>
    %max3A_90 = arith.constant 1.00000012 : f32
    %max3A_91 = vector.broadcast %max3A_90 : f32 to vector<1000x1xf32>
    %max3A_92 = arith.maximumf %sqrt3A_89, %max3A_91 : vector<1000x1xf32>
    %mul3A_93 = arith.mulf %max3A_92, %max3A_92 : vector<1000x1xf32>
    %sub3A_94 = arith.constant 1.000000e+00 : f32
    %sub3A_95 = vector.broadcast %sub3A_94 : f32 to vector<1000x1xf32>
    %sub3A_96 = arith.subf %mul3A_93, %sub3A_95 : vector<1000x1xf32>
    %max3A_97 = arith.constant 1.000000e-15 : f32
    %max3A_98 = vector.broadcast %max3A_97 : f32 to vector<1000x1xf32>
    %max3A_99 = arith.maximumf %sub3A_96, %max3A_98 : vector<1000x1xf32>
    %sqrt3A_100 = math.sqrt %max3A_99 : vector<1000x1xf32>
    %add3A_101 = arith.addf %max3A_92, %sqrt3A_100 : vector<1000x1xf32>
    %log3A_102 = math.log %add3A_101 : vector<1000x1xf32>
    %mul3A_103 = vector.broadcast %log3A_102 : vector<1000x1xf32> to vector<1000x64xf32>
    %mul3A_104 = arith.mulf %mul3A_103, %div3A_74 : vector<1000x64xf32>
    %div3A_105 = vector.broadcast %max3A_82 : vector<1000x1xf32> to vector<1000x64xf32>
    %div3A_106 = arith.divf %mul3A_104, %div3A_105 : vector<1000x64xf32>
    %get3A_107 = arith.constant 0 : index
    %get3A_108 = arith.constant 0 : index
    %get3A_109 = vector.load %arg3[%get3A_107, %get3A_108] : memref<64x16xf32, #tpu.memory_space<vmem>>, vector<64x16xf32>
    %dot_general3A = arith.constant dense<0.000000e+00> : vector<1000x16xf32>
    %dot_general3A_110 = tpu.matmul %div3A_106, %get3A_109, %dot_general3A {dimension_numbers = #tpu.dot_dimension_numbers<[1], [0], [0], [1], [0, 0, 1, 1], [], []>, transpose_lhs_hint = false} : vector<1000x64xf32>, vector<64x16xf32>, vector<1000x16xf32> -> vector<1000x16xf32>
    %get3A_111 = arith.constant 0 : index
    %get3A_112 = arith.constant 0 : index
    %get3A_113 = vector.load %arg4[%get3A_111, %get3A_112] : memref<1x16xf32, #tpu.memory_space<vmem>>, vector<1x16xf32>
    %mul3A_114 = arith.mulf %dot_general3A_110, %dot_general3A_110 : vector<1000x16xf32>
    %reduce_sum3A_115 = arith.constant dense<0.000000e+00> : vector<1000xf32>
    %reduce_sum3A_116 = vector.multi_reduction <add>, %mul3A_114, %reduce_sum3A_115 [1] : vector<1000x16xf32> to vector<1000xf32>
    %broadcast_in_dim3A_117 = vector.shape_cast %reduce_sum3A_116 : vector<1000xf32> to vector<1000x1xf32>
    %slice3A = vector.extract_strided_slice %dot_general3A_110 {offsets = [0, 0], sizes = [1000, 1], strides = [1, 1]} : vector<1000x16xf32> to vector<1000x1xf32>
    %slice3A_118 = vector.extract_strided_slice %dot_general3A_110 {offsets = [0, 0], sizes = [1000, 1], strides = [1, 1]} : vector<1000x16xf32> to vector<1000x1xf32>
    %mul3A_119 = arith.mulf %slice3A, %slice3A_118 : vector<1000x1xf32>
    %sub3A_120 = arith.subf %broadcast_in_dim3A_117, %mul3A_119 : vector<1000x1xf32>
    %sqrt3A_121 = math.sqrt %sub3A_120 : vector<1000x1xf32>
    %max3A_122 = arith.constant 1.000000e-15 : f32
    %max3A_123 = vector.broadcast %max3A_122 : f32 to vector<1000x1xf32>
    %max3A_124 = arith.maximumf %sqrt3A_121, %max3A_123 : vector<1000x1xf32>
    %exp3A_125 = math.exp %max3A_124 : vector<1000x1xf32>
    %div3A_126 = arith.constant 1.000000e+00 : f32
    %div3A_127 = vector.broadcast %div3A_126 : f32 to vector<1000x1xf32>
    %div3A_128 = arith.divf %div3A_127, %exp3A_125 : vector<1000x1xf32>
    %sub3A_129 = arith.subf %exp3A_125, %div3A_128 : vector<1000x1xf32>
    %mul3A_130 = arith.constant 5.000000e-01 : f32
    %mul3A_131 = vector.broadcast %mul3A_130 : f32 to vector<1000x1xf32>
    %mul3A_132 = arith.mulf %mul3A_131, %sub3A_129 : vector<1000x1xf32>
    %add3A_133 = arith.addf %exp3A_125, %div3A_128 : vector<1000x1xf32>
    %mul3A_134 = arith.constant 5.000000e-01 : f32
    %mul3A_135 = vector.broadcast %mul3A_134 : f32 to vector<1000x1xf32>
    %mul3A_136 = arith.mulf %mul3A_135, %add3A_133 : vector<1000x1xf32>
    %mul3A_137 = vector.broadcast %mul3A_132 : vector<1000x1xf32> to vector<1000x16xf32>
    %mul3A_138 = arith.mulf %mul3A_137, %dot_general3A_110 : vector<1000x16xf32>
    %div3A_139 = vector.broadcast %max3A_124 : vector<1000x1xf32> to vector<1000x16xf32>
    %div3A_140 = arith.divf %mul3A_138, %div3A_139 : vector<1000x16xf32>
    %iota3A = tpu.iota {dimensions = array<i32: 1>} : vector<1000x16xi32>
    %eq3A = arith.constant 0 : i32
    %eq3A_141 = vector.broadcast %eq3A : i32 to vector<1000x16xi32>
    %eq3A_142 = arith.cmpi eq, %iota3A, %eq3A_141 : vector<1000x16xi32>
    %broadcast_in_dim3A_143 = vector.shape_cast %mul3A_136 : vector<1000x1xf32> to vector<1000x1xf32>
    %broadcast_in_dim3A_144 = vector.broadcast %broadcast_in_dim3A_143 : vector<1000x1xf32> to vector<1000x16xf32>
    %select_n3A = arith.select %eq3A_142, %broadcast_in_dim3A_144, %div3A_140 : vector<1000x16xi1>, vector<1000x16xf32>
    %mul3A_145 = arith.mulf %select_n3A, %select_n3A : vector<1000x16xf32>
    %reduce_sum3A_146 = arith.constant dense<0.000000e+00> : vector<1000xf32>
    %reduce_sum3A_147 = vector.multi_reduction <add>, %mul3A_145, %reduce_sum3A_146 [1] : vector<1000x16xf32> to vector<1000xf32>
    %broadcast_in_dim3A_148 = vector.shape_cast %reduce_sum3A_147 : vector<1000xf32> to vector<1000x1xf32>
    %slice3A_149 = vector.extract_strided_slice %select_n3A {offsets = [0, 0], sizes = [1000, 1], strides = [1, 1]} : vector<1000x16xf32> to vector<1000x1xf32>
    %slice3A_150 = vector.extract_strided_slice %select_n3A {offsets = [0, 0], sizes = [1000, 1], strides = [1, 1]} : vector<1000x16xf32> to vector<1000x1xf32>
    %mul3A_151 = arith.mulf %slice3A_149, %slice3A_150 : vector<1000x1xf32>
    %sub3A_152 = arith.subf %broadcast_in_dim3A_148, %mul3A_151 : vector<1000x1xf32>
    %add3A_153 = arith.constant 1.000000e+00 : f32
    %add3A_154 = vector.broadcast %add3A_153 : f32 to vector<1000x1xf32>
    %add3A_155 = arith.addf %add3A_154, %sub3A_152 : vector<1000x1xf32>
    %max3A_156 = arith.constant 1.000000e-07 : f32
    %max3A_157 = vector.broadcast %max3A_156 : f32 to vector<1000x1xf32>
    %max3A_158 = arith.maximumf %add3A_155, %max3A_157 : vector<1000x1xf32>
    %sqrt3A_159 = math.sqrt %max3A_158 : vector<1000x1xf32>
    %iota3A_160 = tpu.iota {dimensions = array<i32: 1>} : vector<1000x16xi32>
    %eq3A_161 = arith.constant 0 : i32
    %eq3A_162 = vector.broadcast %eq3A_161 : i32 to vector<1000x16xi32>
    %eq3A_163 = arith.cmpi eq, %iota3A_160, %eq3A_162 : vector<1000x16xi32>
    %broadcast_in_dim3A_164 = vector.shape_cast %sqrt3A_159 : vector<1000x1xf32> to vector<1000x1xf32>
    %broadcast_in_dim3A_165 = vector.broadcast %broadcast_in_dim3A_164 : vector<1000x1xf32> to vector<1000x16xf32>
    %select_n3A_166 = arith.select %eq3A_163, %broadcast_in_dim3A_165, %select_n3A : vector<1000x16xi1>, vector<1000x16xf32>
    %iota3A_167 = tpu.iota {dimensions = array<i32: 1>} : vector<1x16xi32>
    %eq3A_168 = arith.constant 0 : i32
    %eq3A_169 = vector.broadcast %eq3A_168 : i32 to vector<1x16xi32>
    %eq3A_170 = arith.cmpi eq, %iota3A_167, %eq3A_169 : vector<1x16xi32>
    %jit3A = arith.constant 0.000000e+00 : f32
    %broadcast_in_dim3A_171 = vector.broadcast %jit3A : f32 to vector<1x16xf32>
    %select_n3A_172 = arith.select %eq3A_170, %broadcast_in_dim3A_171, %get3A_113 : vector<1x16xi1>, vector<1x16xf32>
    %mul3A_173 = arith.mulf %select_n3A_172, %select_n3A_172 : vector<1x16xf32>
    %reduce_sum3A_174 = arith.constant dense<0.000000e+00> : vector<1xf32>
    %reduce_sum3A_175 = vector.multi_reduction <add>, %mul3A_173, %reduce_sum3A_174 [1] : vector<1x16xf32> to vector<1xf32>
    %broadcast_in_dim3A_176 = vector.shape_cast %reduce_sum3A_175 : vector<1xf32> to vector<1x1xf32>
    %slice3A_177 = vector.extract_strided_slice %select_n3A_172 {offsets = [0, 0], sizes = [1, 1], strides = [1, 1]} : vector<1x16xf32> to vector<1x1xf32>
    %slice3A_178 = vector.extract_strided_slice %select_n3A_172 {offsets = [0, 0], sizes = [1, 1], strides = [1, 1]} : vector<1x16xf32> to vector<1x1xf32>
    %mul3A_179 = arith.mulf %slice3A_177, %slice3A_178 : vector<1x1xf32>
    %sub3A_180 = arith.subf %broadcast_in_dim3A_176, %mul3A_179 : vector<1x1xf32>
    %sqrt3A_181 = math.sqrt %sub3A_180 : vector<1x1xf32>
    %max3A_182 = arith.constant 1.000000e-15 : f32
    %max3A_183 = vector.broadcast %max3A_182 : f32 to vector<1x1xf32>
    %max3A_184 = arith.maximumf %sqrt3A_181, %max3A_183 : vector<1x1xf32>
    %exp3A_185 = math.exp %max3A_184 : vector<1x1xf32>
    %div3A_186 = arith.constant 1.000000e+00 : f32
    %div3A_187 = vector.broadcast %div3A_186 : f32 to vector<1x1xf32>
    %div3A_188 = arith.divf %div3A_187, %exp3A_185 : vector<1x1xf32>
    %sub3A_189 = arith.subf %exp3A_185, %div3A_188 : vector<1x1xf32>
    %mul3A_190 = arith.constant 5.000000e-01 : f32
    %mul3A_191 = vector.broadcast %mul3A_190 : f32 to vector<1x1xf32>
    %mul3A_192 = arith.mulf %mul3A_191, %sub3A_189 : vector<1x1xf32>
    %add3A_193 = arith.addf %exp3A_185, %div3A_188 : vector<1x1xf32>
    %mul3A_194 = arith.constant 5.000000e-01 : f32
    %mul3A_195 = vector.broadcast %mul3A_194 : f32 to vector<1x1xf32>
    %mul3A_196 = arith.mulf %mul3A_195, %add3A_193 : vector<1x1xf32>
    %mul3A_197 = vector.broadcast %mul3A_192 : vector<1x1xf32> to vector<1x16xf32>
    %mul3A_198 = arith.mulf %mul3A_197, %select_n3A_172 : vector<1x16xf32>
    %div3A_199 = vector.broadcast %max3A_184 : vector<1x1xf32> to vector<1x16xf32>
    %div3A_200 = arith.divf %mul3A_198, %div3A_199 : vector<1x16xf32>
    %iota3A_201 = tpu.iota {dimensions = array<i32: 1>} : vector<1x16xi32>
    %eq3A_202 = arith.constant 0 : i32
    %eq3A_203 = vector.broadcast %eq3A_202 : i32 to vector<1x16xi32>
    %eq3A_204 = arith.cmpi eq, %iota3A_201, %eq3A_203 : vector<1x16xi32>
    %broadcast_in_dim3A_205 = vector.shape_cast %mul3A_196 : vector<1x1xf32> to vector<1x1xf32>
    %broadcast_in_dim3A_206 = vector.broadcast %broadcast_in_dim3A_205 : vector<1x1xf32> to vector<1x16xf32>
    %select_n3A_207 = arith.select %eq3A_204, %broadcast_in_dim3A_206, %div3A_200 : vector<1x16xi1>, vector<1x16xf32>
    %mul3A_208 = arith.mulf %select_n3A_207, %select_n3A_207 : vector<1x16xf32>
    %reduce_sum3A_209 = arith.constant dense<0.000000e+00> : vector<1xf32>
    %reduce_sum3A_210 = vector.multi_reduction <add>, %mul3A_208, %reduce_sum3A_209 [1] : vector<1x16xf32> to vector<1xf32>
    %broadcast_in_dim3A_211 = vector.shape_cast %reduce_sum3A_210 : vector<1xf32> to vector<1x1xf32>
    %slice3A_212 = vector.extract_strided_slice %select_n3A_207 {offsets = [0, 0], sizes = [1, 1], strides = [1, 1]} : vector<1x16xf32> to vector<1x1xf32>
    %slice3A_213 = vector.extract_strided_slice %select_n3A_207 {offsets = [0, 0], sizes = [1, 1], strides = [1, 1]} : vector<1x16xf32> to vector<1x1xf32>
    %mul3A_214 = arith.mulf %slice3A_212, %slice3A_213 : vector<1x1xf32>
    %sub3A_215 = arith.subf %broadcast_in_dim3A_211, %mul3A_214 : vector<1x1xf32>
    %add3A_216 = arith.constant 1.000000e+00 : f32
    %add3A_217 = vector.broadcast %add3A_216 : f32 to vector<1x1xf32>
    %add3A_218 = arith.addf %add3A_217, %sub3A_215 : vector<1x1xf32>
    %max3A_219 = arith.constant 1.000000e-07 : f32
    %max3A_220 = vector.broadcast %max3A_219 : f32 to vector<1x1xf32>
    %max3A_221 = arith.maximumf %add3A_218, %max3A_220 : vector<1x1xf32>
    %sqrt3A_222 = math.sqrt %max3A_221 : vector<1x1xf32>
    %iota3A_223 = tpu.iota {dimensions = array<i32: 1>} : vector<1x16xi32>
    %eq3A_224 = arith.constant 0 : i32
    %eq3A_225 = vector.broadcast %eq3A_224 : i32 to vector<1x16xi32>
    %eq3A_226 = arith.cmpi eq, %iota3A_223, %eq3A_225 : vector<1x16xi32>
    %broadcast_in_dim3A_227 = vector.shape_cast %sqrt3A_222 : vector<1x1xf32> to vector<1x1xf32>
    %broadcast_in_dim3A_228 = vector.broadcast %broadcast_in_dim3A_227 : vector<1x1xf32> to vector<1x16xf32>
    %select_n3A_229 = arith.select %eq3A_226, %broadcast_in_dim3A_228, %select_n3A_207 : vector<1x16xi1>, vector<1x16xf32>
    %mul3A_230 = arith.mulf %select_n3A_229, %select_n3A_229 : vector<1x16xf32>
    %reduce_sum3A_231 = arith.constant dense<0.000000e+00> : vector<1xf32>
    %reduce_sum3A_232 = vector.multi_reduction <add>, %mul3A_230, %reduce_sum3A_231 [1] : vector<1x16xf32> to vector<1xf32>
    %broadcast_in_dim3A_233 = vector.shape_cast %reduce_sum3A_232 : vector<1xf32> to vector<1x1xf32>
    %slice3A_234 = vector.extract_strided_slice %select_n3A_229 {offsets = [0, 0], sizes = [1, 1], strides = [1, 1]} : vector<1x16xf32> to vector<1x1xf32>
    %slice3A_235 = vector.extract_strided_slice %select_n3A_229 {offsets = [0, 0], sizes = [1, 1], strides = [1, 1]} : vector<1x16xf32> to vector<1x1xf32>
    %mul3A_236 = arith.mulf %slice3A_234, %slice3A_235 : vector<1x1xf32>
    %sub3A_237 = arith.subf %broadcast_in_dim3A_233, %mul3A_236 : vector<1x1xf32>
    %sqrt3A_238 = math.sqrt %sub3A_237 : vector<1x1xf32>
    %max3A_239 = arith.constant 1.000000e-15 : f32
    %max3A_240 = vector.broadcast %max3A_239 : f32 to vector<1x1xf32>
    %max3A_241 = arith.maximumf %sqrt3A_238, %max3A_240 : vector<1x1xf32>
    %slice3A_242 = vector.extract_strided_slice %select_n3A_229 {offsets = [0, 0], sizes = [1, 1], strides = [1, 1]} : vector<1x16xf32> to vector<1x1xf32>
    %max3A_243 = arith.constant 1.00000012 : f32
    %max3A_244 = vector.broadcast %max3A_243 : f32 to vector<1x1xf32>
    %max3A_245 = arith.maximumf %slice3A_242, %max3A_244 : vector<1x1xf32>
    %mul3A_246 = arith.mulf %max3A_245, %max3A_245 : vector<1x1xf32>
    %sub3A_247 = arith.constant 1.000000e+00 : f32
    %sub3A_248 = vector.broadcast %sub3A_247 : f32 to vector<1x1xf32>
    %sub3A_249 = arith.subf %mul3A_246, %sub3A_248 : vector<1x1xf32>
    %max3A_250 = arith.constant 1.000000e-15 : f32
    %max3A_251 = vector.broadcast %max3A_250 : f32 to vector<1x1xf32>
    %max3A_252 = arith.maximumf %sub3A_249, %max3A_251 : vector<1x1xf32>
    %sqrt3A_253 = math.sqrt %max3A_252 : vector<1x1xf32>
    %add3A_254 = arith.addf %max3A_245, %sqrt3A_253 : vector<1x1xf32>
    %log3A_255 = math.log %add3A_254 : vector<1x1xf32>
    %mul3A_256 = vector.broadcast %log3A_255 : vector<1x1xf32> to vector<1x16xf32>
    %mul3A_257 = arith.mulf %mul3A_256, %select_n3A_229 : vector<1x16xf32>
    %div3A_258 = vector.broadcast %max3A_241 : vector<1x1xf32> to vector<1x16xf32>
    %div3A_259 = arith.divf %mul3A_257, %div3A_258 : vector<1x16xf32>
    %iota3A_260 = tpu.iota {dimensions = array<i32: 1>} : vector<1x16xi32>
    %eq3A_261 = arith.constant 0 : i32
    %eq3A_262 = vector.broadcast %eq3A_261 : i32 to vector<1x16xi32>
    %eq3A_263 = arith.cmpi eq, %iota3A_260, %eq3A_262 : vector<1x16xi32>
    %jit3A_264 = arith.constant 0.000000e+00 : f32
    %broadcast_in_dim3A_265 = vector.broadcast %jit3A_264 : f32 to vector<1x16xf32>
    %select_n3A_266 = arith.select %eq3A_263, %broadcast_in_dim3A_265, %div3A_259 : vector<1x16xi1>, vector<1x16xf32>
    %slice3A_267 = vector.extract_strided_slice %select_n3A_166 {offsets = [0, 0], sizes = [1000, 1], strides = [1, 1]} : vector<1000x16xf32> to vector<1000x1xf32>
    %mul3A_268 = arith.mulf %select_n3A_166, %select_n3A_166 : vector<1000x16xf32>
    %reduce_sum3A_269 = arith.constant dense<0.000000e+00> : vector<1000xf32>
    %reduce_sum3A_270 = vector.multi_reduction <add>, %mul3A_268, %reduce_sum3A_269 [1] : vector<1000x16xf32> to vector<1000xf32>
    %broadcast_in_dim3A_271 = vector.shape_cast %reduce_sum3A_270 : vector<1000xf32> to vector<1000x1xf32>
    %slice3A_272 = vector.extract_strided_slice %select_n3A_166 {offsets = [0, 0], sizes = [1000, 1], strides = [1, 1]} : vector<1000x16xf32> to vector<1000x1xf32>
    %slice3A_273 = vector.extract_strided_slice %select_n3A_166 {offsets = [0, 0], sizes = [1000, 1], strides = [1, 1]} : vector<1000x16xf32> to vector<1000x1xf32>
    %mul3A_274 = arith.mulf %slice3A_272, %slice3A_273 : vector<1000x1xf32>
    %sub3A_275 = arith.subf %broadcast_in_dim3A_271, %mul3A_274 : vector<1000x1xf32>
    %sqrt3A_276 = math.sqrt %sub3A_275 : vector<1000x1xf32>
    %max3A_277 = arith.constant 1.000000e-15 : f32
    %max3A_278 = vector.broadcast %max3A_277 : f32 to vector<1000x1xf32>
    %max3A_279 = arith.maximumf %sqrt3A_276, %max3A_278 : vector<1000x1xf32>
    %div3A_280 = vector.broadcast %max3A_279 : vector<1000x1xf32> to vector<1000x16xf32>
    %div3A_281 = arith.divf %select_n3A_166, %div3A_280 : vector<1000x16xf32>
    %mul3A_282 = vector.broadcast %select_n3A_266 : vector<1x16xf32> to vector<1000x16xf32>
    %mul3A_283 = arith.mulf %div3A_281, %mul3A_282 : vector<1000x16xf32>
    %reduce_sum3A_284 = arith.constant dense<0.000000e+00> : vector<1000xf32>
    %reduce_sum3A_285 = vector.multi_reduction <add>, %mul3A_283, %reduce_sum3A_284 [1] : vector<1000x16xf32> to vector<1000xf32>
    %broadcast_in_dim3A_286 = vector.shape_cast %reduce_sum3A_285 : vector<1000xf32> to vector<1000x1xf32>
    %slice3A_287 = vector.extract_strided_slice %div3A_281 {offsets = [0, 0], sizes = [1000, 1], strides = [1, 1]} : vector<1000x16xf32> to vector<1000x1xf32>
    %slice3A_288 = vector.extract_strided_slice %select_n3A_266 {offsets = [0, 0], sizes = [1, 1], strides = [1, 1]} : vector<1x16xf32> to vector<1x1xf32>
    %mul3A_289 = vector.broadcast %slice3A_288 : vector<1x1xf32> to vector<1000x1xf32>
    %mul3A_290 = arith.mulf %slice3A_287, %mul3A_289 : vector<1000x1xf32>
    %sub3A_291 = arith.subf %broadcast_in_dim3A_286, %mul3A_290 : vector<1000x1xf32>
    %iota3A_292 = tpu.iota {dimensions = array<i32: 1>} : vector<1000x16xi32>
    %eq3A_293 = arith.constant 0 : i32
    %eq3A_294 = vector.broadcast %eq3A_293 : i32 to vector<1000x16xi32>
    %eq3A_295 = arith.cmpi eq, %iota3A_292, %eq3A_294 : vector<1000x16xi32>
    %neg3A = arith.constant 0.000000e+00 : f32
    %neg3A_296 = vector.broadcast %neg3A : f32 to vector<1000x1xf32>
    %neg3A_297 = arith.subf %neg3A_296, %max3A_279 : vector<1000x1xf32>
    %sub3A_298 = arith.constant 1.000000e+00 : f32
    %sub3A_299 = vector.broadcast %sub3A_298 : f32 to vector<1000x1xf32>
    %sub3A_300 = arith.subf %sub3A_299, %slice3A_267 : vector<1000x1xf32>
    %mul3A_301 = vector.broadcast %sub3A_300 : vector<1000x1xf32> to vector<1000x16xf32>
    %mul3A_302 = arith.mulf %mul3A_301, %div3A_281 : vector<1000x16xf32>
    %broadcast_in_dim3A_303 = vector.shape_cast %neg3A_297 : vector<1000x1xf32> to vector<1000x1xf32>
    %broadcast_in_dim3A_304 = vector.broadcast %broadcast_in_dim3A_303 : vector<1000x1xf32> to vector<1000x16xf32>
    %select_n3A_305 = arith.select %eq3A_295, %broadcast_in_dim3A_304, %mul3A_302 : vector<1000x16xi1>, vector<1000x16xf32>
    %mul3A_306 = vector.broadcast %sub3A_291 : vector<1000x1xf32> to vector<1000x16xf32>
    %mul3A_307 = arith.mulf %mul3A_306, %select_n3A_305 : vector<1000x16xf32>
    %sub3A_308 = vector.broadcast %select_n3A_266 : vector<1x16xf32> to vector<1000x16xf32>
    %sub3A_309 = arith.subf %sub3A_308, %mul3A_307 : vector<1000x16xf32>
    %mul3A_310 = arith.mulf %select_n3A_166, %sub3A_309 : vector<1000x16xf32>
    %reduce_sum3A_311 = arith.constant dense<0.000000e+00> : vector<1000xf32>
    %reduce_sum3A_312 = vector.multi_reduction <add>, %mul3A_310, %reduce_sum3A_311 [1] : vector<1000x16xf32> to vector<1000xf32>
    %broadcast_in_dim3A_313 = vector.shape_cast %reduce_sum3A_312 : vector<1000xf32> to vector<1000x1xf32>
    %slice3A_314 = vector.extract_strided_slice %select_n3A_166 {offsets = [0, 0], sizes = [1000, 1], strides = [1, 1]} : vector<1000x16xf32> to vector<1000x1xf32>
    %slice3A_315 = vector.extract_strided_slice %sub3A_309 {offsets = [0, 0], sizes = [1000, 1], strides = [1, 1]} : vector<1000x16xf32> to vector<1000x1xf32>
    %mul3A_316 = arith.mulf %slice3A_314, %slice3A_315 : vector<1000x1xf32>
    %sub3A_317 = arith.subf %broadcast_in_dim3A_313, %mul3A_316 : vector<1000x1xf32>
    %slice3A_318 = vector.extract_strided_slice %select_n3A_166 {offsets = [0, 0], sizes = [1000, 1], strides = [1, 1]} : vector<1000x16xf32> to vector<1000x1xf32>
    %max3A_319 = arith.constant 1.000000e-07 : f32
    %max3A_320 = vector.broadcast %max3A_319 : f32 to vector<1000x1xf32>
    %max3A_321 = arith.maximumf %slice3A_318, %max3A_320 : vector<1000x1xf32>
    %div3A_322 = arith.divf %sub3A_317, %max3A_321 : vector<1000x1xf32>
    %iota3A_323 = tpu.iota {dimensions = array<i32: 1>} : vector<1000x16xi32>
    %eq3A_324 = arith.constant 0 : i32
    %eq3A_325 = vector.broadcast %eq3A_324 : i32 to vector<1000x16xi32>
    %eq3A_326 = arith.cmpi eq, %iota3A_323, %eq3A_325 : vector<1000x16xi32>
    %broadcast_in_dim3A_327 = vector.shape_cast %div3A_322 : vector<1000x1xf32> to vector<1000x1xf32>
    %broadcast_in_dim3A_328 = vector.broadcast %broadcast_in_dim3A_327 : vector<1000x1xf32> to vector<1000x16xf32>
    %select_n3A_329 = arith.select %eq3A_326, %broadcast_in_dim3A_328, %sub3A_309 : vector<1000x16xi1>, vector<1000x16xf32>
    %mul3A_330 = arith.mulf %select_n3A_329, %select_n3A_329 : vector<1000x16xf32>
    %reduce_sum3A_331 = arith.constant dense<0.000000e+00> : vector<1000xf32>
    %reduce_sum3A_332 = vector.multi_reduction <add>, %mul3A_330, %reduce_sum3A_331 [1] : vector<1000x16xf32> to vector<1000xf32>
    %broadcast_in_dim3A_333 = vector.shape_cast %reduce_sum3A_332 : vector<1000xf32> to vector<1000x1xf32>
    %slice3A_334 = vector.extract_strided_slice %select_n3A_329 {offsets = [0, 0], sizes = [1000, 1], strides = [1, 1]} : vector<1000x16xf32> to vector<1000x1xf32>
    %slice3A_335 = vector.extract_strided_slice %select_n3A_329 {offsets = [0, 0], sizes = [1000, 1], strides = [1, 1]} : vector<1000x16xf32> to vector<1000x1xf32>
    %mul3A_336 = arith.mulf %slice3A_334, %slice3A_335 : vector<1000x1xf32>
    %sub3A_337 = arith.subf %broadcast_in_dim3A_333, %mul3A_336 : vector<1000x1xf32>
    %slice3A_338 = vector.extract_strided_slice %select_n3A_329 {offsets = [0, 0], sizes = [1000, 1], strides = [1, 1]} : vector<1000x16xf32> to vector<1000x1xf32>
    %slice3A_339 = vector.extract_strided_slice %select_n3A_329 {offsets = [0, 0], sizes = [1000, 1], strides = [1, 1]} : vector<1000x16xf32> to vector<1000x1xf32>
    %mul3A_340 = arith.mulf %slice3A_338, %slice3A_339 : vector<1000x1xf32>
    %sub3A_341 = arith.subf %sub3A_337, %mul3A_340 : vector<1000x1xf32>
    %max3A_342 = arith.constant 1.000000e-07 : f32
    %max3A_343 = vector.broadcast %max3A_342 : f32 to vector<1000x1xf32>
    %max3A_344 = arith.maximumf %sub3A_341, %max3A_343 : vector<1000x1xf32>
    %sqrt3A_345 = math.sqrt %max3A_344 : vector<1000x1xf32>
    %min3A = arith.constant 1.000000e+06 : f32
    %min3A_346 = vector.broadcast %min3A : f32 to vector<1000x1xf32>
    %min3A_347 = arith.minimumf %sqrt3A_345, %min3A_346 : vector<1000x1xf32>
    %max3A_348 = arith.constant 1.000000e-15 : f32
    %max3A_349 = vector.broadcast %max3A_348 : f32 to vector<1000x1xf32>
    %max3A_350 = arith.maximumf %min3A_347, %max3A_349 : vector<1000x1xf32>
    %exp3A_351 = math.exp %max3A_350 : vector<1000x1xf32>
    %div3A_352 = arith.constant 1.000000e+00 : f32
    %div3A_353 = vector.broadcast %div3A_352 : f32 to vector<1000x1xf32>
    %div3A_354 = arith.divf %div3A_353, %exp3A_351 : vector<1000x1xf32>
    %sub3A_355 = arith.subf %exp3A_351, %div3A_354 : vector<1000x1xf32>
    %mul3A_356 = arith.constant 5.000000e-01 : f32
    %mul3A_357 = vector.broadcast %mul3A_356 : f32 to vector<1000x1xf32>
    %mul3A_358 = arith.mulf %mul3A_357, %sub3A_355 : vector<1000x1xf32>
    %add3A_359 = arith.addf %exp3A_351, %div3A_354 : vector<1000x1xf32>
    %mul3A_360 = arith.constant 5.000000e-01 : f32
    %mul3A_361 = vector.broadcast %mul3A_360 : f32 to vector<1000x1xf32>
    %mul3A_362 = arith.mulf %mul3A_361, %add3A_359 : vector<1000x1xf32>
    %mul3A_363 = vector.broadcast %mul3A_362 : vector<1000x1xf32> to vector<1000x16xf32>
    %mul3A_364 = arith.mulf %mul3A_363, %select_n3A_166 : vector<1000x16xf32>
    %mul3A_365 = vector.broadcast %mul3A_358 : vector<1000x1xf32> to vector<1000x16xf32>
    %mul3A_366 = arith.mulf %mul3A_365, %select_n3A_329 : vector<1000x16xf32>
    %div3A_367 = vector.broadcast %max3A_350 : vector<1000x1xf32> to vector<1000x16xf32>
    %div3A_368 = arith.divf %mul3A_366, %div3A_367 : vector<1000x16xf32>
    %add3A_369 = arith.addf %mul3A_364, %div3A_368 : vector<1000x16xf32>
    %mul3A_370 = arith.mulf %add3A_369, %add3A_369 : vector<1000x16xf32>
    %reduce_sum3A_371 = arith.constant dense<0.000000e+00> : vector<1000xf32>
    %reduce_sum3A_372 = vector.multi_reduction <add>, %mul3A_370, %reduce_sum3A_371 [1] : vector<1000x16xf32> to vector<1000xf32>
    %broadcast_in_dim3A_373 = vector.shape_cast %reduce_sum3A_372 : vector<1000xf32> to vector<1000x1xf32>
    %slice3A_374 = vector.extract_strided_slice %add3A_369 {offsets = [0, 0], sizes = [1000, 1], strides = [1, 1]} : vector<1000x16xf32> to vector<1000x1xf32>
    %slice3A_375 = vector.extract_strided_slice %add3A_369 {offsets = [0, 0], sizes = [1000, 1], strides = [1, 1]} : vector<1000x16xf32> to vector<1000x1xf32>
    %mul3A_376 = arith.mulf %slice3A_374, %slice3A_375 : vector<1000x1xf32>
    %sub3A_377 = arith.subf %broadcast_in_dim3A_373, %mul3A_376 : vector<1000x1xf32>
    %add3A_378 = arith.constant 1.000000e+00 : f32
    %add3A_379 = vector.broadcast %add3A_378 : f32 to vector<1000x1xf32>
    %add3A_380 = arith.addf %add3A_379, %sub3A_377 : vector<1000x1xf32>
    %max3A_381 = arith.constant 1.000000e-07 : f32
    %max3A_382 = vector.broadcast %max3A_381 : f32 to vector<1000x1xf32>
    %max3A_383 = arith.maximumf %add3A_380, %max3A_382 : vector<1000x1xf32>
    %sqrt3A_384 = math.sqrt %max3A_383 : vector<1000x1xf32>
    %iota3A_385 = tpu.iota {dimensions = array<i32: 1>} : vector<1000x16xi32>
    %eq3A_386 = arith.constant 0 : i32
    %eq3A_387 = vector.broadcast %eq3A_386 : i32 to vector<1000x16xi32>
    %eq3A_388 = arith.cmpi eq, %iota3A_385, %eq3A_387 : vector<1000x16xi32>
    %broadcast_in_dim3A_389 = vector.shape_cast %sqrt3A_384 : vector<1000x1xf32> to vector<1000x1xf32>
    %broadcast_in_dim3A_390 = vector.broadcast %broadcast_in_dim3A_389 : vector<1000x1xf32> to vector<1000x16xf32>
    %select_n3A_391 = arith.select %eq3A_388, %broadcast_in_dim3A_390, %add3A_369 : vector<1000x16xi1>, vector<1000x16xf32>
    %mul3A_392 = arith.mulf %select_n3A_391, %select_n3A_391 : vector<1000x16xf32>
    %reduce_sum3A_393 = arith.constant dense<0.000000e+00> : vector<1000xf32>
    %reduce_sum3A_394 = vector.multi_reduction <add>, %mul3A_392, %reduce_sum3A_393 [1] : vector<1000x16xf32> to vector<1000xf32>
    %broadcast_in_dim3A_395 = vector.shape_cast %reduce_sum3A_394 : vector<1000xf32> to vector<1000x1xf32>
    %slice3A_396 = vector.extract_strided_slice %select_n3A_391 {offsets = [0, 0], sizes = [1000, 1], strides = [1, 1]} : vector<1000x16xf32> to vector<1000x1xf32>
    %slice3A_397 = vector.extract_strided_slice %select_n3A_391 {offsets = [0, 0], sizes = [1000, 1], strides = [1, 1]} : vector<1000x16xf32> to vector<1000x1xf32>
    %mul3A_398 = arith.mulf %slice3A_396, %slice3A_397 : vector<1000x1xf32>
    %sub3A_399 = arith.subf %broadcast_in_dim3A_395, %mul3A_398 : vector<1000x1xf32>
    %add3A_400 = arith.constant 1.000000e+00 : f32
    %add3A_401 = vector.broadcast %add3A_400 : f32 to vector<1000x1xf32>
    %add3A_402 = arith.addf %add3A_401, %sub3A_399 : vector<1000x1xf32>
    %max3A_403 = arith.constant 1.000000e-07 : f32
    %max3A_404 = vector.broadcast %max3A_403 : f32 to vector<1000x1xf32>
    %max3A_405 = arith.maximumf %add3A_402, %max3A_404 : vector<1000x1xf32>
    %sqrt3A_406 = math.sqrt %max3A_405 : vector<1000x1xf32>
    %iota3A_407 = tpu.iota {dimensions = array<i32: 1>} : vector<1000x16xi32>
    %eq3A_408 = arith.constant 0 : i32
    %eq3A_409 = vector.broadcast %eq3A_408 : i32 to vector<1000x16xi32>
    %eq3A_410 = arith.cmpi eq, %iota3A_407, %eq3A_409 : vector<1000x16xi32>
    %broadcast_in_dim3A_411 = vector.shape_cast %sqrt3A_406 : vector<1000x1xf32> to vector<1000x1xf32>
    %broadcast_in_dim3A_412 = vector.broadcast %broadcast_in_dim3A_411 : vector<1000x1xf32> to vector<1000x16xf32>
    %select_n3A_413 = arith.select %eq3A_410, %broadcast_in_dim3A_412, %select_n3A_391 : vector<1000x16xi1>, vector<1000x16xf32>
    %mul3A_414 = arith.mulf %select_n3A_413, %select_n3A_413 : vector<1000x16xf32>
    %reduce_sum3A_415 = arith.constant dense<0.000000e+00> : vector<1000xf32>
    %reduce_sum3A_416 = vector.multi_reduction <add>, %mul3A_414, %reduce_sum3A_415 [1] : vector<1000x16xf32> to vector<1000xf32>
    %broadcast_in_dim3A_417 = vector.shape_cast %reduce_sum3A_416 : vector<1000xf32> to vector<1000x1xf32>
    %slice3A_418 = vector.extract_strided_slice %select_n3A_413 {offsets = [0, 0], sizes = [1000, 1], strides = [1, 1]} : vector<1000x16xf32> to vector<1000x1xf32>
    %slice3A_419 = vector.extract_strided_slice %select_n3A_413 {offsets = [0, 0], sizes = [1000, 1], strides = [1, 1]} : vector<1000x16xf32> to vector<1000x1xf32>
    %mul3A_420 = arith.mulf %slice3A_418, %slice3A_419 : vector<1000x1xf32>
    %sub3A_421 = arith.subf %broadcast_in_dim3A_417, %mul3A_420 : vector<1000x1xf32>
    %sqrt3A_422 = math.sqrt %sub3A_421 : vector<1000x1xf32>
    %max3A_423 = arith.constant 1.000000e-15 : f32
    %max3A_424 = vector.broadcast %max3A_423 : f32 to vector<1000x1xf32>
    %max3A_425 = arith.maximumf %sqrt3A_422, %max3A_424 : vector<1000x1xf32>
    %slice3A_426 = vector.extract_strided_slice %select_n3A_413 {offsets = [0, 0], sizes = [1000, 1], strides = [1, 1]} : vector<1000x16xf32> to vector<1000x1xf32>
    %max3A_427 = arith.constant 1.00000012 : f32
    %max3A_428 = vector.broadcast %max3A_427 : f32 to vector<1000x1xf32>
    %max3A_429 = arith.maximumf %slice3A_426, %max3A_428 : vector<1000x1xf32>
    %mul3A_430 = arith.mulf %max3A_429, %max3A_429 : vector<1000x1xf32>
    %sub3A_431 = arith.constant 1.000000e+00 : f32
    %sub3A_432 = vector.broadcast %sub3A_431 : f32 to vector<1000x1xf32>
    %sub3A_433 = arith.subf %mul3A_430, %sub3A_432 : vector<1000x1xf32>
    %max3A_434 = arith.constant 1.000000e-15 : f32
    %max3A_435 = vector.broadcast %max3A_434 : f32 to vector<1000x1xf32>
    %max3A_436 = arith.maximumf %sub3A_433, %max3A_435 : vector<1000x1xf32>
    %sqrt3A_437 = math.sqrt %max3A_436 : vector<1000x1xf32>
    %add3A_438 = arith.addf %max3A_429, %sqrt3A_437 : vector<1000x1xf32>
    %log3A_439 = math.log %add3A_438 : vector<1000x1xf32>
    %mul3A_440 = vector.broadcast %log3A_439 : vector<1000x1xf32> to vector<1000x16xf32>
    %mul3A_441 = arith.mulf %mul3A_440, %select_n3A_413 : vector<1000x16xf32>
    %div3A_442 = vector.broadcast %max3A_425 : vector<1000x1xf32> to vector<1000x16xf32>
    %div3A_443 = arith.divf %mul3A_441, %div3A_442 : vector<1000x16xf32>
    %iota3A_444 = tpu.iota {dimensions = array<i32: 1>} : vector<1000x16xi32>
    %eq3A_445 = arith.constant 0 : i32
    %eq3A_446 = vector.broadcast %eq3A_445 : i32 to vector<1000x16xi32>
    %eq3A_447 = arith.cmpi eq, %iota3A_444, %eq3A_446 : vector<1000x16xi32>
    %jit3A_448 = arith.constant 0.000000e+00 : f32
    %broadcast_in_dim3A_449 = vector.broadcast %jit3A_448 : f32 to vector<1000x16xf32>
    %select_n3A_450 = arith.select %eq3A_447, %broadcast_in_dim3A_449, %div3A_443 : vector<1000x16xi1>, vector<1000x16xf32>
    %swap3A = arith.constant 0 : index
    %swap3A_451 = arith.constant 0 : index
    %swap3A_452 = vector.load %arg5[%swap3A, %swap3A_451] : memref<1000x16xf32, #tpu.memory_space<vmem>>, vector<1000x16xf32>
    tpu.vector_store %arg5[%swap3A, %swap3A_451], %select_n3A_450 {strides = array<i32>} : memref<1000x16xf32, #tpu.memory_space<vmem>>, vector<1000x16xf32>,
    return
  }
  func.func @transform_0(%arg0: i32) -> (i32, i32, i32) {
    %c0_i32 = arith.constant 0 : i32
    %c0_i32_0 = arith.constant 0 : i32
    %c0_i32_1 = arith.constant 0 : i32
    return %c0_i32, %arg0, %c0_i32_0 : i32, i32, i32
  }
  func.func @transform_1(%arg0: i32) -> (i32, i32, i32) {
    %c1_i32 = arith.constant 1 : i32
    %c0_i32 = arith.constant 0 : i32
    %c0_i32_0 = arith.constant 0 : i32
    return %c1_i32, %arg0, %c0_i32 : i32, i32, i32
  }
  func.func @transform_2(%arg0: i32) -> (i32, i32) {
    %c0_i32 = arith.constant 0 : i32
    %c0_i32_0 = arith.constant 0 : i32
    %c0_i32_1 = arith.constant 0 : i32
    return %c0_i32, %c0_i32_0 : i32, i32
  }
  func.func @transform_3(%arg0: i32) -> (i32, i32) {
    %c0_i32 = arith.constant 0 : i32
    %c0_i32_0 = arith.constant 0 : i32
    %c0_i32_1 = arith.constant 0 : i32
    return %c0_i32, %c0_i32_0 : i32, i32
  }
  func.func @transform_4(%arg0: i32) -> (i32, i32) {
    %c0_i32 = arith.constant 0 : i32
    %c0_i32_0 = arith.constant 0 : i32
    return %arg0, %c0_i32 : i32, i32
  }
}

module attributes {stable_mosaic.version = 14 : i64} {
  func.func @_tc3_body(%arg0: i32, %arg1: memref<1x1000x16xf32, #tpu.memory_space<vmem>>, %arg2: memref<1x1000x16xf32, #tpu.memory_space<vmem>>, %arg3: memref<1000x16xf32, #tpu.memory_space<vmem>>) attributes {dimension_semantics = [#tpu.dimension_semantics<arbitrary>], iteration_bounds = array<i64: 10>, scalar_prefetch = 0 : i64, scratch_operands = 0 : i64, tpu.core_type = #tpu.core_type<tc>, window_params = [{transform_indices = @transform_0, window_bounds = array<i64: 1, 1000, 16>}, {transform_indices = @transform_1, window_bounds = array<i64: 1, 1000, 16>}, {transform_indices = @transform_2, window_bounds = array<i64: 1000, 16>}]} {
    %get3A = arith.constant 0 : index
    %get3A_0 = arith.constant 0 : index
    %get3A_1 = arith.constant 0 : index
    %get3A_2 = vector.load %arg1[%get3A, %get3A_0, %get3A_1] : memref<1x1000x16xf32, #tpu.memory_space<vmem>>, vector<1x1000x16xf32>
    %get3A_3 = vector.shape_cast %get3A_2 : vector<1x1000x16xf32> to vector<1000x16xf32>
    %get3A_4 = arith.constant 0 : index
    %get3A_5 = arith.constant 0 : index
    %get3A_6 = arith.constant 0 : index
    %get3A_7 = vector.load %arg2[%get3A_4, %get3A_5, %get3A_6] : memref<1x1000x16xf32, #tpu.memory_space<vmem>>, vector<1x1000x16xf32>
    %get3A_8 = vector.shape_cast %get3A_7 : vector<1x1000x16xf32> to vector<1000x16xf32>
    %add3A = arith.addf %get3A_3, %get3A_8 : vector<1000x16xf32>
    %mul3A = arith.mulf %add3A, %add3A : vector<1000x16xf32>
    %reduce_sum3A = arith.constant dense<0.000000e+00> : vector<1000xf32>
    %reduce_sum3A_9 = vector.multi_reduction <add>, %mul3A, %reduce_sum3A [1] : vector<1000x16xf32> to vector<1000xf32>
    %broadcast_in_dim3A = vector.shape_cast %reduce_sum3A_9 : vector<1000xf32> to vector<1000x1xf32>
    %sqrt3A = math.sqrt %broadcast_in_dim3A : vector<1000x1xf32>
    %max3A = arith.constant 1.000000e-15 : f32
    %max3A_10 = vector.broadcast %max3A : f32 to vector<1000x1xf32>
    %max3A_11 = arith.maximumf %sqrt3A, %max3A_10 : vector<1000x1xf32>
    %exp3A = math.exp %max3A_11 : vector<1000x1xf32>
    %div3A = arith.constant 1.000000e+00 : f32
    %div3A_12 = vector.broadcast %div3A : f32 to vector<1000x1xf32>
    %div3A_13 = arith.divf %div3A_12, %exp3A : vector<1000x1xf32>
    %sub3A = arith.subf %exp3A, %div3A_13 : vector<1000x1xf32>
    %mul3A_14 = arith.constant 5.000000e-01 : f32
    %mul3A_15 = vector.broadcast %mul3A_14 : f32 to vector<1000x1xf32>
    %mul3A_16 = arith.mulf %mul3A_15, %sub3A : vector<1000x1xf32>
    %mul3A_17 = vector.broadcast %mul3A_16 : vector<1000x1xf32> to vector<1000x16xf32>
    %mul3A_18 = arith.mulf %mul3A_17, %add3A : vector<1000x16xf32>
    %div3A_19 = vector.broadcast %max3A_11 : vector<1000x1xf32> to vector<1000x16xf32>
    %div3A_20 = arith.divf %mul3A_18, %div3A_19 : vector<1000x16xf32>
    %mul3A_21 = arith.mulf %div3A_20, %div3A_20 : vector<1000x16xf32>
    %reduce_sum3A_22 = arith.constant dense<0.000000e+00> : vector<1000xf32>
    %reduce_sum3A_23 = vector.multi_reduction <add>, %mul3A_21, %reduce_sum3A_22 [1] : vector<1000x16xf32> to vector<1000xf32>
    %broadcast_in_dim3A_24 = vector.shape_cast %reduce_sum3A_23 : vector<1000xf32> to vector<1000x1xf32>
    %sqrt3A_25 = math.sqrt %broadcast_in_dim3A_24 : vector<1000x1xf32>
    %max3A_26 = arith.constant 1.000000e-15 : f32
    %max3A_27 = vector.broadcast %max3A_26 : f32 to vector<1000x1xf32>
    %max3A_28 = arith.maximumf %sqrt3A_25, %max3A_27 : vector<1000x1xf32>
    %add3A_29 = arith.constant 1.000000e+00 : f32
    %add3A_30 = vector.broadcast %add3A_29 : f32 to vector<1000x1xf32>
    %add3A_31 = arith.addf %add3A_30, %broadcast_in_dim3A_24 : vector<1000x1xf32>
    %max3A_32 = arith.constant 1.000000e-07 : f32
    %max3A_33 = vector.broadcast %max3A_32 : f32 to vector<1000x1xf32>
    %max3A_34 = arith.maximumf %add3A_31, %max3A_33 : vector<1000x1xf32>
    %sqrt3A_35 = math.sqrt %max3A_34 : vector<1000x1xf32>
    %max3A_36 = arith.constant 1.00000012 : f32
    %max3A_37 = vector.broadcast %max3A_36 : f32 to vector<1000x1xf32>
    %max3A_38 = arith.maximumf %sqrt3A_35, %max3A_37 : vector<1000x1xf32>
    %mul3A_39 = arith.mulf %max3A_38, %max3A_38 : vector<1000x1xf32>
    %sub3A_40 = arith.constant 1.000000e+00 : f32
    %sub3A_41 = vector.broadcast %sub3A_40 : f32 to vector<1000x1xf32>
    %sub3A_42 = arith.subf %mul3A_39, %sub3A_41 : vector<1000x1xf32>
    %max3A_43 = arith.constant 1.000000e-15 : f32
    %max3A_44 = vector.broadcast %max3A_43 : f32 to vector<1000x1xf32>
    %max3A_45 = arith.maximumf %sub3A_42, %max3A_44 : vector<1000x1xf32>
    %sqrt3A_46 = math.sqrt %max3A_45 : vector<1000x1xf32>
    %add3A_47 = arith.addf %max3A_38, %sqrt3A_46 : vector<1000x1xf32>
    %log3A = math.log %add3A_47 : vector<1000x1xf32>
    %mul3A_48 = vector.broadcast %log3A : vector<1000x1xf32> to vector<1000x16xf32>
    %mul3A_49 = arith.mulf %mul3A_48, %div3A_20 : vector<1000x16xf32>
    %div3A_50 = vector.broadcast %max3A_28 : vector<1000x1xf32> to vector<1000x16xf32>
    %div3A_51 = arith.divf %mul3A_49, %div3A_50 : vector<1000x16xf32>
    %max3A_52 = arith.constant 0.000000e+00 : f32
    %max3A_53 = vector.broadcast %max3A_52 : f32 to vector<1000x16xf32>
    %max3A_54 = arith.maximumf %div3A_51, %max3A_53 : vector<1000x16xf32>
    %mul3A_55 = arith.mulf %max3A_54, %max3A_54 : vector<1000x16xf32>
    %reduce_sum3A_56 = arith.constant dense<0.000000e+00> : vector<1000xf32>
    %reduce_sum3A_57 = vector.multi_reduction <add>, %mul3A_55, %reduce_sum3A_56 [1] : vector<1000x16xf32> to vector<1000xf32>
    %broadcast_in_dim3A_58 = vector.shape_cast %reduce_sum3A_57 : vector<1000xf32> to vector<1000x1xf32>
    %sqrt3A_59 = math.sqrt %broadcast_in_dim3A_58 : vector<1000x1xf32>
    %max3A_60 = arith.constant 1.000000e-15 : f32
    %max3A_61 = vector.broadcast %max3A_60 : f32 to vector<1000x1xf32>
    %max3A_62 = arith.maximumf %sqrt3A_59, %max3A_61 : vector<1000x1xf32>
    %exp3A_63 = math.exp %max3A_62 : vector<1000x1xf32>
    %div3A_64 = arith.constant 1.000000e+00 : f32
    %div3A_65 = vector.broadcast %div3A_64 : f32 to vector<1000x1xf32>
    %div3A_66 = arith.divf %div3A_65, %exp3A_63 : vector<1000x1xf32>
    %sub3A_67 = arith.subf %exp3A_63, %div3A_66 : vector<1000x1xf32>
    %mul3A_68 = arith.constant 5.000000e-01 : f32
    %mul3A_69 = vector.broadcast %mul3A_68 : f32 to vector<1000x1xf32>
    %mul3A_70 = arith.mulf %mul3A_69, %sub3A_67 : vector<1000x1xf32>
    %mul3A_71 = vector.broadcast %mul3A_70 : vector<1000x1xf32> to vector<1000x16xf32>
    %mul3A_72 = arith.mulf %mul3A_71, %max3A_54 : vector<1000x16xf32>
    %div3A_73 = vector.broadcast %max3A_62 : vector<1000x1xf32> to vector<1000x16xf32>
    %div3A_74 = arith.divf %mul3A_72, %div3A_73 : vector<1000x16xf32>
    %mul3A_75 = arith.mulf %div3A_74, %div3A_74 : vector<1000x16xf32>
    %reduce_sum3A_76 = arith.constant dense<0.000000e+00> : vector<1000xf32>
    %reduce_sum3A_77 = vector.multi_reduction <add>, %mul3A_75, %reduce_sum3A_76 [1] : vector<1000x16xf32> to vector<1000xf32>
    %broadcast_in_dim3A_78 = vector.shape_cast %reduce_sum3A_77 : vector<1000xf32> to vector<1000x1xf32>
    %sqrt3A_79 = math.sqrt %broadcast_in_dim3A_78 : vector<1000x1xf32>
    %max3A_80 = arith.constant 1.000000e-15 : f32
    %max3A_81 = vector.broadcast %max3A_80 : f32 to vector<1000x1xf32>
    %max3A_82 = arith.maximumf %sqrt3A_79, %max3A_81 : vector<1000x1xf32>
    %add3A_83 = arith.constant 1.000000e+00 : f32
    %add3A_84 = vector.broadcast %add3A_83 : f32 to vector<1000x1xf32>
    %add3A_85 = arith.addf %add3A_84, %broadcast_in_dim3A_78 : vector<1000x1xf32>
    %max3A_86 = arith.constant 1.000000e-07 : f32
    %max3A_87 = vector.broadcast %max3A_86 : f32 to vector<1000x1xf32>
    %max3A_88 = arith.maximumf %add3A_85, %max3A_87 : vector<1000x1xf32>
    %sqrt3A_89 = math.sqrt %max3A_88 : vector<1000x1xf32>
    %max3A_90 = arith.constant 1.00000012 : f32
    %max3A_91 = vector.broadcast %max3A_90 : f32 to vector<1000x1xf32>
    %max3A_92 = arith.maximumf %sqrt3A_89, %max3A_91 : vector<1000x1xf32>
    %mul3A_93 = arith.mulf %max3A_92, %max3A_92 : vector<1000x1xf32>
    %sub3A_94 = arith.constant 1.000000e+00 : f32
    %sub3A_95 = vector.broadcast %sub3A_94 : f32 to vector<1000x1xf32>
    %sub3A_96 = arith.subf %mul3A_93, %sub3A_95 : vector<1000x1xf32>
    %max3A_97 = arith.constant 1.000000e-15 : f32
    %max3A_98 = vector.broadcast %max3A_97 : f32 to vector<1000x1xf32>
    %max3A_99 = arith.maximumf %sub3A_96, %max3A_98 : vector<1000x1xf32>
    %sqrt3A_100 = math.sqrt %max3A_99 : vector<1000x1xf32>
    %add3A_101 = arith.addf %max3A_92, %sqrt3A_100 : vector<1000x1xf32>
    %log3A_102 = math.log %add3A_101 : vector<1000x1xf32>
    %mul3A_103 = vector.broadcast %log3A_102 : vector<1000x1xf32> to vector<1000x16xf32>
    %mul3A_104 = arith.mulf %mul3A_103, %div3A_74 : vector<1000x16xf32>
    %div3A_105 = vector.broadcast %max3A_82 : vector<1000x1xf32> to vector<1000x16xf32>
    %div3A_106 = arith.divf %mul3A_104, %div3A_105 : vector<1000x16xf32>
    %iota3A = tpu.iota {dimensions = array<i32: 1>} : vector<1000x16xi32>
    %eq3A = arith.constant 0 : i32
    %eq3A_107 = vector.broadcast %eq3A : i32 to vector<1000x16xi32>
    %eq3A_108 = arith.cmpi eq, %iota3A, %eq3A_107 : vector<1000x16xi32>
    %jit3A = arith.constant 0.000000e+00 : f32
    %broadcast_in_dim3A_109 = vector.broadcast %jit3A : f32 to vector<1000x16xf32>
    %select_n3A = arith.select %eq3A_108, %broadcast_in_dim3A_109, %div3A_106 : vector<1000x16xi1>, vector<1000x16xf32>
    %swap3A = arith.constant 0 : index
    %swap3A_110 = arith.constant 0 : index
    %swap3A_111 = vector.load %arg3[%swap3A, %swap3A_110] : memref<1000x16xf32, #tpu.memory_space<vmem>>, vector<1000x16xf32>
    tpu.vector_store %arg3[%swap3A, %swap3A_110], %select_n3A {strides = array<i32>} : memref<1000x16xf32, #tpu.memory_space<vmem>>, vector<1000x16xf32>,
    return
  }
  func.func @transform_0(%arg0: i32) -> (i32, i32, i32) {
    %c0_i32 = arith.constant 0 : i32
    %c0_i32_0 = arith.constant 0 : i32
    %c0_i32_1 = arith.constant 0 : i32
    return %c0_i32, %arg0, %c0_i32_0 : i32, i32, i32
  }
  func.func @transform_1(%arg0: i32) -> (i32, i32, i32) {
    %c1_i32 = arith.constant 1 : i32
    %c0_i32 = arith.constant 0 : i32
    %c0_i32_0 = arith.constant 0 : i32
    return %c1_i32, %arg0, %c0_i32 : i32, i32, i32
  }
  func.func @transform_2(%arg0: i32) -> (i32, i32) {
    %c0_i32 = arith.constant 0 : i32
    %c0_i32_0 = arith.constant 0 : i32
    return %arg0, %c0_i32 : i32, i32
  }
}

</mosaic_0001>

<sc_bundles>
// kernel: kernel.10.cloned.1.call-start
scs
__scs_entry_jumppad:
0x0: {  	(pc) =	sbr.rel $0x88, $3  }
0x1: {  	(tag) =	ssettag $0x0;
	lr =	simm.s32 $0x1  }
0x2: {  	[smem:$0x3F9A] =	sst lr;
	_ =	strace $0xD0000000  }
0x3: {  	_ = 	snop  }
0x4: {  	_ = 	snop  }
0x5: {  	_ = 	snop  }
0x6: {  	_ = 	snop  }
0x7: {  	_ = 	snop  }
__scs_overlays_trampoline_lowered:
0x8: {  	[smem:$0x3FA9] =	sst s0  }
0x9: {  	[smem:$0x3FAA] =	sst s1  }
0xa: {  	[smem:$0x3FAB] =	sst s2  }
0xb: {  	[smem:$0x3FAC] =	sst s3  }
0xc: {  	[smem:$0x3FAD] =	sst s4  }
0xd: {  	[smem:$0x3FAE] =	sst s5  }
0xe: {  	[smem:$0x3FAF] =	sst s6  }
0xf: {  	[smem:$0x3FB0] =	sst s7  }
0x10: {  	[smem:$0x3FB1] =	sst s8  }
0x11: {  	[smem:$0x3FB2] =	sst s9;
	s0 =	simm.s32 @!p0 $0x0  }
0x12: {  	s1 =	sld [smem:$0x3F98];
	s0 =	simm.s32 @p0 $0x1  }
0x13: {  	[smem:$0x3FB3] =	sst s0;
	s0 =	simm.s32 @!p1 $0x0  }
0x14: {  	s2 =	sld [smem:$0x3F97];
	s0 =	simm.s32 @p1 $0x1  }
0x15: {  	[smem:$0x3FB4] =	sst s0;
	s0 =	simm.s32 @!p2 $0x0  }
0x16: {  	s3 =	sld [smem:$0x3FDB];
	s0 =	simm.s32 @p2 $0x1  }
0x17: {  	s4 =	simm.s32 $0x1BF5;
	[smem:$0x3FB6] =	sst s0  }
0x18: {  	s0 =	sld [smem:$0x3F99];
	_ =	swait.ge [sflag:s4], $0x0  }
0x19: {  	s7 =	sld [smem:$0x3F9A]  }
0x1a: {  	s8 =	sadd.s32 $0xFFFFE003, lr  }
0x1b: {  	s9 =	sadd.s32 $0xFFFFFEF7, lr;
	s5 =	simm.s32 $0xFFFFFFFF;
	p2 =	slt.u32 s8, $0xFFFFF086  }
0x1c: {  	p1 =	slt.u32 s9, $0xF7A;
	s5 =	simm.s32 @!p2 $0x0  }
0x1d: {  	s5 =	simm.s32 @p1 $0x1;
	p0 =	seq.s32 s7, s2  }
0x1e: {  	s7 =	smul.u32 @!p0 $0xF7A, s2;
	p2 =	seq.s32 @!p0 s5, $0x0  }
0x1f: {  	s9 =	smul.u32 $0xF7A, s1;
	s8 =	simm.s32 @!p0 $0x1BF5;
	p2 =	por !p2, p0  }
0x20: {  	[sflag:s8] =	ssyncset.s32 @!p0 $0xFFFFF086;
	s6 =	sadd.s32 @!p0 s3, s7;
	s7 =	simm.s32 @!p0 $0x108  }
0x21: {  	s3 =	sadd.s32 s3, s9;
	s6 =	sadd.s32 @!p0 $0x88, s6;
	s7 =	simm.s32 @p2 $0x1082  }
0x22: {  	[simem:s7], [sflag:s8] =	dma.local @!p0 [hbm:s6], $0xF7A  }
0x23: {  	s9 =	sor.u32 $0xD0000000, s2;
	s6 =	simm.s32 $0x108;
	_ =	swait.ge @!p0 [sflag:s8], $0x0  }
0x24: {  	s3 =	sadd.s32 $0x88, s3;
	s6 =	simm.s32 @!p1 $0x1082;
	[sflag:s4] =	ssyncset.s32 $0xFFFFF086  }
0x25: {  	[simem:s6], [sflag:s4] =	dma.local [hbm:s3], $0xF7A  }
0x26: {  	[smem:$0x3F9A] =	sst s1;
	(tag) =	ssettag s2;
	_ =	strace s9  }
0x27: {  	s1 =	sld [smem:$0x3FAA]  }
0x28: {  	s2 =	sld [smem:$0x3FAB]  }
0x29: {  	s4 =	sld [smem:$0x3FAD]  }
0x2a: {  	p0 =	seq.s32 s5, $0x0;
	s5 =	sld [smem:$0x3FAE]  }
0x2b: {  	s6 =	sld [smem:$0x3FAF]  }
0x2c: {  	s7 =	sld [smem:$0x3FB0]  }
0x2d: {  	s3 =	simm.s32 $0x108;
	s8 =	sld [smem:$0x3FB1]  }
0x2e: {  	s3 =	simm.s32 @!p0 $0x1082;
	s9 =	sld [smem:$0x3FB2]  }
0x2f: {  	lr =	sadd.s32 s0, s3;
	s0 =	sld [smem:$0x3FA9]  }
0x30: {  	s3 =	sld [smem:$0x3FAC]  }
0x31: {  	[smem:$0x3FB5] =	sst s10  }
0x32: {  	s10 =	sld [smem:$0x3FB3];
	_ =	sdelay $0x3  }
0x33: {  	p0 =	seq.s32 s10, $0x1;
	s10 =	sld [smem:$0x3FB5];
	_ =	sdelay $0x3  }
0x34: {  	[smem:$0x3FB5] =	sst s10  }
0x35: {  	s10 =	sld [smem:$0x3FB4];
	_ =	sdelay $0x3  }
0x36: {  	p1 =	seq.s32 s10, $0x1;
	s10 =	sld [smem:$0x3FB5];
	_ =	sdelay $0x3  }
0x37: {  	[smem:$0x3FB5] =	sst s10  }
0x38: {  	s10 =	sld [smem:$0x3FB6]  }
0x39: {  	_ = 	snop;
	(pc) =	sbr.ind lr, $3  }
0x3a: {  	_ = 	snop  }
0x3b: {  	_ = 	snop  }
0x3c: {  	p2 =	seq.s32 s10, $0x1;
	s10 =	sld [smem:$0x3FB5]  }
0x3d: {  	_ =	shalt  }
0x3e: {  	_ =	shalt  }
0x3f: {  	_ =	shalt  }
0x40: {  	_ =	shalt  }
0x41: {  	_ =	shalt  }
0x42: {  	_ =	shalt  }
0x43: {  	_ =	shalt  }
0x44: {  	_ =	shalt  }
0x45: {  	_ =	shalt  }
0x46: {  	_ =	shalt  }
0x47: {  	_ =	shalt  }
0x48: {  	_ =	shalt  }
0x49: {  	_ =	shalt  }
0x4a: {  	_ =	shalt  }
0x4b: {  	_ =	shalt  }
0x4c: {  	_ =	shalt  }
0x4d: {  	_ =	shalt  }
0x4e: {  	_ =	shalt  }
0x4f: {  	_ =	shalt  }
0x50: {  	_ =	shalt  }
0x51: {  	_ =	shalt  }
0x52: {  	_ =	shalt  }
0x53: {  	_ =	shalt  }
0x54: {  	_ =	shalt  }
0x55: {  	_ =	shalt  }
0x56: {  	_ =	shalt  }
0x57: {  	_ =	shalt  }
0x58: {  	_ =	shalt  }
0x59: {  	_ =	shalt  }
0x5a: {  	_ =	shalt  }
0x5b: {  	_ =	shalt  }
0x5c: {  	_ =	shalt  }
0x5d: {  	_ =	shalt  }
0x5e: {  	_ =	shalt  }
0x5f: {  	_ =	shalt  }
0x60: {  	_ =	shalt  }
0x61: {  	_ =	shalt  }
0x62: {  	_ =	shalt  }
0x63: {  	_ =	shalt  }
0x64: {  	_ =	shalt  }
0x65: {  	_ =	shalt  }
0x66: {  	_ =	shalt  }
0x67: {  	_ =	shalt  }
0x68: {  	_ =	shalt  }
0x69: {  	_ =	shalt  }
0x6a: {  	_ =	shalt  }
0x6b: {  	_ =	shalt  }
0x6c: {  	_ =	shalt  }
0x6d: {  	_ =	shalt  }
0x6e: {  	_ =	shalt  }
0x6f: {  	_ =	shalt  }
0x70: {  	_ =	shalt  }
0x71: {  	_ =	shalt  }
0x72: {  	_ =	shalt  }
0x73: {  	_ =	shalt  }
0x74: {  	_ =	shalt  }
0x75: {  	_ =	shalt  }
0x76: {  	_ =	shalt  }
0x77: {  	_ =	shalt  }
0x78: {  	_ =	shalt  }
0x79: {  	_ =	shalt  }
0x7a: {  	_ =	shalt  }
0x7b: {  	_ =	shalt  }
0x7c: {  	_ =	shalt  }
0x7d: {  	_ =	shalt  }
0x7e: {  	_ =	shalt  }
0x7f: {  	_ =	shalt  }
0x80: {  	_ =	shalt  }
0x81: {  	_ =	shalt  }
0x82: {  	_ =	shalt  }
0x83: {  	_ =	shalt  }
0x84: {  	_ =	shalt  }
0x85: {  	_ =	shalt  }
0x86: {  	_ =	shalt  }
0x87: {  	_ =	shalt  }
.Lfunc_end0:
.L_simem_size_0:
called_computation.1_lowered:
.L_overlay_start_0:
0x88: {  	s2 =	sld [smem:$0x3FD9]  }
0x89: {  	s3 =	sld [smem:$0x3FFE];
	_ =	sdelay $0x1  }
0x8a: {  	s1 =	srdreg.scid  }
0x8b: {  	s0 =	sand.u32 $0x1, s1  }
0x8c: {  	s16 =	sshll.u32 s0, $0xA;
	s2 =	sadd.s32 s3, s2  }
0x8d: {  	s2 =	sadd.s32 s2, s16  }
0x8e: {  	[smem:$0x3FC1] =	sst s2  }
0x8f: {  	_ = 	snop  }
0x90: {  	(tm) =	ssettm $0x1  }
0x91: {  	s17 =	sld [smem:$0x3FFB];
	_ =	sdelay $0x3  }
0x92: {  	_ =	strace s17  }
0x93: {  	s2 =	sld [smem:$0x3FFC];
	_ =	sdelay $0x3  }
0x94: {  	_ =	strace s2  }
0x95: {  	s2 =	sld [smem:$0x3FFD];
	_ =	sdelay $0x3  }
0x96: {  	_ =	strace s2  }
0x97: {  	_ =	strace $0x8FFFFFFF  }
0x98: {  	s18 =	sld [smem:$0x3FDB];
	_ =	sdelay $0x1  }
0x99: {  	s19 =	simm.s32 $_scs_section_size  }
0x9a: {  	s4 =	simm.s32 $_size__tile_overlayer_lowered;
	s5 =	simm.s32 $_tile_overlayer_lowered  }
0x9b: {  	s22 =	simm.s32 $0x1BFF;
	s21 =	sshll.u32 s5, $0x1;
	s2 =	sadd.s32 s19, s18  }
0x9c: {  	s6 =	simm.s32 $0x0;
	s20 =	sshll.u32 s4, $0x1;
	s4 =	sadd.s32 s21, s2  }
0x9d: {  	[timem:s6], [sflag:s22] =	dma.local [hbm:s4], s20  }
0x9e: {  	_ =	swait.ge [sflag:s22], s20  }
0x9f: {  	s3 =	ssub.s32 $0x0, s20;
	[sflag:s22] =	ssyncset.done $0x0  }
0xa0: {  	[sflag:s22] =	ssyncadd.s32 s3;
	_ =	sdelay $0x1  }
0xa1: {  	s23 =	simm.s32 $0x1B8B  }
0xa2: {  	_ =	swait.ge [sflag:s23], $0x1  }
0xa3: {  	[sflag:s23] =	ssyncset.done $0x0  }
0xa4: {  	s25 =	simm.s32 $0x1B8E;
	s24 =	sld [smem:$0x3FFE];
	[sflag:s23] =	ssyncadd.s32 $0xFFFFFFFF  }
0xa5: {  	s26 =	simm.s32 $execute0_lowered;
	[smem:$0x3FD2] =	sst s25  }
0xa6: {  	s4 =	sshll.u32 s26, $0x1;
	_ =	strace $0x80000049;
	[dreg:$0x1] =	wrdreg $0xFFFFFFFF  }
0xa7: {  	s28 =	simm.s32 $_size_execute0_lowered;
	s2 =	sadd.s32 s2, s4;
	[dreg:$0x0] =	wrdreg $0x0  }
0xa8: {  	s4 =	sshll.u32 s28, $0x1;
	[dreg:$0x2] =	wrdreg s2  }
0xa9: {  	[dreg:$0x3] =	wrdreg s4  }
0xaa: {  	[dreg:$0x4] =	wrdreg $0xC0  }
0xab: {  	_ =	task [dreg:s6], $0x5FFFF  }
0xac: {  	[dreg:$0x1] =	wrdreg $0xFFFFFFFF  }
0xad: {  	[dreg:$0x0] =	wrdreg $0x60  }
0xae: {  	[dreg:$0x2] =	wrdreg s24  }
0xaf: {  	[dreg:$0x3] =	wrdreg $0x47400  }
0xb0: {  	[dreg:$0x4] =	wrdreg $0x6F400  }
0xb1: {  	[dreg:$0x5] =	wrdreg $0x9  }
0xb2: {  	_ =	task.clear_ibuf [dreg:s6], $0x6FFFF;
	_ =	strace $0x90000049  }
0xb3: {  	s29 =	simm.s32 $0x9;
	_ =	strace $0x8000004B  }
0xb4: {  	_ =	swait.ge [sflag:s29], $0x1  }
0xb5: {  	[sflag:s29] =	ssyncadd.s32 $0xFFFFFFFF  }
0xb6: {  	_ =	strace $0x9000004B  }
0xb7: {  	_ =	sfence  }
0xb8: {  	s30 =	sld [smem:$0x0];
	_ =	sdelay $0x2  }
0xb9: {  	s31 =	sshll.u32 s1, $0xD;
	s1 =	sshrl.u32 s1, $0x2  }
0xba: {  	s3 =	sand.u32 $0x4000, s31;
	s1 =	sadd.s32 s1, s30  }
0xbb: {  	s0 =	sor.u32 s3, s0;
	s1 =	sshll.u32 s1, $0x11  }
0xbc: {  	s0 =	sor.u32 s1, s0  }
0xbd: {  	s0 =	sadd.s32 $0x8F2B, s0  }
0xbe: {  	[sflag:s0] =	ssyncadd.remote.s32 $0x1  }
0xbf: {  	_ =	sfence.sel $0xFFFF  }
0xc0: {  	[dreg:$0x0] =	wrdreg $0xFFFFFFFF;
	(pc) =	sbr.abs _section_cstart, $3  }
0xc1: {  	[dreg:$0x1] =	wrdreg $0xFFFFFFFF  }
0xc2: {  	_ =	task.clear_ibuf [dreg:s6], $0x2FFFF;
	_ =	strace $0x9FFFFFFF  }
0xc3: {  	(tm) =	ssettm $0x7FFFFFFF  }
tec
execute0_lowered:
.L_overlay_start_1:
0x0: {  	(tag) =	ssettag $0x1  }
0x1: {  	s0 =	rddreg [dreg:$0x0]  }
0x2: {  	s2 =	rddreg [dreg:$0x1]  }
0x3: {  	s1 =	srdreg.scid;
	s3 =	rddreg [dreg:$0x2]  }
0x4: {  	s8 =	stileid.u32;
	s5 =	simm.s32 $0x0;
	s14 =	simm.s32 $0x7  }
0x5: {  	s17 =	simm.s32 $0x2800;
	s18 =	simm.s32 $0x2FD0;
	s19 =	simm.s32 $0x7D  }
0x6: {  	s20 =	simm.s32 $0x37A0;
	s21 =	simm.s32 $0x3F70;
	s22 =	simm.s32 $0x1  }
0x7: {  	s23 =	simm.s32 $0x3;
	s28 =	simm.s32 $0x5;
	s29 =	simm.s32 $0x6  }
0x8: {  	s30 =	simm.s32 $0x0;
	s1 =	sand.u32 $0x1, s1;
	[smem:$0x7FF] =	sst s5  }
0x9: {  	s9 =	smul.u32 $0x2800, s8;
	s5 =	sadd.s32 $0x29E000, s0;
	s4 =	sshll.u32 s1, $0x4  }
0xa: {  	_ =	strace $0x8000004A;
	s6 =	smul.u32 $0x5000, s1;
	s1 =	ssub.s32 $0x2, s1  }
0xb: {  	s4 =	sor.u32 s8, s4;
	s7 =	sshrl.u32 s1, $0x1;
	s16 =	sshrl.u32 s9, $0x3  }
0xc: {  	s25 =	sadd.s32 s9, s2;
	s8 =	sshll.u32 s8, $0x6;
	s15 =	sadd.s32 s9, s3  }
0xd: {  	s24 =	smul.u32 $0x280, s4;
	s12 =	sadd.s32 s6, s0;
	s1 =	ssub.s32 s1, s7  }
0xe: {  	s6 =	sadd.s32 s0, s16;
	s8 =	sor.u32 $0x1C07, s8;
	s9 =	smul.u32 $0x28, s4  }
0xf: {  	s13 =	sshrl.u32 s25, $0x3;
	s15 =	sshrl.u32 s15, $0x3;
	s25 =	simm.s32 $0x2  }
0x10: {  	s26 =	sadd.s32 $0x5000, s6;
	s31 =	sadd.s32 $0xA000, s12;
	s12 =	smax.u32 s1, $0x1  }
0x11: {  	s11 =	sadd.s32 s24, s0;
	[dreg:$0x4] =	wrdreg s26;
	s24 =	sadd.s32 s16, s31  }
0x12: {  	s26 =	simm.s32 $0x4;
	s10 =	sadd.s32 $0x19000, s11;
	s11 =	sadd.s32 $0x14000, s11  }
.LBB2_1:
0x13: {  	s0 =	rddreg [dreg:$0x4]  }
0x14: {  	[spmem:s13], [sflag:s8] =	dma.local [hbm:s0], $0x500  }
0x15: {  	_ =	swait.ge [sflag:s14], $0x500  }
0x16: {  	[sflag:s14] =	ssyncset.done $0x0  }
0x17: {  	[sflag:s14] =	ssyncadd.s32 $0xFFFFFB00  }
0x18: {  	[spmem:s15], [sflag:s8] =	dma.local [hbm:s6], $0x500  }
0x19: {  	_ =	swait.ge [sflag:s14], $0x500  }
0x1a: {  	[sflag:s14] =	ssyncset.done $0x0  }
0x1b: {  	s16 =	simm.s32 $0x0;
	[sflag:s14] =	ssyncadd.s32 $0xFFFFFB00  }
0x1c: {  	[tilespmem:s16], [sflag:$0x7] =	stream.linear.gather [hbm4b:s10+s16], $0x1400, $0x38;
	[tilespmem:$0x9740] =	vst v63  }
0x1d: {  	_ =	swait.ge [sflag:s14], $0x1400  }
0x1e: {  	[sflag:s14] =	ssyncset.done $0x0  }
0x1f: {  	s1 =	simm.s32 $0x1400;
	[sflag:s14] =	ssyncadd.s32 $0xFFFFEC00  }
0x20: {  	[tilespmem:s1], [sflag:$0x7] =	stream.linear.gather [hbm4b:s11+s16], $0x1400, $0x38;
	[tilespmem:$0x9740] =	vst v63  }
0x21: {  	_ =	swait.ge [sflag:s14], $0x1400  }
0x22: {  	[sflag:s14] =	ssyncset.done $0x0  }
0x23: {  	[sflag:s14] =	ssyncadd.s32 $0xFFFFEC00  }
0x24: {  	s31 =	simm.s32 $0x0;
	[bflag:$0x0] =	sbarrier.arrive $0xFFFF  }
.LBB2_2:
0x25: {  	s0 =	sshll.u32 s31, $0x1  }
0x26: {  	s0 =	sadd.s32 s9, s0  }
0x27: {  	s1 =	smul.u32 $0xFA, s0  }
0x28: {  	s0 =	smul.u32 $0x7D0, s0;
	_ =	sdelay $0x1  }
0x29: {  	s4 =	simm.s32 $0x0;
	s1 =	sadd.s32 s5, s1;
	s0 =	sshrl.u32 s0, $0x3  }
0x2a: {  	[tilespmem:s17], [sflag:$0x1] =	stream.linear.gather [hbm4b:s1+s4], $0x7D0, $0x38;
	[tilespmem:$0x9740] =	vst v63  }
0x2b: {  	s0 =	sadd.s32 s5, s0  }
0x2c: {  	s0 =	sadd.s32 $0xFA, s0  }
0x2d: {  	[tilespmem:s18], [sflag:$0x2] =	stream.linear.gather [hbm4b:s0+s4], $0x7D0, $0x38;
	[tilespmem:$0x9740] =	vst v63  }
0x2e: {  	s1 =	sshll.u32 s31, $0x8  }
0x2f: {  	[tilespmem:s20], [sflag:$0x3] =	stream.indirect.gather [spmem:s3], $0x10, s1, s19, $0xb8;
	[tilespmem:$0x9740] =	vst v63  }
0x30: {  	s0 =	sor.u32 $0x80, s1  }
0x31: {  	[tilespmem:s21], [sflag:$0x4] =	stream.indirect.gather [spmem:s3], $0x10, s0, s19, $0xb8;
	[tilespmem:$0x9740] =	vst v63  }
0x32: {  	_ =	swait.ge [sflag:s22], $0x7D0  }
0x33: {  	[sflag:s22] =	ssyncset.done $0x0  }
0x34: {  	[sflag:s22] =	ssyncadd.s32 $0xFFFFF830  }
0x35: {  	_ =	swait.ge [sflag:s23], $0x7D0  }
0x36: {  	[sflag:s23] =	ssyncset.done $0x0  }
0x37: {  	s16 =	simm.s32 $0x0;
	[sflag:s23] =	ssyncadd.s32 $0xFFFFF830  }
0x38: {  	v3 =	vld [tilespmem:s16+$0x2800]  }
0x39: {  	v4 =	vld [tilespmem:s16+$0x2810]  }
0x3a: {  	v2 =	vld [tilespmem:s16+$0x2820]  }
0x3b: {  	v1 =	vld [tilespmem:s16+$0x2830]  }
0x3c: {  	v0 =	vld [tilespmem:s16+$0x2840]  }
0x3d: {  	v7 =	vld [tilespmem:s16+$0x37A0]  }
0x3e: {  	v8 =	vld [tilespmem:s16+$0x37B0]  }
0x3f: {  	v6 =	vld [tilespmem:s16+$0x37C0]  }
0x40: {  	s4 =	simm.s32 $0x140;
	v5 =	vld [tilespmem:s16+$0x37D0]  }
.LBB2_3:
0x41: {  	s7 =	sshra.s32 s4, $0x2;
	p0 =	sne.s32 s4, $0x1E00;
	v9 =	vld [tilespmem:s16+$0x37E0]  }
0x42: {  	v7 =	vmul.f32 v7, v3;
	v3 =	vld [tilespmem:s7+$0x2800]  }
0x43: {  	v8 =	vmul.f32 v8, v4;
	v4 =	vld [tilespmem:s7+$0x2810]  }
0x44: {  	[tilespmem:s16+$0x37A0] =	vst v7;
	v6 =	vmul.f32 v6, v2;
	v2 =	vld [tilespmem:s7+$0x2820]  }
0x45: {  	[tilespmem:s16+$0x37B0] =	vst v8;
	v5 =	vmul.f32 v5, v1;
	v1 =	vld [tilespmem:s7+$0x2830]  }
.Ltmp0:
0x46: {  	[tilespmem:s16+$0x37C0] =	vst v6;
	v6 =	vmul.f32 v9, v0;
	v0 =	vld [tilespmem:s7+$0x2840];
	(pc) =	sbr.rel @p0 .LBB2_3-.Ltmp0, $4  }
0x47: {  	v7 =	vld [tilespmem:s7+$0x37A0];
	[tilespmem:s16+$0x37D0] =	vst v5  }
0x48: {  	v8 =	vld [tilespmem:s7+$0x37B0];
	[tilespmem:s16+$0x37E0] =	vst v6;
	s16 =	smov.u32 s7  }
0x49: {  	v6 =	vld [tilespmem:s16+$0x37C0]  }
0x4a: {  	s4 =	sadd.s32 $0x140, s4;
	v5 =	vld [tilespmem:s16+$0x37D0]  }
0x4b: {  	v9 =	vld [tilespmem:s16+$0x37E0]  }
0x4c: {  	v3 =	vmul.f32 v7, v3  }
0x4d: {  	v4 =	vmul.f32 v8, v4  }
0x4e: {  	[tilespmem:s16+$0x37A0] =	vst v3;
	v2 =	vmul.f32 v6, v2  }
0x4f: {  	[tilespmem:s16+$0x37B0] =	vst v4;
	v1 =	vmul.f32 v5, v1  }
0x50: {  	[tilespmem:s16+$0x37C0] =	vst v2;
	v0 =	vmul.f32 v9, v0  }
0x51: {  	[tilespmem:s16+$0x37D0] =	vst v1  }
0x52: {  	s1 =	sadd.s32 $0x1400, s1;
	[tilespmem:s16+$0x37E0] =	vst v0  }
0x53: {  	[spmem:s2] =	stream.indirect.scatter.add.f32 [tilespmem:s20], [sflag:$0x5], $0x10, s1, s19, $0xb8;
	[tilespmem:$0x9740] =	vst v63  }
0x54: {  	_ =	swait.ge [sflag:s25], $0x7D0  }
0x55: {  	[sflag:s25] =	ssyncset.done $0x0  }
0x56: {  	[sflag:s25] =	ssyncadd.s32 $0xFFFFF830  }
0x57: {  	_ =	swait.ge [sflag:s26], $0x7D0  }
0x58: {  	[sflag:s26] =	ssyncset.done $0x0  }
0x59: {  	s1 =	simm.s32 $0x0;
	[sflag:s26] =	ssyncadd.s32 $0xFFFFF830  }
0x5a: {  	v3 =	vld [tilespmem:s1+$0x2FD0]  }
0x5b: {  	v4 =	vld [tilespmem:s1+$0x2FE0]  }
0x5c: {  	v2 =	vld [tilespmem:s1+$0x2FF0]  }
0x5d: {  	v1 =	vld [tilespmem:s1+$0x3000]  }
0x5e: {  	v0 =	vld [tilespmem:s1+$0x3010]  }
0x5f: {  	v7 =	vld [tilespmem:s1+$0x3F70]  }
0x60: {  	v8 =	vld [tilespmem:s1+$0x3F80]  }
0x61: {  	v6 =	vld [tilespmem:s1+$0x3F90]  }
0x62: {  	s4 =	simm.s32 $0x140;
	v5 =	vld [tilespmem:s1+$0x3FA0]  }
.LBB2_5:
0x63: {  	s7 =	sshra.s32 s4, $0x2;
	p0 =	sne.s32 s4, $0x1E00;
	v9 =	vld [tilespmem:s1+$0x3FB0]  }
0x64: {  	v7 =	vmul.f32 v7, v3;
	v3 =	vld [tilespmem:s7+$0x2FD0]  }
0x65: {  	v8 =	vmul.f32 v8, v4;
	v4 =	vld [tilespmem:s7+$0x2FE0]  }
0x66: {  	[tilespmem:s1+$0x3F70] =	vst v7;
	v6 =	vmul.f32 v6, v2;
	v2 =	vld [tilespmem:s7+$0x2FF0]  }
0x67: {  	[tilespmem:s1+$0x3F80] =	vst v8;
	v5 =	vmul.f32 v5, v1;
	v1 =	vld [tilespmem:s7+$0x3000]  }
.Ltmp1:
0x68: {  	[tilespmem:s1+$0x3F90] =	vst v6;
	v6 =	vmul.f32 v9, v0;
	v0 =	vld [tilespmem:s7+$0x3010];
	(pc) =	sbr.rel @p0 .LBB2_5-.Ltmp1, $4  }
0x69: {  	v7 =	vld [tilespmem:s7+$0x3F70];
	[tilespmem:s1+$0x3FA0] =	vst v5  }
0x6a: {  	v8 =	vld [tilespmem:s7+$0x3F80];
	[tilespmem:s1+$0x3FB0] =	vst v6;
	s1 =	smov.u32 s7  }
0x6b: {  	v6 =	vld [tilespmem:s1+$0x3F90]  }
0x6c: {  	s4 =	sadd.s32 $0x140, s4;
	v5 =	vld [tilespmem:s1+$0x3FA0]  }
0x6d: {  	v9 =	vld [tilespmem:s1+$0x3FB0]  }
0x6e: {  	v3 =	vmul.f32 v7, v3  }
0x6f: {  	v4 =	vmul.f32 v8, v4  }
0x70: {  	[tilespmem:s1+$0x3F70] =	vst v3;
	v2 =	vmul.f32 v6, v2  }
0x71: {  	[tilespmem:s1+$0x3F80] =	vst v4;
	v1 =	vmul.f32 v5, v1  }
0x72: {  	[tilespmem:s1+$0x3F90] =	vst v2;
	v0 =	vmul.f32 v9, v0  }
0x73: {  	[tilespmem:s1+$0x3FA0] =	vst v1  }
0x74: {  	s0 =	sadd.s32 $0x1400, s0;
	s31 =	sadd.s32 $0x1, s31;
	[tilespmem:s1+$0x3FB0] =	vst v0  }
0x75: {  	[spmem:s2] =	stream.indirect.scatter.add.f32 [tilespmem:s21], [sflag:$0x6], $0x10, s0, s19, $0xb8;
	[tilespmem:$0x9740] =	vst v63  }
0x76: {  	p0 =	sne.s32 s31, $0x14;
	_ =	swait.ge [sflag:s28], $0x7D0  }
.Ltmp2:
0x77: {  	[sflag:s28] =	ssyncset.done $0x0;
	(pc) =	sbr.rel @p0 .LBB2_2-.Ltmp2, $4  }
0x78: {  	[sflag:s28] =	ssyncadd.s32 $0xFFFFF830  }
0x79: {  	_ =	swait.ge [sflag:s29], $0x7D0  }
0x7a: {  	[sflag:s29] =	ssyncset.done $0x0  }
0x7b: {  	[sflag:s29] =	ssyncadd.s32 $0xFFFFF830  }
0x7c: {  	s30 =	sadd.s32 $0x1, s30  }
0x7d: {  	p0 =	sne.s32 s30, s12  }
.Ltmp3:
0x7e: {  	[bflag:$0x0] =	sbarrier.arrive $0xFFFF;
	(pc) =	sbr.rel @p0 .LBB2_1-.Ltmp3, $4  }
0x7f: {  	[hbm:s24], [sflag:s8] =	dma.local [spmem:s13], $0x500  }
0x80: {  	_ =	swait.ge [sflag:s14], $0x500  }
0x81: {  	[sflag:s14] =	ssyncset.done $0x0  }
0x82: {  	[sflag:s14] =	ssyncadd.s32 $0xFFFFFB00  }
0x83: {  	_ =	sfence.sel $0x180000  }
0x84: {  	[bflag:$0x0] =	sbarrier.arrive $0xFFFF  }
0x85: {  	_ =	strace $0x9000004A  }
0x86: {  	s0 =	stileid.u32;
	[bflag:$0x2] =	sbarrier.arrive $0xFFFF  }
0x87: {  	p0 =	sne.s32 s0, $0x0;
	s0 =	rddreg [dreg:$0x3]  }
0x88: {  	s0 =	sadd.s32 @!p0 $0x100000, s0  }
0x89: {  	[sflag:s0] =	ssyncadd.tile.s32 @!p0 $0x1;
	_ =	shalt  }
.Lfunc_end2:
_tile_overlayer_lowered:
.L_overlay_start_2:
0x8a: {  	(tag) =	ssettag $0x2  }
0x8b: {  	s0 =	rddreg [dreg:$0x0];
	s2 =	stileid.u32  }
0x8c: {  	s1 =	rddreg [dreg:$0x1];
	p0 =	sne.s32 s2, $0x0  }
0x8d: {  	s3 =	rddreg [dreg:$0x2];
	[bflag:$0x3] =	sbarrier.arrive $0xFFFF;
	s2 =	simm.s32 @!p0 $0x1C07  }
0x8e: {  	[timem:s3], [sflag:s2] =	dma.local @!p0 [hbm:s0], s1  }
0x8f: {  	s0 =	simm.s32 @!p0 $0x7  }
0x90: {  	_ =	swait.ge @!p0 [sflag:s0], s1  }
0x91: {  	s1 =	ssub.s32 @!p0 $0x0, s1;
	[sflag:s0] =	ssyncset.done @!p0 $0x0  }
0x92: {  	[sflag:s0] =	ssyncadd.s32 @!p0 s1  }
0x93: {  	[bflag:$0x3] =	sbarrier.arrive $0xFFFF  }
0x94: {  	_ =	shalt  }

// kernel: kernel.7.cloned.1.call-start
scs
__scs_entry_jumppad:
0x0: {  	(pc) =	sbr.rel $0x88, $3  }
0x1: {  	(tag) =	ssettag $0x0;
	lr =	simm.s32 $0x1  }
0x2: {  	[smem:$0x3F9A] =	sst lr;
	_ =	strace $0xD0000000  }
0x3: {  	_ = 	snop  }
0x4: {  	_ = 	snop  }
0x5: {  	_ = 	snop  }
0x6: {  	_ = 	snop  }
0x7: {  	_ = 	snop  }
__scs_overlays_trampoline_lowered:
0x8: {  	[smem:$0x3FA9] =	sst s0  }
0x9: {  	[smem:$0x3FAA] =	sst s1  }
0xa: {  	[smem:$0x3FAB] =	sst s2  }
0xb: {  	[smem:$0x3FAC] =	sst s3  }
0xc: {  	[smem:$0x3FAD] =	sst s4  }
0xd: {  	[smem:$0x3FAE] =	sst s5  }
0xe: {  	[smem:$0x3FAF] =	sst s6  }
0xf: {  	[smem:$0x3FB0] =	sst s7  }
0x10: {  	[smem:$0x3FB1] =	sst s8  }
0x11: {  	[smem:$0x3FB2] =	sst s9;
	s0 =	simm.s32 @!p0 $0x0  }
0x12: {  	s1 =	sld [smem:$0x3F98];
	s0 =	simm.s32 @p0 $0x1  }
0x13: {  	[smem:$0x3FB3] =	sst s0;
	s0 =	simm.s32 @!p1 $0x0  }
0x14: {  	s2 =	sld [smem:$0x3F97];
	s0 =	simm.s32 @p1 $0x1  }
0x15: {  	[smem:$0x3FB4] =	sst s0;
	s0 =	simm.s32 @!p2 $0x0  }
0x16: {  	s3 =	sld [smem:$0x3FDB];
	s0 =	simm.s32 @p2 $0x1  }
0x17: {  	s4 =	simm.s32 $0x1BF5;
	[smem:$0x3FB6] =	sst s0  }
0x18: {  	s0 =	sld [smem:$0x3F99];
	_ =	swait.ge [sflag:s4], $0x0  }
0x19: {  	s7 =	sld [smem:$0x3F9A]  }
0x1a: {  	s8 =	sadd.s32 $0xFFFFE003, lr  }
0x1b: {  	s9 =	sadd.s32 $0xFFFFFEF7, lr;
	s5 =	simm.s32 $0xFFFFFFFF;
	p2 =	slt.u32 s8, $0xFFFFF086  }
0x1c: {  	p1 =	slt.u32 s9, $0xF7A;
	s5 =	simm.s32 @!p2 $0x0  }
0x1d: {  	s5 =	simm.s32 @p1 $0x1;
	p0 =	seq.s32 s7, s2  }
0x1e: {  	s7 =	smul.u32 @!p0 $0xF7A, s2;
	p2 =	seq.s32 @!p0 s5, $0x0  }
0x1f: {  	s9 =	smul.u32 $0xF7A, s1;
	s8 =	simm.s32 @!p0 $0x1BF5;
	p2 =	por !p2, p0  }
0x20: {  	[sflag:s8] =	ssyncset.s32 @!p0 $0xFFFFF086;
	s6 =	sadd.s32 @!p0 s3, s7;
	s7 =	simm.s32 @!p0 $0x108  }
0x21: {  	s3 =	sadd.s32 s3, s9;
	s6 =	sadd.s32 @!p0 $0x88, s6;
	s7 =	simm.s32 @p2 $0x1082  }
0x22: {  	[simem:s7], [sflag:s8] =	dma.local @!p0 [hbm:s6], $0xF7A  }
0x23: {  	s9 =	sor.u32 $0xD0000000, s2;
	s6 =	simm.s32 $0x108;
	_ =	swait.ge @!p0 [sflag:s8], $0x0  }
0x24: {  	s3 =	sadd.s32 $0x88, s3;
	s6 =	simm.s32 @!p1 $0x1082;
	[sflag:s4] =	ssyncset.s32 $0xFFFFF086  }
0x25: {  	[simem:s6], [sflag:s4] =	dma.local [hbm:s3], $0xF7A  }
0x26: {  	[smem:$0x3F9A] =	sst s1;
	(tag) =	ssettag s2;
	_ =	strace s9  }
0x27: {  	s1 =	sld [smem:$0x3FAA]  }
0x28: {  	s2 =	sld [smem:$0x3FAB]  }
0x29: {  	s4 =	sld [smem:$0x3FAD]  }
0x2a: {  	p0 =	seq.s32 s5, $0x0;
	s5 =	sld [smem:$0x3FAE]  }
0x2b: {  	s6 =	sld [smem:$0x3FAF]  }
0x2c: {  	s7 =	sld [smem:$0x3FB0]  }
0x2d: {  	s3 =	simm.s32 $0x108;
	s8 =	sld [smem:$0x3FB1]  }
0x2e: {  	s3 =	simm.s32 @!p0 $0x1082;
	s9 =	sld [smem:$0x3FB2]  }
0x2f: {  	lr =	sadd.s32 s0, s3;
	s0 =	sld [smem:$0x3FA9]  }
0x30: {  	s3 =	sld [smem:$0x3FAC]  }
0x31: {  	[smem:$0x3FB5] =	sst s10  }
0x32: {  	s10 =	sld [smem:$0x3FB3];
	_ =	sdelay $0x3  }
0x33: {  	p0 =	seq.s32 s10, $0x1;
	s10 =	sld [smem:$0x3FB5];
	_ =	sdelay $0x3  }
0x34: {  	[smem:$0x3FB5] =	sst s10  }
0x35: {  	s10 =	sld [smem:$0x3FB4];
	_ =	sdelay $0x3  }
0x36: {  	p1 =	seq.s32 s10, $0x1;
	s10 =	sld [smem:$0x3FB5];
	_ =	sdelay $0x3  }
0x37: {  	[smem:$0x3FB5] =	sst s10  }
0x38: {  	s10 =	sld [smem:$0x3FB6]  }
0x39: {  	_ = 	snop;
	(pc) =	sbr.ind lr, $3  }
0x3a: {  	_ = 	snop  }
0x3b: {  	_ = 	snop  }
0x3c: {  	p2 =	seq.s32 s10, $0x1;
	s10 =	sld [smem:$0x3FB5]  }
0x3d: {  	_ =	shalt  }
0x3e: {  	_ =	shalt  }
0x3f: {  	_ =	shalt  }
0x40: {  	_ =	shalt  }
0x41: {  	_ =	shalt  }
0x42: {  	_ =	shalt  }
0x43: {  	_ =	shalt  }
0x44: {  	_ =	shalt  }
0x45: {  	_ =	shalt  }
0x46: {  	_ =	shalt  }
0x47: {  	_ =	shalt  }
0x48: {  	_ =	shalt  }
0x49: {  	_ =	shalt  }
0x4a: {  	_ =	shalt  }
0x4b: {  	_ =	shalt  }
0x4c: {  	_ =	shalt  }
0x4d: {  	_ =	shalt  }
0x4e: {  	_ =	shalt  }
0x4f: {  	_ =	shalt  }
0x50: {  	_ =	shalt  }
0x51: {  	_ =	shalt  }
0x52: {  	_ =	shalt  }
0x53: {  	_ =	shalt  }
0x54: {  	_ =	shalt  }
0x55: {  	_ =	shalt  }
0x56: {  	_ =	shalt  }
0x57: {  	_ =	shalt  }
0x58: {  	_ =	shalt  }
0x59: {  	_ =	shalt  }
0x5a: {  	_ =	shalt  }
0x5b: {  	_ =	shalt  }
0x5c: {  	_ =	shalt  }
0x5d: {  	_ =	shalt  }
0x5e: {  	_ =	shalt  }
0x5f: {  	_ =	shalt  }
0x60: {  	_ =	shalt  }
0x61: {  	_ =	shalt  }
0x62: {  	_ =	shalt  }
0x63: {  	_ =	shalt  }
0x64: {  	_ =	shalt  }
0x65: {  	_ =	shalt  }
0x66: {  	_ =	shalt  }
0x67: {  	_ =	shalt  }
0x68: {  	_ =	shalt  }
0x69: {  	_ =	shalt  }
0x6a: {  	_ =	shalt  }
0x6b: {  	_ =	shalt  }
0x6c: {  	_ =	shalt  }
0x6d: {  	_ =	shalt  }
0x6e: {  	_ =	shalt  }
0x6f: {  	_ =	shalt  }
0x70: {  	_ =	shalt  }
0x71: {  	_ =	shalt  }
0x72: {  	_ =	shalt  }
0x73: {  	_ =	shalt  }
0x74: {  	_ =	shalt  }
0x75: {  	_ =	shalt  }
0x76: {  	_ =	shalt  }
0x77: {  	_ =	shalt  }
0x78: {  	_ =	shalt  }
0x79: {  	_ =	shalt  }
0x7a: {  	_ =	shalt  }
0x7b: {  	_ =	shalt  }
0x7c: {  	_ =	shalt  }
0x7d: {  	_ =	shalt  }
0x7e: {  	_ =	shalt  }
0x7f: {  	_ =	shalt  }
0x80: {  	_ =	shalt  }
0x81: {  	_ =	shalt  }
0x82: {  	_ =	shalt  }
0x83: {  	_ =	shalt  }
0x84: {  	_ =	shalt  }
0x85: {  	_ =	shalt  }
0x86: {  	_ =	shalt  }
0x87: {  	_ =	shalt  }
.Lfunc_end0:
.L_simem_size_0:
called_computation_lowered:
.L_overlay_start_0:
0x88: {  	s2 =	sld [smem:$0x3FD9]  }
0x89: {  	s3 =	sld [smem:$0x3FFE];
	_ =	sdelay $0x1  }
0x8a: {  	s1 =	srdreg.scid  }
0x8b: {  	s0 =	sand.u32 $0x1, s1  }
0x8c: {  	s16 =	sshll.u32 s0, $0xA;
	s2 =	sadd.s32 s3, s2  }
0x8d: {  	s2 =	sadd.s32 s2, s16  }
0x8e: {  	[smem:$0x3FC1] =	sst s2  }
0x8f: {  	_ = 	snop  }
0x90: {  	(tm) =	ssettm $0x1  }
0x91: {  	s17 =	sld [smem:$0x3FFB];
	_ =	sdelay $0x3  }
0x92: {  	_ =	strace s17  }
0x93: {  	s2 =	sld [smem:$0x3FFC];
	_ =	sdelay $0x3  }
0x94: {  	_ =	strace s2  }
0x95: {  	s2 =	sld [smem:$0x3FFD];
	_ =	sdelay $0x3  }
0x96: {  	_ =	strace s2  }
0x97: {  	_ =	strace $0x8FFFFFFF  }
0x98: {  	s18 =	sld [smem:$0x3FDB];
	_ =	sdelay $0x1  }
0x99: {  	s19 =	simm.s32 $_scs_section_size  }
0x9a: {  	s4 =	simm.s32 $_size__tile_overlayer_lowered;
	s5 =	simm.s32 $_tile_overlayer_lowered  }
0x9b: {  	s22 =	simm.s32 $0x1BFF;
	s21 =	sshll.u32 s5, $0x1;
	s2 =	sadd.s32 s19, s18  }
0x9c: {  	s6 =	simm.s32 $0x0;
	s20 =	sshll.u32 s4, $0x1;
	s4 =	sadd.s32 s21, s2  }
0x9d: {  	[timem:s6], [sflag:s22] =	dma.local [hbm:s4], s20  }
0x9e: {  	_ =	swait.ge [sflag:s22], s20  }
0x9f: {  	s3 =	ssub.s32 $0x0, s20;
	[sflag:s22] =	ssyncset.done $0x0  }
0xa0: {  	[sflag:s22] =	ssyncadd.s32 s3;
	_ =	sdelay $0x1  }
0xa1: {  	s23 =	simm.s32 $0x1B8B  }
0xa2: {  	_ =	swait.ge [sflag:s23], $0x1  }
0xa3: {  	[sflag:s23] =	ssyncset.done $0x0  }
0xa4: {  	s25 =	simm.s32 $0x1B8E;
	s24 =	sld [smem:$0x3FFE];
	[sflag:s23] =	ssyncadd.s32 $0xFFFFFFFF  }
0xa5: {  	s26 =	simm.s32 $execute0_lowered;
	[smem:$0x3FD2] =	sst s25  }
0xa6: {  	s4 =	sshll.u32 s26, $0x1;
	_ =	strace $0x80000046;
	[dreg:$0x1] =	wrdreg $0xFFFFFFFF  }
0xa7: {  	s28 =	simm.s32 $_size_execute0_lowered;
	s2 =	sadd.s32 s2, s4;
	[dreg:$0x0] =	wrdreg $0x0  }
0xa8: {  	s4 =	sshll.u32 s28, $0x1;
	[dreg:$0x2] =	wrdreg s2  }
0xa9: {  	[dreg:$0x3] =	wrdreg s4  }
0xaa: {  	[dreg:$0x4] =	wrdreg $0xC0  }
0xab: {  	_ =	task [dreg:s6], $0x5FFFF  }
0xac: {  	[dreg:$0x1] =	wrdreg $0xFFFFFFFF  }
0xad: {  	[dreg:$0x0] =	wrdreg $0x60  }
0xae: {  	[dreg:$0x2] =	wrdreg s24  }
0xaf: {  	[dreg:$0x3] =	wrdreg $0x76200  }
0xb0: {  	[dreg:$0x4] =	wrdreg $0x116200  }
0xb1: {  	[dreg:$0x5] =	wrdreg $0x9  }
0xb2: {  	_ =	task.clear_ibuf [dreg:s6], $0x6FFFF;
	_ =	strace $0x90000046  }
0xb3: {  	s29 =	simm.s32 $0x9;
	_ =	strace $0x80000048  }
0xb4: {  	_ =	swait.ge [sflag:s29], $0x1  }
0xb5: {  	[sflag:s29] =	ssyncadd.s32 $0xFFFFFFFF  }
0xb6: {  	_ =	strace $0x90000048  }
0xb7: {  	_ =	sfence  }
0xb8: {  	s30 =	sld [smem:$0x0];
	_ =	sdelay $0x2  }
0xb9: {  	s31 =	sshll.u32 s1, $0xD;
	s1 =	sshrl.u32 s1, $0x2  }
0xba: {  	s3 =	sand.u32 $0x4000, s31;
	s1 =	sadd.s32 s1, s30  }
0xbb: {  	s0 =	sor.u32 s3, s0;
	s1 =	sshll.u32 s1, $0x11  }
0xbc: {  	s0 =	sor.u32 s1, s0  }
0xbd: {  	s0 =	sadd.s32 $0x8F2B, s0  }
0xbe: {  	[sflag:s0] =	ssyncadd.remote.s32 $0x1  }
0xbf: {  	_ =	sfence.sel $0xFFFF  }
0xc0: {  	[dreg:$0x0] =	wrdreg $0xFFFFFFFF;
	(pc) =	sbr.abs _section_cstart, $3  }
0xc1: {  	[dreg:$0x1] =	wrdreg $0xFFFFFFFF  }
0xc2: {  	_ =	task.clear_ibuf [dreg:s6], $0x2FFFF;
	_ =	strace $0x9FFFFFFF  }
0xc3: {  	(tm) =	ssettm $0x7FFFFFFF  }
tec
execute0_lowered:
.L_overlay_start_1:
0x0: {  	(tag) =	ssettag $0x1  }
0x1: {  	s0 =	rddreg [dreg:$0x0]  }
0x2: {  	s1 =	srdreg.scid;
	s2 =	rddreg [dreg:$0x1]  }
0x3: {  	s3 =	rddreg [dreg:$0x2];
	s9 =	stileid.u32;
	s5 =	simm.s32 $0x0  }
0x4: {  	s14 =	simm.s32 $0x7;
	s17 =	simm.s32 $0x2800;
	s18 =	simm.s32 $0x2FD0  }
0x5: {  	s19 =	simm.s32 $0x7D;
	s20 =	simm.s32 $0x37A0;
	s28 =	simm.s32 $0x5  }
0x6: {  	s29 =	simm.s32 $0x6;
	s30 =	simm.s32 $0x0;
	s1 =	sand.u32 $0x1, s1  }
0x7: {  	[smem:$0x7FF] =	sst s5;
	s7 =	smul.u32 $0xA000, s9;
	s5 =	sadd.s32 $0x29E000, s0  }
0x8: {  	s24 =	sshll.u32 s9, $0x6;
	s4 =	sshll.u32 s1, $0x4;
	_ =	strace $0x80000047  }
0x9: {  	s6 =	smul.u32 $0x14000, s1;
	s1 =	ssub.s32 $0x2, s1;
	s4 =	sor.u32 s9, s4  }
0xa: {  	s8 =	sshrl.u32 s1, $0x1;
	s16 =	sshrl.u32 s7, $0x3;
	s22 =	sadd.s32 s7, s2  }
0xb: {  	s7 =	sadd.s32 s7, s3;
	s21 =	smul.u32 $0x280, s4;
	s12 =	sadd.s32 s6, s0  }
0xc: {  	s1 =	ssub.s32 s1, s8;
	s6 =	sadd.s32 s0, s16;
	s8 =	sor.u32 $0x1C07, s24  }
0xd: {  	s9 =	smul.u32 $0x28, s4;
	s13 =	sshrl.u32 s22, $0x3;
	s15 =	sshrl.u32 s7, $0x3  }
0xe: {  	s22 =	simm.s32 $0x1;
	s23 =	sadd.s32 $0x1E000, s6;
	s31 =	sadd.s32 $0x32000, s12  }
0xf: {  	s12 =	smax.u32 s1, $0x1;
	s10 =	sadd.s32 s21, s0;
	[dreg:$0x4] =	wrdreg s23  }
0x10: {  	s21 =	simm.s32 $0x56E0;
	s23 =	simm.s32 $0x3;
	s25 =	sadd.s32 $0x19000, s10  }
0x11: {  	s24 =	sadd.s32 s16, s31;
	s26 =	sadd.s32 $0x14000, s10;
	[dreg:$0x5] =	wrdreg s25  }
0x12: {  	[dreg:$0x6] =	wrdreg s26;
	s25 =	simm.s32 $0x2;
	s26 =	simm.s32 $0x4  }
.LBB2_1:
0x13: {  	s0 =	rddreg [dreg:$0x4]  }
0x14: {  	[spmem:s13], [sflag:s8] =	dma.local [hbm:s0], $0x1400  }
0x15: {  	_ =	swait.ge [sflag:s14], $0x1400  }
0x16: {  	[sflag:s14] =	ssyncset.done $0x0  }
0x17: {  	[sflag:s14] =	ssyncadd.s32 $0xFFFFEC00  }
0x18: {  	[spmem:s15], [sflag:s8] =	dma.local [hbm:s6], $0x1400  }
0x19: {  	_ =	swait.ge [sflag:s14], $0x1400  }
0x1a: {  	[sflag:s14] =	ssyncset.done $0x0  }
0x1b: {  	s11 =	simm.s32 $0x0;
	s1 =	rddreg [dreg:$0x5];
	[sflag:s14] =	ssyncadd.s32 $0xFFFFEC00  }
0x1c: {  	[tilespmem:s11], [sflag:$0x7] =	stream.linear.gather [hbm4b:s1+s11], $0x1400, $0x38;
	[tilespmem:$0x1B620] =	vst v63  }
0x1d: {  	_ =	swait.ge [sflag:s14], $0x1400  }
0x1e: {  	[sflag:s14] =	ssyncset.done $0x0  }
0x1f: {  	s4 =	simm.s32 $0x1400;
	s16 =	rddreg [dreg:$0x6];
	[sflag:s14] =	ssyncadd.s32 $0xFFFFEC00  }
0x20: {  	[tilespmem:s4], [sflag:$0x7] =	stream.linear.gather [hbm4b:s16+s11], $0x1400, $0x38;
	[tilespmem:$0x1B620] =	vst v63  }
0x21: {  	_ =	swait.ge [sflag:s14], $0x1400  }
0x22: {  	[sflag:s14] =	ssyncset.done $0x0  }
0x23: {  	[sflag:s14] =	ssyncadd.s32 $0xFFFFEC00  }
0x24: {  	s31 =	simm.s32 $0x0;
	[bflag:$0x0] =	sbarrier.arrive $0xFFFF  }
.LBB2_2:
0x25: {  	s0 =	sshll.u32 s31, $0x1  }
0x26: {  	s0 =	sadd.s32 s9, s0  }
0x27: {  	s1 =	smul.u32 $0xFA, s0  }
0x28: {  	s0 =	smul.u32 $0x7D0, s0;
	_ =	sdelay $0x1  }
0x29: {  	s4 =	simm.s32 $0x0;
	s1 =	sadd.s32 s5, s1;
	s0 =	sshrl.u32 s0, $0x3  }
0x2a: {  	[tilespmem:s17], [sflag:$0x1] =	stream.linear.gather [hbm4b:s1+s4], $0x7D0, $0x38;
	[tilespmem:$0x1B620] =	vst v63  }
0x2b: {  	s0 =	sadd.s32 s5, s0  }
0x2c: {  	s0 =	sadd.s32 $0xFA, s0  }
0x2d: {  	[tilespmem:s18], [sflag:$0x2] =	stream.linear.gather [hbm4b:s0+s4], $0x7D0, $0x38;
	[tilespmem:$0x1B620] =	vst v63  }
0x2e: {  	s1 =	sshll.u32 s31, $0x8  }
0x2f: {  	[tilespmem:s20], [sflag:$0x3] =	stream.indirect.gather [spmem:s3], $0x40, s1, s19, $0xb8;
	[tilespmem:$0x1B620] =	vst v63  }
0x30: {  	s0 =	sor.u32 $0x80, s1  }
0x31: {  	[tilespmem:s21], [sflag:$0x4] =	stream.indirect.gather [spmem:s3], $0x40, s0, s19, $0xb8;
	[tilespmem:$0x1B620] =	vst v63  }
0x32: {  	_ =	swait.ge [sflag:s22], $0x7D0  }
0x33: {  	[sflag:s22] =	ssyncset.done $0x0  }
0x34: {  	[sflag:s22] =	ssyncadd.s32 $0xFFFFF830  }
0x35: {  	_ =	swait.ge [sflag:s23], $0x1F40  }
0x36: {  	[sflag:s23] =	ssyncset.done $0x0  }
0x37: {  	s16 =	simm.s32 $0x3840;
	[sflag:s23] =	ssyncadd.s32 $0xFFFFE0C0  }
0x38: {  	s4 =	simm.s32 $0x0;
	v0 =	vld [tilespmem:s16+$0xFFFFFF90]  }
0x39: {  	v1 =	vld [tilespmem:s4+$0x2800]  }
0x3a: {  	v2 =	vld [tilespmem:s16+$0xFFFFFF60]  }
0x3b: {  	v3 =	vld [tilespmem:s16+$0xFFFFFF70]  }
0x3c: {  	v4 =	vld [tilespmem:s16+$0xFFFFFF80];
	_ =	sdelay $0x1  }
0x3d: {  	v0 =	vmul.f32 v0, v1  }
0x3e: {  	v2 =	vmul.f32 v2, v1  }
0x3f: {  	v3 =	vmul.f32 v3, v1;
	[tilespmem:s16+$0xFFFFFF90] =	vst v0  }
0x40: {  	v0 =	vmul.f32 v4, v1;
	[tilespmem:s16+$0xFFFFFF60] =	vst v2  }
0x41: {  	[tilespmem:s16+$0xFFFFFF70] =	vst v3  }
0x42: {  	[tilespmem:s16+$0xFFFFFF80] =	vst v0;
	v0 =	vld [tilespmem:s16+$0xFFFFFFA0]  }
0x43: {  	v2 =	vld [tilespmem:s4+$0x2810]  }
0x44: {  	v1 =	vld [tilespmem:s16+$0xFFFFFFB0]  }
0x45: {  	v3 =	vld [tilespmem:s16+$0xFFFFFFD0]  }
0x46: {  	v4 =	vld [tilespmem:s16+$0xFFFFFFC0];
	_ =	sdelay $0x1  }
0x47: {  	v0 =	vmul.f32 v0, v2  }
0x48: {  	v1 =	vmul.f32 v1, v2  }
0x49: {  	v3 =	vmul.f32 v3, v2;
	[tilespmem:s16+$0xFFFFFFA0] =	vst v0  }
0x4a: {  	[tilespmem:s16+$0xFFFFFFB0] =	vst v1;
	v0 =	vmul.f32 v4, v2  }
0x4b: {  	[tilespmem:s16+$0xFFFFFFD0] =	vst v3  }
0x4c: {  	[tilespmem:s16+$0xFFFFFFC0] =	vst v0;
	v0 =	vld [tilespmem:s16+$0xFFFFFFE0]  }
0x4d: {  	v2 =	vld [tilespmem:s4+$0x2820]  }
0x4e: {  	v3 =	vld [tilespmem:s16+$0x10]  }
0x4f: {  	v1 =	vld [tilespmem:s16+$0xFFFFFFF0]  }
0x50: {  	v4 =	vld [tilespmem:s16+$0x0];
	_ =	sdelay $0x1  }
0x51: {  	v0 =	vmul.f32 v0, v2  }
0x52: {  	v3 =	vmul.f32 v3, v2  }
0x53: {  	[tilespmem:s16+$0xFFFFFFE0] =	vst v0;
	v0 =	vmul.f32 v1, v2  }
0x54: {  	[tilespmem:s16+$0x10] =	vst v3;
	v1 =	vmul.f32 v4, v2  }
0x55: {  	v5 =	vld [tilespmem:s16+$0x30];
	[tilespmem:s16+$0xFFFFFFF0] =	vst v0  }
0x56: {  	v3 =	vld [tilespmem:s16+$0x20];
	[tilespmem:s16+$0x0] =	vst v1  }
0x57: {  	v1 =	vld [tilespmem:s4+$0x2830]  }
0x58: {  	v2 =	vld [tilespmem:s16+$0x40]  }
0x59: {  	v0 =	vld [tilespmem:s16+$0x50];
	_ =	sdelay $0x2  }
0x5a: {  	s10 =	simm.s32 $0x140;
	s7 =	simm.s32 $0x3840;
	v4 =	vmul.f32 v3, v1;
	v3 =	vmul.f32 v5, v1  }
.LBB2_3:
0x5b: {  	p0 =	sne.s32 s10, $0x1E00  }
0x5c: {  	v2 =	vmul.f32 v2, v1;
	v0 =	vmul.f32 v0, v1;
	s16 =	sadd.s32 $0x140, s16;
	s11 =	smov.u32 s10;
	s10 =	sadd.s32 $0x140, s10  }
0x5d: {  	[tilespmem:s7+$0x20] =	vst v4  }
0x5e: {  	[tilespmem:s7+$0x30] =	vst v3;
	v1 =	vld [tilespmem:s7+$0x60]  }
0x5f: {  	[tilespmem:s7+$0x50] =	vst v0;
	v0 =	vld [tilespmem:s7+$0x90]  }
0x60: {  	[tilespmem:s7+$0x40] =	vst v2;
	v2 =	vld [tilespmem:s7+$0x70]  }
0x61: {  	v3 =	vld [tilespmem:s4+$0x2840]  }
0x62: {  	v4 =	vld [tilespmem:s7+$0x80];
	_ =	sdelay $0x3  }
0x63: {  	v1 =	vmul.f32 v1, v3;
	v2 =	vmul.f32 v2, v3  }
0x64: {  	v0 =	vmul.f32 v0, v3;
	v4 =	vmul.f32 v4, v3  }
0x65: {  	[tilespmem:s7+$0x60] =	vst v1  }
0x66: {  	v1 =	vld [tilespmem:s16+$0xFFFFFF80];
	[tilespmem:s7+$0x70] =	vst v2  }
0x67: {  	v2 =	vld [tilespmem:s16+$0xFFFFFF90];
	[tilespmem:s7+$0x90] =	vst v0  }
0x68: {  	s4 =	sshra.s32 s11, $0x2;
	v0 =	vld [tilespmem:s16+$0xFFFFFF60];
	[tilespmem:s7+$0x80] =	vst v4;
	s7 =	smov.u32 s16  }
0x69: {  	v3 =	vld [tilespmem:s4+$0x2800]  }
0x6a: {  	v4 =	vld [tilespmem:s16+$0xFFFFFF70];
	_ =	sdelay $0x3  }
0x6b: {  	v0 =	vmul.f32 v0, v3;
	v2 =	vmul.f32 v2, v3  }
0x6c: {  	v1 =	vmul.f32 v1, v3;
	v4 =	vmul.f32 v4, v3  }
0x6d: {  	[tilespmem:s16+$0xFFFFFF90] =	vst v2  }
0x6e: {  	[tilespmem:s16+$0xFFFFFF60] =	vst v0;
	v0 =	vld [tilespmem:s16+$0xFFFFFFD0]  }
0x6f: {  	[tilespmem:s16+$0xFFFFFF70] =	vst v4;
	v2 =	vld [tilespmem:s16+$0xFFFFFFB0]  }
0x70: {  	[tilespmem:s16+$0xFFFFFF80] =	vst v1;
	v1 =	vld [tilespmem:s16+$0xFFFFFFA0]  }
0x71: {  	v3 =	vld [tilespmem:s4+$0x2810]  }
0x72: {  	v4 =	vld [tilespmem:s16+$0xFFFFFFC0];
	_ =	sdelay $0x3  }
0x73: {  	v1 =	vmul.f32 v1, v3;
	v2 =	vmul.f32 v2, v3  }
0x74: {  	v0 =	vmul.f32 v0, v3;
	v4 =	vmul.f32 v4, v3  }
0x75: {  	[tilespmem:s16+$0xFFFFFFA0] =	vst v1  }
0x76: {  	[tilespmem:s16+$0xFFFFFFB0] =	vst v2;
	v1 =	vld [tilespmem:s16+$0x10]  }
0x77: {  	[tilespmem:s16+$0xFFFFFFD0] =	vst v0;
	v0 =	vld [tilespmem:s16+$0xFFFFFFF0]  }
0x78: {  	[tilespmem:s16+$0xFFFFFFC0] =	vst v4;
	v2 =	vld [tilespmem:s16+$0xFFFFFFE0]  }
0x79: {  	v3 =	vld [tilespmem:s4+$0x2820]  }
0x7a: {  	v4 =	vld [tilespmem:s16+$0x0];
	_ =	sdelay $0x3  }
0x7b: {  	v2 =	vmul.f32 v2, v3;
	v0 =	vmul.f32 v0, v3  }
0x7c: {  	v1 =	vmul.f32 v1, v3;
	v4 =	vmul.f32 v4, v3  }
0x7d: {  	[tilespmem:s16+$0xFFFFFFE0] =	vst v2  }
0x7e: {  	[tilespmem:s16+$0x10] =	vst v1;
	v3 =	vld [tilespmem:s16+$0x20]  }
0x7f: {  	[tilespmem:s16+$0xFFFFFFF0] =	vst v0;
	v0 =	vld [tilespmem:s16+$0x50]  }
0x80: {  	[tilespmem:s16+$0x0] =	vst v4;
	v5 =	vld [tilespmem:s16+$0x30]  }
0x81: {  	v1 =	vld [tilespmem:s4+$0x2830]  }
.Ltmp0:
0x82: {  	v2 =	vld [tilespmem:s16+$0x40];
	(pc) =	sbr.rel @p0 .LBB2_3-.Ltmp0, $2  }
0x83: {  	_ =	sdelay $0x2  }
0x84: {  	v4 =	vmul.f32 v3, v1;
	v3 =	vmul.f32 v5, v1  }
0x85: {  	_ = 	snop  }
0x86: {  	v0 =	vmul.f32 v0, v1;
	[tilespmem:s7+$0x20] =	vst v4  }
0x87: {  	v1 =	vmul.f32 v2, v1;
	[tilespmem:s7+$0x30] =	vst v3  }
0x88: {  	[tilespmem:s7+$0x50] =	vst v0  }
0x89: {  	v2 =	vld [tilespmem:s7+$0x60];
	[tilespmem:s7+$0x40] =	vst v1  }
0x8a: {  	v0 =	vld [tilespmem:s4+$0x2840]  }
0x8b: {  	v1 =	vld [tilespmem:s7+$0x70]  }
0x8c: {  	v3 =	vld [tilespmem:s7+$0x90]  }
0x8d: {  	v4 =	vld [tilespmem:s7+$0x80];
	_ =	sdelay $0x1  }
0x8e: {  	v2 =	vmul.f32 v2, v0  }
0x8f: {  	v1 =	vmul.f32 v1, v0  }
0x90: {  	v3 =	vmul.f32 v3, v0;
	[tilespmem:s7+$0x60] =	vst v2  }
0x91: {  	v0 =	vmul.f32 v4, v0;
	[tilespmem:s7+$0x70] =	vst v1  }
0x92: {  	[tilespmem:s7+$0x90] =	vst v3  }
0x93: {  	s1 =	sadd.s32 $0x1400, s1;
	[tilespmem:s7+$0x80] =	vst v0  }
0x94: {  	[spmem:s2] =	stream.indirect.scatter.add.f32 [tilespmem:s20], [sflag:$0x5], $0x40, s1, s19, $0xb8;
	[tilespmem:$0x1B620] =	vst v63  }
0x95: {  	_ =	swait.ge [sflag:s25], $0x7D0  }
0x96: {  	[sflag:s25] =	ssyncset.done $0x0  }
0x97: {  	[sflag:s25] =	ssyncadd.s32 $0xFFFFF830  }
0x98: {  	_ =	swait.ge [sflag:s26], $0x1F40  }
0x99: {  	[sflag:s26] =	ssyncset.done $0x0  }
0x9a: {  	s1 =	simm.s32 $0x5810;
	[sflag:s26] =	ssyncadd.s32 $0xFFFFE0C0  }
0x9b: {  	s16 =	simm.s32 $0x0;
	v0 =	vld [tilespmem:s1+$0xFFFFFF00]  }
0x9c: {  	v1 =	vld [tilespmem:s16+$0x2FD0]  }
0x9d: {  	v2 =	vld [tilespmem:s1+$0xFFFFFED0]  }
0x9e: {  	v3 =	vld [tilespmem:s1+$0xFFFFFEE0]  }
0x9f: {  	v4 =	vld [tilespmem:s1+$0xFFFFFEF0];
	_ =	sdelay $0x1  }
0xa0: {  	v0 =	vmul.f32 v0, v1  }
0xa1: {  	v2 =	vmul.f32 v2, v1  }
0xa2: {  	v3 =	vmul.f32 v3, v1;
	[tilespmem:s1+$0xFFFFFF00] =	vst v0  }
0xa3: {  	v0 =	vmul.f32 v4, v1;
	[tilespmem:s1+$0xFFFFFED0] =	vst v2  }
0xa4: {  	[tilespmem:s1+$0xFFFFFEE0] =	vst v3  }
0xa5: {  	[tilespmem:s1+$0xFFFFFEF0] =	vst v0;
	v0 =	vld [tilespmem:s1+$0xFFFFFF10]  }
0xa6: {  	v2 =	vld [tilespmem:s16+$0x2FE0]  }
0xa7: {  	v1 =	vld [tilespmem:s1+$0xFFFFFF20]  }
0xa8: {  	v3 =	vld [tilespmem:s1+$0xFFFFFF40]  }
0xa9: {  	v4 =	vld [tilespmem:s1+$0xFFFFFF30];
	_ =	sdelay $0x1  }
0xaa: {  	v0 =	vmul.f32 v0, v2  }
0xab: {  	v1 =	vmul.f32 v1, v2  }
0xac: {  	v3 =	vmul.f32 v3, v2;
	[tilespmem:s1+$0xFFFFFF10] =	vst v0  }
0xad: {  	[tilespmem:s1+$0xFFFFFF20] =	vst v1;
	v0 =	vmul.f32 v4, v2  }
0xae: {  	[tilespmem:s1+$0xFFFFFF40] =	vst v3  }
0xaf: {  	[tilespmem:s1+$0xFFFFFF30] =	vst v0;
	v0 =	vld [tilespmem:s1+$0xFFFFFF50]  }
0xb0: {  	v2 =	vld [tilespmem:s16+$0x2FF0]  }
0xb1: {  	v3 =	vld [tilespmem:s1+$0xFFFFFF80]  }
0xb2: {  	v1 =	vld [tilespmem:s1+$0xFFFFFF60]  }
0xb3: {  	v4 =	vld [tilespmem:s1+$0xFFFFFF70];
	_ =	sdelay $0x1  }
0xb4: {  	v0 =	vmul.f32 v0, v2  }
0xb5: {  	v3 =	vmul.f32 v3, v2  }
0xb6: {  	[tilespmem:s1+$0xFFFFFF50] =	vst v0;
	v0 =	vmul.f32 v1, v2  }
0xb7: {  	[tilespmem:s1+$0xFFFFFF80] =	vst v3;
	v1 =	vmul.f32 v4, v2  }
0xb8: {  	v5 =	vld [tilespmem:s1+$0xFFFFFFA0];
	[tilespmem:s1+$0xFFFFFF60] =	vst v0  }
0xb9: {  	v3 =	vld [tilespmem:s1+$0xFFFFFF90];
	[tilespmem:s1+$0xFFFFFF70] =	vst v1  }
0xba: {  	v0 =	vld [tilespmem:s16+$0x3000]  }
0xbb: {  	v2 =	vld [tilespmem:s1+$0xFFFFFFB0]  }
0xbc: {  	v1 =	vld [tilespmem:s1+$0xFFFFFFC0];
	_ =	sdelay $0x2  }
0xbd: {  	s4 =	simm.s32 $0x5810;
	s7 =	simm.s32 $0x140;
	v4 =	vmul.f32 v3, v0;
	v3 =	vmul.f32 v5, v0  }
.LBB2_5:
0xbe: {  	p0 =	sne.s32 s7, $0x1E00  }
0xbf: {  	v2 =	vmul.f32 v2, v0;
	v0 =	vmul.f32 v1, v0;
	s1 =	sadd.s32 $0x140, s1;
	s10 =	smov.u32 s7;
	s7 =	sadd.s32 $0x140, s7  }
0xc0: {  	[tilespmem:s4+$0xFFFFFF90] =	vst v4  }
0xc1: {  	[tilespmem:s4+$0xFFFFFFA0] =	vst v3;
	v1 =	vld [tilespmem:s4+$0xFFFFFFF0]  }
0xc2: {  	[tilespmem:s4+$0xFFFFFFC0] =	vst v0;
	v0 =	vld [tilespmem:s4+$0xFFFFFFD0]  }
0xc3: {  	[tilespmem:s4+$0xFFFFFFB0] =	vst v2;
	v2 =	vld [tilespmem:s4+$0xFFFFFFE0]  }
0xc4: {  	v3 =	vld [tilespmem:s16+$0x3010]  }
0xc5: {  	v4 =	vld [tilespmem:s4+$0x0];
	_ =	sdelay $0x3  }
0xc6: {  	v0 =	vmul.f32 v0, v3;
	v2 =	vmul.f32 v2, v3  }
0xc7: {  	v1 =	vmul.f32 v1, v3;
	v3 =	vmul.f32 v4, v3  }
0xc8: {  	[tilespmem:s4+$0xFFFFFFD0] =	vst v0  }
0xc9: {  	v0 =	vld [tilespmem:s1+$0xFFFFFEF0];
	[tilespmem:s4+$0xFFFFFFE0] =	vst v2  }
0xca: {  	v2 =	vld [tilespmem:s1+$0xFFFFFF00];
	[tilespmem:s4+$0x0] =	vst v3  }
0xcb: {  	s16 =	sshra.s32 s10, $0x2;
	v3 =	vld [tilespmem:s1+$0xFFFFFED0];
	[tilespmem:s4+$0xFFFFFFF0] =	vst v1;
	s4 =	smov.u32 s1  }
0xcc: {  	v1 =	vld [tilespmem:s16+$0x2FD0]  }
0xcd: {  	v4 =	vld [tilespmem:s1+$0xFFFFFEE0];
	_ =	sdelay $0x3  }
0xce: {  	v3 =	vmul.f32 v3, v1;
	v2 =	vmul.f32 v2, v1  }
0xcf: {  	v0 =	vmul.f32 v0, v1;
	v4 =	vmul.f32 v4, v1  }
0xd0: {  	[tilespmem:s1+$0xFFFFFF00] =	vst v2  }
0xd1: {  	[tilespmem:s1+$0xFFFFFED0] =	vst v3;
	v1 =	vld [tilespmem:s1+$0xFFFFFF40]  }
0xd2: {  	[tilespmem:s1+$0xFFFFFEE0] =	vst v4;
	v2 =	vld [tilespmem:s1+$0xFFFFFF20]  }
0xd3: {  	[tilespmem:s1+$0xFFFFFEF0] =	vst v0;
	v0 =	vld [tilespmem:s1+$0xFFFFFF10]  }
0xd4: {  	v3 =	vld [tilespmem:s16+$0x2FE0]  }
0xd5: {  	v4 =	vld [tilespmem:s1+$0xFFFFFF30];
	_ =	sdelay $0x3  }
0xd6: {  	v0 =	vmul.f32 v0, v3;
	v2 =	vmul.f32 v2, v3  }
0xd7: {  	v1 =	vmul.f32 v1, v3;
	v4 =	vmul.f32 v4, v3  }
0xd8: {  	[tilespmem:s1+$0xFFFFFF10] =	vst v0  }
0xd9: {  	[tilespmem:s1+$0xFFFFFF20] =	vst v2;
	v0 =	vld [tilespmem:s1+$0xFFFFFF80]  }
0xda: {  	[tilespmem:s1+$0xFFFFFF40] =	vst v1;
	v1 =	vld [tilespmem:s1+$0xFFFFFF60]  }
0xdb: {  	[tilespmem:s1+$0xFFFFFF30] =	vst v4;
	v2 =	vld [tilespmem:s1+$0xFFFFFF50]  }
0xdc: {  	v3 =	vld [tilespmem:s16+$0x2FF0]  }
0xdd: {  	v4 =	vld [tilespmem:s1+$0xFFFFFF70];
	_ =	sdelay $0x3  }
0xde: {  	v2 =	vmul.f32 v2, v3;
	v1 =	vmul.f32 v1, v3  }
0xdf: {  	v0 =	vmul.f32 v0, v3;
	v4 =	vmul.f32 v4, v3  }
0xe0: {  	[tilespmem:s1+$0xFFFFFF50] =	vst v2  }
0xe1: {  	[tilespmem:s1+$0xFFFFFF80] =	vst v0;
	v3 =	vld [tilespmem:s1+$0xFFFFFF90]  }
0xe2: {  	[tilespmem:s1+$0xFFFFFF60] =	vst v1;
	v1 =	vld [tilespmem:s1+$0xFFFFFFC0]  }
0xe3: {  	[tilespmem:s1+$0xFFFFFF70] =	vst v4;
	v5 =	vld [tilespmem:s1+$0xFFFFFFA0]  }
0xe4: {  	v0 =	vld [tilespmem:s16+$0x3000]  }
.Ltmp1:
0xe5: {  	v2 =	vld [tilespmem:s1+$0xFFFFFFB0];
	(pc) =	sbr.rel @p0 .LBB2_5-.Ltmp1, $2  }
0xe6: {  	_ =	sdelay $0x2  }
0xe7: {  	v4 =	vmul.f32 v3, v0;
	v3 =	vmul.f32 v5, v0  }
0xe8: {  	_ = 	snop  }
0xe9: {  	v1 =	vmul.f32 v1, v0;
	[tilespmem:s4+$0xFFFFFF90] =	vst v4  }
0xea: {  	v60 =	vmul.f32 v2, v0;
	[tilespmem:s4+$0xFFFFFFA0] =	vst v3  }
0xeb: {  	[tilespmem:s4+$0xFFFFFFC0] =	vst v1  }
0xec: {  	v61 =	vld [tilespmem:s4+$0xFFFFFFD0];
	[tilespmem:s4+$0xFFFFFFB0] =	vst v60  }
0xed: {  	v0 =	vld [tilespmem:s16+$0x3010]  }
0xee: {  	v62 =	vld [tilespmem:s4+$0xFFFFFFE0]  }
0xef: {  	v63 =	vld [tilespmem:s4+$0x0]  }
0xf0: {  	v59 =	vld [tilespmem:s4+$0xFFFFFFF0];
	_ =	sdelay $0x1  }
0xf1: {  	v1 =	vmul.f32 v61, v0  }
0xf2: {  	v2 =	vmul.f32 v62, v0  }
0xf3: {  	v4 =	vmul.f32 v63, v0;
	[tilespmem:s4+$0xFFFFFFD0] =	vst v1  }
0xf4: {  	v0 =	vmul.f32 v59, v0;
	[tilespmem:s4+$0xFFFFFFE0] =	vst v2  }
0xf5: {  	[tilespmem:s4+$0x0] =	vst v4  }
0xf6: {  	s0 =	sadd.s32 $0x1400, s0;
	s31 =	sadd.s32 $0x1, s31;
	[tilespmem:s4+$0xFFFFFFF0] =	vst v0  }
0xf7: {  	[spmem:s2] =	stream.indirect.scatter.add.f32 [tilespmem:s21], [sflag:$0x6], $0x40, s0, s19, $0xb8;
	[tilespmem:$0x1B620] =	vst v63  }
0xf8: {  	p0 =	sne.s32 s31, $0x14;
	_ =	swait.ge [sflag:s28], $0x1F40  }
.Ltmp2:
0xf9: {  	[sflag:s28] =	ssyncset.done $0x0;
	(pc) =	sbr.rel @p0 .LBB2_2-.Ltmp2, $4  }
0xfa: {  	[sflag:s28] =	ssyncadd.s32 $0xFFFFE0C0  }
0xfb: {  	_ =	swait.ge [sflag:s29], $0x1F40  }
0xfc: {  	[sflag:s29] =	ssyncset.done $0x0  }
0xfd: {  	[sflag:s29] =	ssyncadd.s32 $0xFFFFE0C0  }
0xfe: {  	s30 =	sadd.s32 $0x1, s30  }
0xff: {  	p0 =	sne.s32 s30, s12  }
.Ltmp3:
0x100: {  	[bflag:$0x0] =	sbarrier.arrive $0xFFFF;
	(pc) =	sbr.rel @p0 .LBB2_1-.Ltmp3, $4  }
0x101: {  	[hbm:s24], [sflag:s8] =	dma.local [spmem:s13], $0x1400  }
0x102: {  	_ =	swait.ge [sflag:s14], $0x1400  }
0x103: {  	[sflag:s14] =	ssyncset.done $0x0  }
0x104: {  	[sflag:s14] =	ssyncadd.s32 $0xFFFFEC00  }
0x105: {  	_ =	sfence.sel $0x180000  }
0x106: {  	[bflag:$0x0] =	sbarrier.arrive $0xFFFF  }
0x107: {  	_ =	strace $0x90000047  }
0x108: {  	s0 =	stileid.u32;
	[bflag:$0x2] =	sbarrier.arrive $0xFFFF  }
0x109: {  	p0 =	sne.s32 s0, $0x0;
	s0 =	rddreg [dreg:$0x3]  }
0x10a: {  	s0 =	sadd.s32 @!p0 $0x100000, s0  }
0x10b: {  	[sflag:s0] =	ssyncadd.tile.s32 @!p0 $0x1;
	_ =	shalt  }
.Lfunc_end2:
_tile_overlayer_lowered:
.L_overlay_start_2:
0x10c: {  	(tag) =	ssettag $0x2  }
0x10d: {  	s0 =	rddreg [dreg:$0x0];
	s2 =	stileid.u32  }
0x10e: {  	s1 =	rddreg [dreg:$0x1];
	p0 =	sne.s32 s2, $0x0  }
0x10f: {  	s3 =	rddreg [dreg:$0x2];
	[bflag:$0x3] =	sbarrier.arrive $0xFFFF;
	s2 =	simm.s32 @!p0 $0x1C07  }
0x110: {  	[timem:s3], [sflag:s2] =	dma.local @!p0 [hbm:s0], s1  }
0x111: {  	s0 =	simm.s32 @!p0 $0x7  }
0x112: {  	_ =	swait.ge @!p0 [sflag:s0], s1  }
0x113: {  	s1 =	ssub.s32 @!p0 $0x0, s1;
	[sflag:s0] =	ssyncset.done @!p0 $0x0  }
0x114: {  	[sflag:s0] =	ssyncadd.s32 @!p0 s1  }
0x115: {  	[bflag:$0x3] =	sbarrier.arrive $0xFFFF  }
0x116: {  	_ =	shalt  }

</sc_bundles>
